<compile_context>
chip_gen: v7x
topology: tpu7x:2x2x1
jax: 0.10.2.dev20260603
libtpu: 0.0.44.dev20260713+nightly
codegen_flags: <defaults>
</compile_context>

<pallas_src>
import functools

import jax
import jax.numpy as jnp
from jax import lax
from jax.experimental import pallas as pl
from jax.experimental.pallas import tpu as pltpu
from jax.experimental.pallas import tpu_sc as plsc

N = 10000
NP = 10112
E = 320000
F = 128
C = 40
EPS_ = 1e-5

N_CORE = 2
N_SUB = 16
CHUNK = 80
EDGES_PER_W = E // (N_CORE * N_SUB)
STEPS = EDGES_PER_W // CHUNK
ROWS_PER_TILE = NP // N_SUB

RB = 1264
GRID = NP // RB


def _mesh():
    return plsc.VectorSubcoreMesh(core_axis_name="c", subcore_axis_name="s")



@functools.partial(
    pl.kernel,
    out_type=jax.ShapeDtypeStruct((N_CORE, NP, F), jnp.float32),
    mesh=_mesh(),
    scratch_types=[
        pltpu.VMEM_SHARED((NP, F), jnp.float32),
        pltpu.VMEM((EDGES_PER_W,), jnp.int32),
        pltpu.VMEM((CHUNK,), jnp.int32),
        pltpu.VMEM((CHUNK,), jnp.int32),
        pltpu.VMEM((CHUNK, F), jnp.float32),
        pltpu.SemaphoreType.DMA,
        pltpu.SemaphoreType.DMA,
    ],
)
def _count(dst_hbm, zeros_hbm, out_hbm,
           cnt_sp, dst_all, dst0, dst1, ones_v, ss0, ss1):
    c = lax.axis_index("c")
    s = lax.axis_index("s")
    base_row = s * ROWS_PER_TILE
    ebase = (c * N_SUB + s) * EDGES_PER_W
    pltpu.sync_copy(dst_hbm.at[pl.ds(ebase, EDGES_PER_W)], dst_all)
    pltpu.sync_copy(zeros_hbm, cnt_sp.at[pl.ds(base_row, ROWS_PER_TILE)])

    def fill_ones(r, carry):
        for i in range(F // 16):
            ones_v[r, pl.ds(i * 16, 16)] = jnp.ones((16,), jnp.float32)
        return carry

    lax.fori_loop(0, CHUNK, fill_ones, 0)
    plsc.subcore_barrier()

    dsts = (dst0, dst1)
    sss = (ss0, ss1)

    def load_idx(b, j):
        for i in range(CHUNK // 16):
            dsts[b][pl.ds(i * 16, 16)] = dst_all[pl.ds(j * CHUNK + i * 16, 16)]

    def start_scatter(b):
        pltpu.async_copy(ones_v, cnt_sp.at[dsts[b]], sss[b], add=True)

    def wait_scatter(b):
        pltpu.make_async_copy(ones_v, cnt_sp.at[dsts[b]], sss[b]).wait()

    def stage(b, j):
        @pl.when(j < STEPS)
        def _():
            @pl.when(j >= 2)
            def _():
                wait_scatter(b)
            load_idx(b, j)
            start_scatter(b)

    def body(k, carry):
        stage(0, 2 * k)
        stage(1, 2 * k + 1)
        return carry

    lax.fori_loop(0, (STEPS + 1) // 2, body, 0)
    wait_scatter(0)
    wait_scatter(1)
    plsc.subcore_barrier()
    pltpu.sync_copy(cnt_sp.at[pl.ds(base_row, ROWS_PER_TILE)],
                    out_hbm.at[c, pl.ds(base_row, ROWS_PER_TILE)])



@functools.partial(
    pl.kernel,
    out_type=jax.ShapeDtypeStruct((N_CORE, NP, F), jnp.float32),
    mesh=_mesh(),
    scratch_types=[
        pltpu.VMEM_SHARED((NP, F), jnp.float32),
        pltpu.VMEM((EDGES_PER_W,), jnp.int32),
        pltpu.VMEM((EDGES_PER_W,), jnp.int32),
        pltpu.VMEM((CHUNK,), jnp.int32),
        pltpu.VMEM((CHUNK,), jnp.int32),
        pltpu.VMEM((CHUNK, F), jnp.float32),
        pltpu.VMEM((CHUNK, F), jnp.float32),
        pltpu.SemaphoreType.DMA,
        pltpu.SemaphoreType.DMA,
        pltpu.SemaphoreType.DMA,
        pltpu.SemaphoreType.DMA,
    ],
)
def _mp(u_hbm, src_hbm, dst_hbm, zeros_hbm, out_hbm,
        acc_sp, src_all, dst_all, dst0, dst1, rows0, rows1,
        sg0, sg1, ss0, ss1):
    c = lax.axis_index("c")
    s = lax.axis_index("s")
    base_row = s * ROWS_PER_TILE
    ebase = (c * N_SUB + s) * EDGES_PER_W
    pltpu.sync_copy(src_hbm.at[pl.ds(ebase, EDGES_PER_W)], src_all)
    pltpu.sync_copy(dst_hbm.at[pl.ds(ebase, EDGES_PER_W)], dst_all)
    pltpu.sync_copy(zeros_hbm, acc_sp.at[pl.ds(base_row, ROWS_PER_TILE)])
    plsc.subcore_barrier()

    dsts = (dst0, dst1)
    rows = (rows0, rows1)
    sgs = (sg0, sg1)
    sss = (ss0, ss1)

    def load_idx(b, j):
        for i in range(CHUNK // 16):
            dsts[b][pl.ds(i * 16, 16)] = dst_all[pl.ds(j * CHUNK + i * 16, 16)]

    def start_gather(b, j):
        pltpu.async_copy(u_hbm.at[src_all.at[pl.ds(j * CHUNK, CHUNK)]],
                         rows[b], sgs[b])

    def wait_gather(b, j):
        pltpu.make_async_copy(u_hbm.at[src_all.at[pl.ds(j * CHUNK, CHUNK)]],
                              rows[b], sgs[b]).wait()

    def start_scatter(b):
        pltpu.async_copy(rows[b], acc_sp.at[dsts[b]], sss[b], add=True)

    def wait_scatter(b):
        pltpu.make_async_copy(rows[b], acc_sp.at[dsts[b]], sss[b]).wait()

    load_idx(0, 0)
    start_gather(0, 0)

    def body(k, carry):
        j0 = 2 * k

        wait_gather(0, j0)
        start_scatter(0)

        @pl.when(j0 + 1 < STEPS)
        def _():
            @pl.when(j0 >= 1)
            def _():
                wait_scatter(1)
            load_idx(1, j0 + 1)
            start_gather(1, j0 + 1)

        j1 = 2 * k + 1

        @pl.when(j1 < STEPS)
        def _():
            wait_gather(1, j1)
            start_scatter(1)

            @pl.when(j1 + 1 < STEPS)
            def _():
                wait_scatter(0)
                load_idx(0, j1 + 1)
                start_gather(0, j1 + 1)

        return carry

    lax.fori_loop(0, (STEPS + 1) // 2, body, 0)
    wait_scatter(0)
    wait_scatter(1)
    plsc.subcore_barrier()
    pltpu.sync_copy(acc_sp.at[pl.ds(base_row, ROWS_PER_TILE)],
                    out_hbm.at[c, pl.ds(base_row, ROWS_PER_TILE)])



def _dot(a, b):
    return jnp.dot(a, b, preferred_element_type=jnp.float32,
                   precision=lax.Precision.HIGHEST)


def _first_body(x_ref, w_ref, cnt_ref, t_ref, u_ref, dinv_ref):
    deg = 1.0 + cnt_ref[0, :, 0:1] + cnt_ref[1, :, 0:1]
    dinv = lax.rsqrt(deg)
    t = _dot(x_ref[...], w_ref[...])
    t_ref[...] = t
    u_ref[...] = t * dinv
    dinv_ref[...] = dinv


_tc_first = pl.pallas_call(
    _first_body,
    grid=(GRID,),
    in_specs=[
        pl.BlockSpec((RB, F), lambda i: (i, 0)),
        pl.BlockSpec((F, F), lambda i: (0, 0)),
        pl.BlockSpec((N_CORE, RB, F), lambda i: (0, i, 0)),
    ],
    out_specs=[
        pl.BlockSpec((RB, F), lambda i: (i, 0)),
        pl.BlockSpec((RB, F), lambda i: (i, 0)),
        pl.BlockSpec((RB, 1), lambda i: (i, 0)),
    ],
    out_shape=[
        jax.ShapeDtypeStruct((NP, F), jnp.float32),
        jax.ShapeDtypeStruct((NP, F), jnp.float32),
        jax.ShapeDtypeStruct((NP, 1), jnp.float32),
    ],
)


def _layer_head(acc_ref, tp_ref, dinv_ref, b_ref, gs_ref, be_ref):
    dinv = dinv_ref[...]
    conv = dinv * (acc_ref[0] + acc_ref[1]) + (dinv * dinv) * tp_ref[...] \
        + b_ref[...]
    return jnp.maximum(conv * gs_ref[...] + be_ref[...], 0.0)


def _mid_body(acc_ref, tp_ref, dinv_ref, b_ref, gs_ref, be_ref, w_ref,
              t_ref, u_ref):
    h = _layer_head(acc_ref, tp_ref, dinv_ref, b_ref, gs_ref, be_ref)
    t = _dot(h, w_ref[...])
    t_ref[...] = t
    u_ref[...] = t * dinv_ref[...]


_tc_mid = pl.pallas_call(
    _mid_body,
    grid=(GRID,),
    in_specs=[
        pl.BlockSpec((N_CORE, RB, F), lambda i: (0, i, 0)),
        pl.BlockSpec((RB, F), lambda i: (i, 0)),
        pl.BlockSpec((RB, 1), lambda i: (i, 0)),
        pl.BlockSpec((1, F), lambda i: (0, 0)),
        pl.BlockSpec((1, F), lambda i: (0, 0)),
        pl.BlockSpec((1, F), lambda i: (0, 0)),
        pl.BlockSpec((F, F), lambda i: (0, 0)),
    ],
    out_specs=[
        pl.BlockSpec((RB, F), lambda i: (i, 0)),
        pl.BlockSpec((RB, F), lambda i: (i, 0)),
    ],
    out_shape=[
        jax.ShapeDtypeStruct((NP, F), jnp.float32),
        jax.ShapeDtypeStruct((NP, F), jnp.float32),
    ],
)


def _last_body(acc_ref, tp_ref, dinv_ref, b_ref, gs_ref, be_ref, wo_ref,
               bo_ref, out_ref):
    h = _layer_head(acc_ref, tp_ref, dinv_ref, b_ref, gs_ref, be_ref)
    out_ref[...] = _dot(h, wo_ref[...]) + bo_ref[...]


_tc_last = pl.pallas_call(
    _last_body,
    grid=(GRID,),
    in_specs=[
        pl.BlockSpec((N_CORE, RB, F), lambda i: (0, i, 0)),
        pl.BlockSpec((RB, F), lambda i: (i, 0)),
        pl.BlockSpec((RB, 1), lambda i: (i, 0)),
        pl.BlockSpec((1, F), lambda i: (0, 0)),
        pl.BlockSpec((1, F), lambda i: (0, 0)),
        pl.BlockSpec((1, F), lambda i: (0, 0)),
        pl.BlockSpec((F, C), lambda i: (0, 0)),
        pl.BlockSpec((1, C), lambda i: (0, 0)),
    ],
    out_specs=pl.BlockSpec((RB, C), lambda i: (i, 0)),
    out_shape=jax.ShapeDtypeStruct((NP, C), jnp.float32),
)



@jax.jit
def kernel(x, edge_index, W1, b1, g1, be1, W2, b2, g2, be2,
           W3, b3, g3, be3, W4, b4, g4, be4, Wo, bo):
    src = edge_index[0]
    dst = edge_index[1]
    xp = jnp.pad(x, ((0, NP - N), (0, 0)))
    bn_s = 1.0 / jnp.sqrt(jnp.float32(1.0 + EPS_))

    zeros_f = jnp.zeros((ROWS_PER_TILE, F), jnp.float32)

    cnt = _count(dst, zeros_f)
    t1, u1, dinv = _tc_first(xp, W1, cnt)

    def prep(b, g, be):
        return b.reshape(1, F), (g * bn_s).reshape(1, F), be.reshape(1, F)

    acc = _mp(u1, src, dst, zeros_f)
    t2, u2 = _tc_mid(acc, t1, dinv, *prep(b1, g1, be1), W2)
    acc = _mp(u2, src, dst, zeros_f)
    t3, u3 = _tc_mid(acc, t2, dinv, *prep(b2, g2, be2), W3)
    acc = _mp(u3, src, dst, zeros_f)
    t4, u4 = _tc_mid(acc, t3, dinv, *prep(b3, g3, be3), W4)
    acc = _mp(u4, src, dst, zeros_f)
    out = _tc_last(acc, t4, dinv, *prep(b4, g4, be4), Wo, bo.reshape(1, C))
    return out[:N]

# --- scband reference (transcript-rebuilt; emitter-appended) ---
"""Pipeline reference for scband-gcn-75874892251588 (READ-ONLY COPY).

The authoritative reference and input builder live on the scoring server;
editing this copy changes nothing except your own understanding.
"""

import jax, jax.numpy as jnp
import numpy as np

N = 10000
E = 320000
F_IN = 128
H = 128
C = 40
EPS = 1e-5


def setup_inputs(seed: int = 0) -> dict:
    key = jax.random.key(seed)
    ks = jax.random.split(key, 24)
    x = jax.random.normal(ks[0], (N, F_IN), dtype=jnp.float32)
    edge_index = jax.random.randint(ks[1], (2, E), 0, N, dtype=jnp.int32)

    def glorot(k, fan_in, fan_out):
        lim = np.sqrt(6.0 / (fan_in + fan_out))
        return jax.random.uniform(k, (fan_in, fan_out), dtype=jnp.float32, minval=-lim, maxval=lim)

    inp = {
        'x': x,
        'edge_index': edge_index,
        'W1': glorot(ks[2], F_IN, H), 'b1': jnp.zeros((H,), jnp.float32),
        'g1': jnp.ones((H,), jnp.float32), 'be1': jnp.zeros((H,), jnp.float32),
        'W2': glorot(ks[3], H, H), 'b2': jnp.zeros((H,), jnp.float32),
        'g2': jnp.ones((H,), jnp.float32), 'be2': jnp.zeros((H,), jnp.float32),
        'W3': glorot(ks[4], H, H), 'b3': jnp.zeros((H,), jnp.float32),
        'g3': jnp.ones((H,), jnp.float32), 'be3': jnp.zeros((H,), jnp.float32),
        'W4': glorot(ks[5], H, H), 'b4': jnp.zeros((H,), jnp.float32),
        'g4': jnp.ones((H,), jnp.float32), 'be4': jnp.zeros((H,), jnp.float32),
        'Wo': glorot(ks[6], H, C), 'bo': jnp.zeros((C,), jnp.float32),
    }
    return inp


def reference(x, edge_index, W1, b1, g1, be1, W2, b2, g2, be2, W3, b3, g3, be3, W4, b4, g4, be4, Wo, bo):
    n = x.shape[0]
    self_loops = jnp.arange(n, dtype=edge_index.dtype)
    src = jnp.concatenate([edge_index[0], self_loops])
    dst = jnp.concatenate([edge_index[1], self_loops])
    deg = jax.ops.segment_sum(jnp.ones(src.shape[0], dtype=x.dtype), dst, num_segments=n)
    dinv = jnp.where(deg > 0, deg ** -0.5, 0.0)
    norm = dinv[src] * dinv[dst]

    def conv(h, W, b):
        h = h @ W
        msg = jnp.take(h, src, axis=0) * norm[:, None]
        return jax.ops.segment_sum(msg, dst, num_segments=n) + b

    def bn_eval(h, g, be):
        # eval-mode BatchNorm1d with freshly-initialized running stats (mean=0, var=1)
        return h / jnp.sqrt(1.0 + EPS) * g + be

    h = jax.nn.relu(bn_eval(conv(x, W1, b1), g1, be1))
    h = jax.nn.relu(bn_eval(conv(h, W2, b2), g2, be2))
    h = jax.nn.relu(bn_eval(conv(h, W3, b3), g3, be3))
    h = jax.nn.relu(bn_eval(conv(h, W4, b4), g4, be4))
    return h @ Wo + bo

if __name__ == "__main__":
    import jax
    _d = setup_inputs()
    print(jax.jit(kernel)(*tuple(_d.values())))

</pallas_src>

<mosaic_0001>
#map = affine_map<(d0, d1) -> (0, 0)>
#map1 = affine_map<(d0, d1) -> (0)>
#map2 = affine_map<(d0, d1) -> (0, 0, 0)>
module attributes {stable_mosaic.version = 14 : i64} {
  func.func @_mp(%arg0: i32, %arg1: i32, %arg2: memref<10112x128xf32, #tpu.memory_space<hbm>>, %arg3: memref<320000xi32, #tpu.memory_space<hbm>>, %arg4: memref<320000xi32, #tpu.memory_space<hbm>>, %arg5: memref<632x128xf32, #tpu.memory_space<hbm>>, %arg6: memref<2x10112x128xf32, #tpu.memory_space<hbm>>, %arg7: memref<10112x128xf32, #tpu.memory_space<vmem_shared>>, %arg8: memref<10000xi32, #tpu.memory_space<vmem>>, %arg9: memref<10000xi32, #tpu.memory_space<vmem>>, %arg10: memref<80xi32, #tpu.memory_space<vmem>>, %arg11: memref<80xi32, #tpu.memory_space<vmem>>, %arg12: memref<80x128xf32, #tpu.memory_space<vmem>>, %arg13: memref<80x128xf32, #tpu.memory_space<vmem>>, %arg14: memref<!tpu.dma_semaphore, #tpu.memory_space<semaphore_mem>>, %arg15: memref<!tpu.dma_semaphore, #tpu.memory_space<semaphore_mem>>, %arg16: memref<!tpu.dma_semaphore, #tpu.memory_space<semaphore_mem>>, %arg17: memref<!tpu.dma_semaphore, #tpu.memory_space<semaphore_mem>>) attributes {dimension_semantics = [#tpu.dimension_semantics<core_parallel>, #tpu.dimension_semantics<subcore_parallel>], iteration_bounds = array<i64: 2, 16>, scalar_prefetch = 0 : i64, scratch_operands = 11 : i64, tpu.core_type = #tpu.core_type<sc_vector_subcore>, window_params = [{transform_indices = #map}, {transform_indices = #map1}, {transform_indices = #map1}, {transform_indices = #map}, {transform_indices = #map2}]} {
    %mul3A = arith.constant 632 : i32
    %mul3A_0 = arith.muli %arg1, %mul3A : i32
    %mul3A_1 = arith.constant 16 : i32
    %mul3A_2 = arith.muli %arg0, %mul3A_1 : i32
    %add3A = arith.addi %mul3A_2, %arg1 : i32
    %mul3A_3 = arith.constant 10000 : i32
    %mul3A_4 = arith.muli %add3A, %mul3A_3 : i32
    "tpu.region"() ({
      %run_scoped3A = tpu.sem_alloc : memref<!tpu.dma_semaphore, #tpu.memory_space<semaphore_mem>>
      %dma_start3A_53 = tpu.memref_slice %arg3[%mul3A_4] : memref<320000xi32, #tpu.memory_space<hbm>> -> memref<10000xi32, #tpu.memory_space<hbm>>
      %dma_start3A_54 = tpu.memref_slice %arg3[%mul3A_4] : memref<320000xi32, #tpu.memory_space<hbm>> -> memref<10000xi32, #tpu.memory_space<hbm>>
      tpu.enqueue_dma source(%dma_start3A_54 : memref<10000xi32, #tpu.memory_space<hbm>>) target(%arg8 : memref<10000xi32, #tpu.memory_space<vmem>>) target_semaphore(%run_scoped3A : memref<!tpu.dma_semaphore, #tpu.memory_space<semaphore_mem>>)
      %dma_wait3A_55 = tpu.memref_slice %arg3[%mul3A_4] : memref<320000xi32, #tpu.memory_space<hbm>> -> memref<10000xi32, #tpu.memory_space<hbm>>
      %dma_wait3A_56 = tpu.memref_slice %arg3[%mul3A_4] : memref<320000xi32, #tpu.memory_space<hbm>> -> memref<10000xi32, #tpu.memory_space<hbm>>
      tpu.wait_dma2 semaphore(%run_scoped3A : memref<!tpu.dma_semaphore, #tpu.memory_space<semaphore_mem>>) src(%dma_wait3A_56 : memref<10000xi32, #tpu.memory_space<hbm>>) dst(%arg8 : memref<10000xi32, #tpu.memory_space<vmem>>)
      tpu.yield
    }) : () -> ()
    "tpu.region"() ({
      %run_scoped3A = tpu.sem_alloc : memref<!tpu.dma_semaphore, #tpu.memory_space<semaphore_mem>>
      %dma_start3A_53 = tpu.memref_slice %arg4[%mul3A_4] : memref<320000xi32, #tpu.memory_space<hbm>> -> memref<10000xi32, #tpu.memory_space<hbm>>
      %dma_start3A_54 = tpu.memref_slice %arg4[%mul3A_4] : memref<320000xi32, #tpu.memory_space<hbm>> -> memref<10000xi32, #tpu.memory_space<hbm>>
      tpu.enqueue_dma source(%dma_start3A_54 : memref<10000xi32, #tpu.memory_space<hbm>>) target(%arg9 : memref<10000xi32, #tpu.memory_space<vmem>>) target_semaphore(%run_scoped3A : memref<!tpu.dma_semaphore, #tpu.memory_space<semaphore_mem>>)
      %dma_wait3A_55 = tpu.memref_slice %arg4[%mul3A_4] : memref<320000xi32, #tpu.memory_space<hbm>> -> memref<10000xi32, #tpu.memory_space<hbm>>
      %dma_wait3A_56 = tpu.memref_slice %arg4[%mul3A_4] : memref<320000xi32, #tpu.memory_space<hbm>> -> memref<10000xi32, #tpu.memory_space<hbm>>
      tpu.wait_dma2 semaphore(%run_scoped3A : memref<!tpu.dma_semaphore, #tpu.memory_space<semaphore_mem>>) src(%dma_wait3A_56 : memref<10000xi32, #tpu.memory_space<hbm>>) dst(%arg9 : memref<10000xi32, #tpu.memory_space<vmem>>)
      tpu.yield
    }) : () -> ()
    "tpu.region"() ({
      %run_scoped3A = tpu.sem_alloc : memref<!tpu.dma_semaphore, #tpu.memory_space<semaphore_mem>>
      %dma_start3A_53 = arith.constant 0 : i32
      %dma_start3A_54 = tpu.memref_slice %arg7[%mul3A_0, %dma_start3A_53] : memref<10112x128xf32, #tpu.memory_space<vmem_shared>> -> memref<632x128xf32, #tpu.memory_space<vmem_shared>>
      tpu.enqueue_dma source(%arg5 : memref<632x128xf32, #tpu.memory_space<hbm>>) target(%dma_start3A_54 : memref<632x128xf32, #tpu.memory_space<vmem_shared>>) target_semaphore(%run_scoped3A : memref<!tpu.dma_semaphore, #tpu.memory_space<semaphore_mem>>)
      %dma_wait3A_55 = arith.constant 0 : i32
      %dma_wait3A_56 = tpu.memref_slice %arg7[%mul3A_0, %dma_wait3A_55] : memref<10112x128xf32, #tpu.memory_space<vmem_shared>> -> memref<632x128xf32, #tpu.memory_space<vmem_shared>>
      tpu.wait_dma2 semaphore(%run_scoped3A : memref<!tpu.dma_semaphore, #tpu.memory_space<semaphore_mem>>) src(%arg5 : memref<632x128xf32, #tpu.memory_space<hbm>>) dst(%dma_wait3A_56 : memref<632x128xf32, #tpu.memory_space<vmem_shared>>)
      tpu.yield
    }) : () -> ()
    %barrier3A = arith.constant 0 : index
    tpu.barrier barrier_id(%barrier3A)
    %get3A = arith.constant 0 : index
    %get3A_5 = tpu.vector_load %arg9[%get3A] {strides = array<i32>} : memref<10000xi32, #tpu.memory_space<vmem>>, vector<16xi32>,
    %get3A_6 = vector.shape_cast %get3A_5 : vector<16xi32> to vector<16xi32>
    %swap3A = arith.constant 0 : index
    %swap3A_7 = tpu.vector_load %arg10[%swap3A] {strides = array<i32>} : memref<80xi32, #tpu.memory_space<vmem>>, vector<16xi32>,
    %swap3A_8 = vector.shape_cast %swap3A_7 : vector<16xi32> to vector<16xi32>
    %swap3A_9 = vector.shape_cast %get3A_6 : vector<16xi32> to vector<16xi32>
    tpu.vector_store %arg10[%swap3A], %swap3A_9 {strides = array<i32>} : memref<80xi32, #tpu.memory_space<vmem>>, vector<16xi32>,
    %get3A_10 = arith.constant 16 : index
    %get3A_11 = tpu.vector_load %arg9[%get3A_10] {strides = array<i32>} : memref<10000xi32, #tpu.memory_space<vmem>>, vector<16xi32>,
    %get3A_12 = vector.shape_cast %get3A_11 : vector<16xi32> to vector<16xi32>
    %swap3A_13 = arith.constant 16 : index
    %swap3A_14 = tpu.vector_load %arg10[%swap3A_13] {strides = array<i32>} : memref<80xi32, #tpu.memory_space<vmem>>, vector<16xi32>,
    %swap3A_15 = vector.shape_cast %swap3A_14 : vector<16xi32> to vector<16xi32>
    %swap3A_16 = vector.shape_cast %get3A_12 : vector<16xi32> to vector<16xi32>
    tpu.vector_store %arg10[%swap3A_13], %swap3A_16 {strides = array<i32>} : memref<80xi32, #tpu.memory_space<vmem>>, vector<16xi32>,
    %get3A_17 = arith.constant 32 : index
    %get3A_18 = tpu.vector_load %arg9[%get3A_17] {strides = array<i32>} : memref<10000xi32, #tpu.memory_space<vmem>>, vector<16xi32>,
    %get3A_19 = vector.shape_cast %get3A_18 : vector<16xi32> to vector<16xi32>
    %swap3A_20 = arith.constant 32 : index
    %swap3A_21 = tpu.vector_load %arg10[%swap3A_20] {strides = array<i32>} : memref<80xi32, #tpu.memory_space<vmem>>, vector<16xi32>,
    %swap3A_22 = vector.shape_cast %swap3A_21 : vector<16xi32> to vector<16xi32>
    %swap3A_23 = vector.shape_cast %get3A_19 : vector<16xi32> to vector<16xi32>
    tpu.vector_store %arg10[%swap3A_20], %swap3A_23 {strides = array<i32>} : memref<80xi32, #tpu.memory_space<vmem>>, vector<16xi32>,
    %get3A_24 = arith.constant 48 : index
    %get3A_25 = tpu.vector_load %arg9[%get3A_24] {strides = array<i32>} : memref<10000xi32, #tpu.memory_space<vmem>>, vector<16xi32>,
    %get3A_26 = vector.shape_cast %get3A_25 : vector<16xi32> to vector<16xi32>
    %swap3A_27 = arith.constant 48 : index
    %swap3A_28 = tpu.vector_load %arg10[%swap3A_27] {strides = array<i32>} : memref<80xi32, #tpu.memory_space<vmem>>, vector<16xi32>,
    %swap3A_29 = vector.shape_cast %swap3A_28 : vector<16xi32> to vector<16xi32>
    %swap3A_30 = vector.shape_cast %get3A_26 : vector<16xi32> to vector<16xi32>
    tpu.vector_store %arg10[%swap3A_27], %swap3A_30 {strides = array<i32>} : memref<80xi32, #tpu.memory_space<vmem>>, vector<16xi32>,
    %get3A_31 = arith.constant 64 : index
    %get3A_32 = tpu.vector_load %arg9[%get3A_31] {strides = array<i32>} : memref<10000xi32, #tpu.memory_space<vmem>>, vector<16xi32>,
    %get3A_33 = vector.shape_cast %get3A_32 : vector<16xi32> to vector<16xi32>
    %swap3A_34 = arith.constant 64 : index
    %swap3A_35 = tpu.vector_load %arg10[%swap3A_34] {strides = array<i32>} : memref<80xi32, #tpu.memory_space<vmem>>, vector<16xi32>,
    %swap3A_36 = vector.shape_cast %swap3A_35 : vector<16xi32> to vector<16xi32>
    %swap3A_37 = vector.shape_cast %get3A_33 : vector<16xi32> to vector<16xi32>
    tpu.vector_store %arg10[%swap3A_34], %swap3A_37 {strides = array<i32>} : memref<80xi32, #tpu.memory_space<vmem>>, vector<16xi32>,
    %dma_start3A = arith.constant 0 : i32
    %dma_start3A_38 = tpu.memref_slice %arg8[%dma_start3A] : memref<10000xi32, #tpu.memory_space<vmem>> -> memref<80xi32, #tpu.memory_space<vmem>>
    %dma_start3A_39 = arith.constant 0 : i32
    %dma_start3A_40 = arith.constant 0 : i32
    %dma_start3A_41 = tpu.memref_slice %arg2[%dma_start3A_39, %dma_start3A_40] : memref<10112x128xf32, #tpu.memory_space<hbm>> -> memref<10112x128xf32, #tpu.memory_space<hbm>>
    tpu.enqueue_indirect_dma source(%dma_start3A_41 : memref<10112x128xf32, #tpu.memory_space<hbm>>) target(%arg12 : memref<80x128xf32, #tpu.memory_space<vmem>>) offsets(%dma_start3A_38 : memref<80xi32, #tpu.memory_space<vmem>>) semaphore(%arg14 : memref<!tpu.dma_semaphore, #tpu.memory_space<semaphore_mem>>)
    %scan3A = arith.constant 0 : i32
    %scan3A_42 = arith.constant 0 : i32
    %scan3A_43 = arith.constant 63 : i32
    %scan3A_44 = arith.addi %scan3A_42, %scan3A_43 : i32
    %scan3A_45 = arith.constant 1 : i32
    scf.for %scan3A_53 = %scan3A_42 to %scan3A_44 step %scan3A_45  : i32 {
      %mul3A_54 = arith.constant 2 : i32
      %mul3A_55 = arith.muli %mul3A_54, %scan3A_53 : i32
      %mul3A_56 = arith.constant 80 : i32
      %mul3A_57 = arith.muli %mul3A_55, %mul3A_56 : i32
      %dma_wait3A_58 = tpu.memref_slice %arg8[%mul3A_57] : memref<10000xi32, #tpu.memory_space<vmem>> -> memref<80xi32, #tpu.memory_space<vmem>>
      %dma_wait3A_59 = arith.constant 0 : i32
      %dma_wait3A_60 = arith.constant 0 : i32
      %dma_wait3A_61 = tpu.memref_slice %arg2[%dma_wait3A_59, %dma_wait3A_60] : memref<10112x128xf32, #tpu.memory_space<hbm>> -> memref<10112x128xf32, #tpu.memory_space<hbm>>
      tpu.wait_indirect_dma semaphore(%arg14 : memref<!tpu.dma_semaphore, #tpu.memory_space<semaphore_mem>>) src(%dma_wait3A_61 : memref<10112x128xf32, #tpu.memory_space<hbm>>) dst(%arg12 : memref<80x128xf32, #tpu.memory_space<vmem>>)
      %dma_start3A_62 = arith.constant 0 : i32
      %dma_start3A_63 = arith.constant 0 : i32
      %dma_start3A_64 = tpu.memref_slice %arg7[%dma_start3A_62, %dma_start3A_63] : memref<10112x128xf32, #tpu.memory_space<vmem_shared>> -> memref<10112x128xf32, #tpu.memory_space<vmem_shared>>
      tpu.enqueue_indirect_dma source(%arg12 : memref<80x128xf32, #tpu.memory_space<vmem>>) target(%dma_start3A_64 : memref<10112x128xf32, #tpu.memory_space<vmem_shared>>) offsets(%arg10 : memref<80xi32, #tpu.memory_space<vmem>>) semaphore(%arg16 : memref<!tpu.dma_semaphore, #tpu.memory_space<semaphore_mem>>) {add = true}
      %add3A_65 = arith.constant 1 : i32
      %add3A_66 = arith.addi %mul3A_55, %add3A_65 : i32
      %lt3A = arith.constant 125 : i32
      %lt3A_67 = arith.cmpi slt, %add3A_66, %lt3A : i32
      %convert_element_type3A = arith.extui %lt3A_67 : i1 to i32
      %cond3A = arith.constant 0 : i32
      %cond3A_68 = arith.cmpi ne, %convert_element_type3A, %cond3A : i32
      scf.if %cond3A_68 {
        %ge3A = arith.constant 1 : i32
        %ge3A_78 = arith.cmpi sge, %mul3A_55, %ge3A : i32
        %convert_element_type3A_79 = arith.extui %ge3A_78 : i1 to i32
        %cond3A_80 = arith.constant 0 : i32
        %cond3A_81 = arith.cmpi ne, %convert_element_type3A_79, %cond3A_80 : i32
        scf.if %cond3A_81 {
          %dma_wait3A_147 = arith.constant 0 : i32
          %dma_wait3A_148 = arith.constant 0 : i32
          %dma_wait3A_149 = tpu.memref_slice %arg7[%dma_wait3A_147, %dma_wait3A_148] : memref<10112x128xf32, #tpu.memory_space<vmem_shared>> -> memref<10112x128xf32, #tpu.memory_space<vmem_shared>>
          tpu.wait_indirect_dma semaphore(%arg17 : memref<!tpu.dma_semaphore, #tpu.memory_space<semaphore_mem>>) src(%arg13 : memref<80x128xf32, #tpu.memory_space<vmem>>) dst(%dma_wait3A_149 : memref<10112x128xf32, #tpu.memory_space<vmem_shared>>)
        } else {
        }
        %add3A_82 = arith.constant 1 : i32
        %add3A_83 = arith.addi %mul3A_55, %add3A_82 : i32
        %mul3A_84 = arith.constant 80 : i32
        %mul3A_85 = arith.muli %add3A_83, %mul3A_84 : i32
        %add3A_86 = arith.constant 0 : i32
        %add3A_87 = arith.addi %mul3A_85, %add3A_86 : i32
        %get3A_88 = arith.index_cast %add3A_87 : i32 to index
        %get3A_89 = tpu.vector_load %arg9[%get3A_88] {strides = array<i32>} : memref<10000xi32, #tpu.memory_space<vmem>>, vector<16xi32>,
        %get3A_90 = vector.shape_cast %get3A_89 : vector<16xi32> to vector<16xi32>
        %swap3A_91 = arith.constant 0 : index
        %swap3A_92 = tpu.vector_load %arg11[%swap3A_91] {strides = array<i32>} : memref<80xi32, #tpu.memory_space<vmem>>, vector<16xi32>,
        %swap3A_93 = vector.shape_cast %swap3A_92 : vector<16xi32> to vector<16xi32>
        %swap3A_94 = vector.shape_cast %get3A_90 : vector<16xi32> to vector<16xi32>
        tpu.vector_store %arg11[%swap3A_91], %swap3A_94 {strides = array<i32>} : memref<80xi32, #tpu.memory_space<vmem>>, vector<16xi32>,
        %mul3A_95 = arith.constant 80 : i32
        %mul3A_96 = arith.muli %add3A_83, %mul3A_95 : i32
        %add3A_97 = arith.constant 16 : i32
        %add3A_98 = arith.addi %mul3A_96, %add3A_97 : i32
        %get3A_99 = arith.index_cast %add3A_98 : i32 to index
        %get3A_100 = tpu.vector_load %arg9[%get3A_99] {strides = array<i32>} : memref<10000xi32, #tpu.memory_space<vmem>>, vector<16xi32>,
        %get3A_101 = vector.shape_cast %get3A_100 : vector<16xi32> to vector<16xi32>
        %swap3A_102 = arith.constant 16 : index
        %swap3A_103 = tpu.vector_load %arg11[%swap3A_102] {strides = array<i32>} : memref<80xi32, #tpu.memory_space<vmem>>, vector<16xi32>,
        %swap3A_104 = vector.shape_cast %swap3A_103 : vector<16xi32> to vector<16xi32>
        %swap3A_105 = vector.shape_cast %get3A_101 : vector<16xi32> to vector<16xi32>
        tpu.vector_store %arg11[%swap3A_102], %swap3A_105 {strides = array<i32>} : memref<80xi32, #tpu.memory_space<vmem>>, vector<16xi32>,
        %mul3A_106 = arith.constant 80 : i32
        %mul3A_107 = arith.muli %add3A_83, %mul3A_106 : i32
        %add3A_108 = arith.constant 32 : i32
        %add3A_109 = arith.addi %mul3A_107, %add3A_108 : i32
        %get3A_110 = arith.index_cast %add3A_109 : i32 to index
        %get3A_111 = tpu.vector_load %arg9[%get3A_110] {strides = array<i32>} : memref<10000xi32, #tpu.memory_space<vmem>>, vector<16xi32>,
        %get3A_112 = vector.shape_cast %get3A_111 : vector<16xi32> to vector<16xi32>
        %swap3A_113 = arith.constant 32 : index
        %swap3A_114 = tpu.vector_load %arg11[%swap3A_113] {strides = array<i32>} : memref<80xi32, #tpu.memory_space<vmem>>, vector<16xi32>,
        %swap3A_115 = vector.shape_cast %swap3A_114 : vector<16xi32> to vector<16xi32>
        %swap3A_116 = vector.shape_cast %get3A_112 : vector<16xi32> to vector<16xi32>
        tpu.vector_store %arg11[%swap3A_113], %swap3A_116 {strides = array<i32>} : memref<80xi32, #tpu.memory_space<vmem>>, vector<16xi32>,
        %mul3A_117 = arith.constant 80 : i32
        %mul3A_118 = arith.muli %add3A_83, %mul3A_117 : i32
        %add3A_119 = arith.constant 48 : i32
        %add3A_120 = arith.addi %mul3A_118, %add3A_119 : i32
        %get3A_121 = arith.index_cast %add3A_120 : i32 to index
        %get3A_122 = tpu.vector_load %arg9[%get3A_121] {strides = array<i32>} : memref<10000xi32, #tpu.memory_space<vmem>>, vector<16xi32>,
        %get3A_123 = vector.shape_cast %get3A_122 : vector<16xi32> to vector<16xi32>
        %swap3A_124 = arith.constant 48 : index
        %swap3A_125 = tpu.vector_load %arg11[%swap3A_124] {strides = array<i32>} : memref<80xi32, #tpu.memory_space<vmem>>, vector<16xi32>,
        %swap3A_126 = vector.shape_cast %swap3A_125 : vector<16xi32> to vector<16xi32>
        %swap3A_127 = vector.shape_cast %get3A_123 : vector<16xi32> to vector<16xi32>
        tpu.vector_store %arg11[%swap3A_124], %swap3A_127 {strides = array<i32>} : memref<80xi32, #tpu.memory_space<vmem>>, vector<16xi32>,
        %mul3A_128 = arith.constant 80 : i32
        %mul3A_129 = arith.muli %add3A_83, %mul3A_128 : i32
        %add3A_130 = arith.constant 64 : i32
        %add3A_131 = arith.addi %mul3A_129, %add3A_130 : i32
        %get3A_132 = arith.index_cast %add3A_131 : i32 to index
        %get3A_133 = tpu.vector_load %arg9[%get3A_132] {strides = array<i32>} : memref<10000xi32, #tpu.memory_space<vmem>>, vector<16xi32>,
        %get3A_134 = vector.shape_cast %get3A_133 : vector<16xi32> to vector<16xi32>
        %swap3A_135 = arith.constant 64 : index
        %swap3A_136 = tpu.vector_load %arg11[%swap3A_135] {strides = array<i32>} : memref<80xi32, #tpu.memory_space<vmem>>, vector<16xi32>,
        %swap3A_137 = vector.shape_cast %swap3A_136 : vector<16xi32> to vector<16xi32>
        %swap3A_138 = vector.shape_cast %get3A_134 : vector<16xi32> to vector<16xi32>
        tpu.vector_store %arg11[%swap3A_135], %swap3A_138 {strides = array<i32>} : memref<80xi32, #tpu.memory_space<vmem>>, vector<16xi32>,
        %add3A_139 = arith.constant 1 : i32
        %add3A_140 = arith.addi %mul3A_55, %add3A_139 : i32
        %mul3A_141 = arith.constant 80 : i32
        %mul3A_142 = arith.muli %add3A_140, %mul3A_141 : i32
        %dma_start3A_143 = tpu.memref_slice %arg8[%mul3A_142] : memref<10000xi32, #tpu.memory_space<vmem>> -> memref<80xi32, #tpu.memory_space<vmem>>
        %dma_start3A_144 = arith.constant 0 : i32
        %dma_start3A_145 = arith.constant 0 : i32
        %dma_start3A_146 = tpu.memref_slice %arg2[%dma_start3A_144, %dma_start3A_145] : memref<10112x128xf32, #tpu.memory_space<hbm>> -> memref<10112x128xf32, #tpu.memory_space<hbm>>
        tpu.enqueue_indirect_dma source(%dma_start3A_146 : memref<10112x128xf32, #tpu.memory_space<hbm>>) target(%arg13 : memref<80x128xf32, #tpu.memory_space<vmem>>) offsets(%dma_start3A_143 : memref<80xi32, #tpu.memory_space<vmem>>) semaphore(%arg15 : memref<!tpu.dma_semaphore, #tpu.memory_space<semaphore_mem>>)
      } else {
      }
      %mul3A_69 = arith.constant 2 : i32
      %mul3A_70 = arith.muli %mul3A_69, %scan3A_53 : i32
      %add3A_71 = arith.constant 1 : i32
      %add3A_72 = arith.addi %mul3A_70, %add3A_71 : i32
      %lt3A_73 = arith.constant 125 : i32
      %lt3A_74 = arith.cmpi slt, %add3A_72, %lt3A_73 : i32
      %convert_element_type3A_75 = arith.extui %lt3A_74 : i1 to i32
      %cond3A_76 = arith.constant 0 : i32
      %cond3A_77 = arith.cmpi ne, %convert_element_type3A_75, %cond3A_76 : i32
      scf.if %cond3A_77 {
        %mul3A_78 = arith.constant 80 : i32
        %mul3A_79 = arith.muli %add3A_72, %mul3A_78 : i32
        %dma_wait3A_80 = tpu.memref_slice %arg8[%mul3A_79] : memref<10000xi32, #tpu.memory_space<vmem>> -> memref<80xi32, #tpu.memory_space<vmem>>
        %dma_wait3A_81 = arith.constant 0 : i32
        %dma_wait3A_82 = arith.constant 0 : i32
        %dma_wait3A_83 = tpu.memref_slice %arg2[%dma_wait3A_81, %dma_wait3A_82] : memref<10112x128xf32, #tpu.memory_space<hbm>> -> memref<10112x128xf32, #tpu.memory_space<hbm>>
        tpu.wait_indirect_dma semaphore(%arg15 : memref<!tpu.dma_semaphore, #tpu.memory_space<semaphore_mem>>) src(%dma_wait3A_83 : memref<10112x128xf32, #tpu.memory_space<hbm>>) dst(%arg13 : memref<80x128xf32, #tpu.memory_space<vmem>>)
        %dma_start3A_84 = arith.constant 0 : i32
        %dma_start3A_85 = arith.constant 0 : i32
        %dma_start3A_86 = tpu.memref_slice %arg7[%dma_start3A_84, %dma_start3A_85] : memref<10112x128xf32, #tpu.memory_space<vmem_shared>> -> memref<10112x128xf32, #tpu.memory_space<vmem_shared>>
        tpu.enqueue_indirect_dma source(%arg13 : memref<80x128xf32, #tpu.memory_space<vmem>>) target(%dma_start3A_86 : memref<10112x128xf32, #tpu.memory_space<vmem_shared>>) offsets(%arg11 : memref<80xi32, #tpu.memory_space<vmem>>) semaphore(%arg17 : memref<!tpu.dma_semaphore, #tpu.memory_space<semaphore_mem>>) {add = true}
        %add3A_87 = arith.constant 1 : i32
        %add3A_88 = arith.addi %add3A_72, %add3A_87 : i32
        %lt3A_89 = arith.constant 125 : i32
        %lt3A_90 = arith.cmpi slt, %add3A_88, %lt3A_89 : i32
        %convert_element_type3A_91 = arith.extui %lt3A_90 : i1 to i32
        %cond3A_92 = arith.constant 0 : i32
        %cond3A_93 = arith.cmpi ne, %convert_element_type3A_91, %cond3A_92 : i32
        scf.if %cond3A_93 {
          %dma_wait3A_94 = arith.constant 0 : i32
          %dma_wait3A_95 = arith.constant 0 : i32
          %dma_wait3A_96 = tpu.memref_slice %arg7[%dma_wait3A_94, %dma_wait3A_95] : memref<10112x128xf32, #tpu.memory_space<vmem_shared>> -> memref<10112x128xf32, #tpu.memory_space<vmem_shared>>
          tpu.wait_indirect_dma semaphore(%arg16 : memref<!tpu.dma_semaphore, #tpu.memory_space<semaphore_mem>>) src(%arg12 : memref<80x128xf32, #tpu.memory_space<vmem>>) dst(%dma_wait3A_96 : memref<10112x128xf32, #tpu.memory_space<vmem_shared>>)
          %add3A_97 = arith.constant 1 : i32
          %add3A_98 = arith.addi %add3A_72, %add3A_97 : i32
          %mul3A_99 = arith.constant 80 : i32
          %mul3A_100 = arith.muli %add3A_98, %mul3A_99 : i32
          %add3A_101 = arith.constant 0 : i32
          %add3A_102 = arith.addi %mul3A_100, %add3A_101 : i32
          %get3A_103 = arith.index_cast %add3A_102 : i32 to index
          %get3A_104 = tpu.vector_load %arg9[%get3A_103] {strides = array<i32>} : memref<10000xi32, #tpu.memory_space<vmem>>, vector<16xi32>,
          %get3A_105 = vector.shape_cast %get3A_104 : vector<16xi32> to vector<16xi32>
          %swap3A_106 = arith.constant 0 : index
          %swap3A_107 = tpu.vector_load %arg10[%swap3A_106] {strides = array<i32>} : memref<80xi32, #tpu.memory_space<vmem>>, vector<16xi32>,
          %swap3A_108 = vector.shape_cast %swap3A_107 : vector<16xi32> to vector<16xi32>
          %swap3A_109 = vector.shape_cast %get3A_105 : vector<16xi32> to vector<16xi32>
          tpu.vector_store %arg10[%swap3A_106], %swap3A_109 {strides = array<i32>} : memref<80xi32, #tpu.memory_space<vmem>>, vector<16xi32>,
          %mul3A_110 = arith.constant 80 : i32
          %mul3A_111 = arith.muli %add3A_98, %mul3A_110 : i32
          %add3A_112 = arith.constant 16 : i32
          %add3A_113 = arith.addi %mul3A_111, %add3A_112 : i32
          %get3A_114 = arith.index_cast %add3A_113 : i32 to index
          %get3A_115 = tpu.vector_load %arg9[%get3A_114] {strides = array<i32>} : memref<10000xi32, #tpu.memory_space<vmem>>, vector<16xi32>,
          %get3A_116 = vector.shape_cast %get3A_115 : vector<16xi32> to vector<16xi32>
          %swap3A_117 = arith.constant 16 : index
          %swap3A_118 = tpu.vector_load %arg10[%swap3A_117] {strides = array<i32>} : memref<80xi32, #tpu.memory_space<vmem>>, vector<16xi32>,
          %swap3A_119 = vector.shape_cast %swap3A_118 : vector<16xi32> to vector<16xi32>
          %swap3A_120 = vector.shape_cast %get3A_116 : vector<16xi32> to vector<16xi32>
          tpu.vector_store %arg10[%swap3A_117], %swap3A_120 {strides = array<i32>} : memref<80xi32, #tpu.memory_space<vmem>>, vector<16xi32>,
          %mul3A_121 = arith.constant 80 : i32
          %mul3A_122 = arith.muli %add3A_98, %mul3A_121 : i32
          %add3A_123 = arith.constant 32 : i32
          %add3A_124 = arith.addi %mul3A_122, %add3A_123 : i32
          %get3A_125 = arith.index_cast %add3A_124 : i32 to index
          %get3A_126 = tpu.vector_load %arg9[%get3A_125] {strides = array<i32>} : memref<10000xi32, #tpu.memory_space<vmem>>, vector<16xi32>,
          %get3A_127 = vector.shape_cast %get3A_126 : vector<16xi32> to vector<16xi32>
          %swap3A_128 = arith.constant 32 : index
          %swap3A_129 = tpu.vector_load %arg10[%swap3A_128] {strides = array<i32>} : memref<80xi32, #tpu.memory_space<vmem>>, vector<16xi32>,
          %swap3A_130 = vector.shape_cast %swap3A_129 : vector<16xi32> to vector<16xi32>
          %swap3A_131 = vector.shape_cast %get3A_127 : vector<16xi32> to vector<16xi32>
          tpu.vector_store %arg10[%swap3A_128], %swap3A_131 {strides = array<i32>} : memref<80xi32, #tpu.memory_space<vmem>>, vector<16xi32>,
          %mul3A_132 = arith.constant 80 : i32
          %mul3A_133 = arith.muli %add3A_98, %mul3A_132 : i32
          %add3A_134 = arith.constant 48 : i32
          %add3A_135 = arith.addi %mul3A_133, %add3A_134 : i32
          %get3A_136 = arith.index_cast %add3A_135 : i32 to index
          %get3A_137 = tpu.vector_load %arg9[%get3A_136] {strides = array<i32>} : memref<10000xi32, #tpu.memory_space<vmem>>, vector<16xi32>,
          %get3A_138 = vector.shape_cast %get3A_137 : vector<16xi32> to vector<16xi32>
          %swap3A_139 = arith.constant 48 : index
          %swap3A_140 = tpu.vector_load %arg10[%swap3A_139] {strides = array<i32>} : memref<80xi32, #tpu.memory_space<vmem>>, vector<16xi32>,
          %swap3A_141 = vector.shape_cast %swap3A_140 : vector<16xi32> to vector<16xi32>
          %swap3A_142 = vector.shape_cast %get3A_138 : vector<16xi32> to vector<16xi32>
          tpu.vector_store %arg10[%swap3A_139], %swap3A_142 {strides = array<i32>} : memref<80xi32, #tpu.memory_space<vmem>>, vector<16xi32>,
          %mul3A_143 = arith.constant 80 : i32
          %mul3A_144 = arith.muli %add3A_98, %mul3A_143 : i32
          %add3A_145 = arith.constant 64 : i32
          %add3A_146 = arith.addi %mul3A_144, %add3A_145 : i32
          %get3A_147 = arith.index_cast %add3A_146 : i32 to index
          %get3A_148 = tpu.vector_load %arg9[%get3A_147] {strides = array<i32>} : memref<10000xi32, #tpu.memory_space<vmem>>, vector<16xi32>,
          %get3A_149 = vector.shape_cast %get3A_148 : vector<16xi32> to vector<16xi32>
          %swap3A_150 = arith.constant 64 : index
          %swap3A_151 = tpu.vector_load %arg10[%swap3A_150] {strides = array<i32>} : memref<80xi32, #tpu.memory_space<vmem>>, vector<16xi32>,
          %swap3A_152 = vector.shape_cast %swap3A_151 : vector<16xi32> to vector<16xi32>
          %swap3A_153 = vector.shape_cast %get3A_149 : vector<16xi32> to vector<16xi32>
          tpu.vector_store %arg10[%swap3A_150], %swap3A_153 {strides = array<i32>} : memref<80xi32, #tpu.memory_space<vmem>>, vector<16xi32>,
          %add3A_154 = arith.constant 1 : i32
          %add3A_155 = arith.addi %add3A_72, %add3A_154 : i32
          %mul3A_156 = arith.constant 80 : i32
          %mul3A_157 = arith.muli %add3A_155, %mul3A_156 : i32
          %dma_start3A_158 = tpu.memref_slice %arg8[%mul3A_157] : memref<10000xi32, #tpu.memory_space<vmem>> -> memref<80xi32, #tpu.memory_space<vmem>>
          %dma_start3A_159 = arith.constant 0 : i32
          %dma_start3A_160 = arith.constant 0 : i32
          %dma_start3A_161 = tpu.memref_slice %arg2[%dma_start3A_159, %dma_start3A_160] : memref<10112x128xf32, #tpu.memory_space<hbm>> -> memref<10112x128xf32, #tpu.memory_space<hbm>>
          tpu.enqueue_indirect_dma source(%dma_start3A_161 : memref<10112x128xf32, #tpu.memory_space<hbm>>) target(%arg12 : memref<80x128xf32, #tpu.memory_space<vmem>>) offsets(%dma_start3A_158 : memref<80xi32, #tpu.memory_space<vmem>>) semaphore(%arg14 : memref<!tpu.dma_semaphore, #tpu.memory_space<semaphore_mem>>)
        } else {
        }
      } else {
      }
    }
    %scan3A_46 = arith.constant 63 : i32
    %dma_wait3A = arith.constant 0 : i32
    %dma_wait3A_47 = arith.constant 0 : i32
    %dma_wait3A_48 = tpu.memref_slice %arg7[%dma_wait3A, %dma_wait3A_47] : memref<10112x128xf32, #tpu.memory_space<vmem_shared>> -> memref<10112x128xf32, #tpu.memory_space<vmem_shared>>
    tpu.wait_indirect_dma semaphore(%arg16 : memref<!tpu.dma_semaphore, #tpu.memory_space<semaphore_mem>>) src(%arg12 : memref<80x128xf32, #tpu.memory_space<vmem>>) dst(%dma_wait3A_48 : memref<10112x128xf32, #tpu.memory_space<vmem_shared>>)
    %dma_wait3A_49 = arith.constant 0 : i32
    %dma_wait3A_50 = arith.constant 0 : i32
    %dma_wait3A_51 = tpu.memref_slice %arg7[%dma_wait3A_49, %dma_wait3A_50] : memref<10112x128xf32, #tpu.memory_space<vmem_shared>> -> memref<10112x128xf32, #tpu.memory_space<vmem_shared>>
    tpu.wait_indirect_dma semaphore(%arg17 : memref<!tpu.dma_semaphore, #tpu.memory_space<semaphore_mem>>) src(%arg13 : memref<80x128xf32, #tpu.memory_space<vmem>>) dst(%dma_wait3A_51 : memref<10112x128xf32, #tpu.memory_space<vmem_shared>>)
    %barrier3A_52 = arith.constant 0 : index
    tpu.barrier barrier_id(%barrier3A_52)
    "tpu.region"() ({
      %run_scoped3A = tpu.sem_alloc : memref<!tpu.dma_semaphore, #tpu.memory_space<semaphore_mem>>
      %dma_start3A_53 = arith.constant 0 : i32
      %dma_start3A_54 = tpu.memref_slice %arg6[%arg0, %mul3A_0, %dma_start3A_53] : memref<2x10112x128xf32, #tpu.memory_space<hbm>> -> memref<1x632x128xf32, #tpu.memory_space<hbm>>
      %dma_start3A_55 = tpu.memref_squeeze %dma_start3A_54 : memref<1x632x128xf32, #tpu.memory_space<hbm>> -> memref<632x128xf32, #tpu.memory_space<hbm>>
      %dma_start3A_56 = arith.constant 0 : i32
      %dma_start3A_57 = tpu.memref_slice %arg7[%mul3A_0, %dma_start3A_56] : memref<10112x128xf32, #tpu.memory_space<vmem_shared>> -> memref<632x128xf32, #tpu.memory_space<vmem_shared>>
      tpu.enqueue_dma source(%dma_start3A_57 : memref<632x128xf32, #tpu.memory_space<vmem_shared>>) target(%dma_start3A_55 : memref<632x128xf32, #tpu.memory_space<hbm>>) target_semaphore(%run_scoped3A : memref<!tpu.dma_semaphore, #tpu.memory_space<semaphore_mem>>)
      %dma_wait3A_58 = arith.constant 0 : i32
      %dma_wait3A_59 = tpu.memref_slice %arg6[%arg0, %mul3A_0, %dma_wait3A_58] : memref<2x10112x128xf32, #tpu.memory_space<hbm>> -> memref<1x632x128xf32, #tpu.memory_space<hbm>>
      %dma_wait3A_60 = tpu.memref_squeeze %dma_wait3A_59 : memref<1x632x128xf32, #tpu.memory_space<hbm>> -> memref<632x128xf32, #tpu.memory_space<hbm>>
      %dma_wait3A_61 = arith.constant 0 : i32
      %dma_wait3A_62 = tpu.memref_slice %arg7[%mul3A_0, %dma_wait3A_61] : memref<10112x128xf32, #tpu.memory_space<vmem_shared>> -> memref<632x128xf32, #tpu.memory_space<vmem_shared>>
      tpu.wait_dma2 semaphore(%run_scoped3A : memref<!tpu.dma_semaphore, #tpu.memory_space<semaphore_mem>>) src(%dma_wait3A_62 : memref<632x128xf32, #tpu.memory_space<vmem_shared>>) dst(%dma_wait3A_60 : memref<632x128xf32, #tpu.memory_space<hbm>>)
      tpu.yield
    }) : () -> ()
    return
  }
}

#map = affine_map<(d0, d1) -> (0)>
#map1 = affine_map<(d0, d1) -> (0, 0)>
#map2 = affine_map<(d0, d1) -> (0, 0, 0)>
module attributes {stable_mosaic.version = 14 : i64} {
  func.func @_count(%arg0: i32, %arg1: i32, %arg2: memref<320000xi32, #tpu.memory_space<hbm>>, %arg3: memref<632x128xf32, #tpu.memory_space<hbm>>, %arg4: memref<2x10112x128xf32, #tpu.memory_space<hbm>>, %arg5: memref<10112x128xf32, #tpu.memory_space<vmem_shared>>, %arg6: memref<10000xi32, #tpu.memory_space<vmem>>, %arg7: memref<80xi32, #tpu.memory_space<vmem>>, %arg8: memref<80xi32, #tpu.memory_space<vmem>>, %arg9: memref<80x128xf32, #tpu.memory_space<vmem>>, %arg10: memref<!tpu.dma_semaphore, #tpu.memory_space<semaphore_mem>>, %arg11: memref<!tpu.dma_semaphore, #tpu.memory_space<semaphore_mem>>) attributes {dimension_semantics = [#tpu.dimension_semantics<core_parallel>, #tpu.dimension_semantics<subcore_parallel>], iteration_bounds = array<i64: 2, 16>, scalar_prefetch = 0 : i64, scratch_operands = 7 : i64, tpu.core_type = #tpu.core_type<sc_vector_subcore>, window_params = [{transform_indices = #map}, {transform_indices = #map1}, {transform_indices = #map2}]} {
    %mul3A = arith.constant 632 : i32
    %mul3A_0 = arith.muli %arg1, %mul3A : i32
    %mul3A_1 = arith.constant 16 : i32
    %mul3A_2 = arith.muli %arg0, %mul3A_1 : i32
    %add3A = arith.addi %mul3A_2, %arg1 : i32
    %mul3A_3 = arith.constant 10000 : i32
    %mul3A_4 = arith.muli %add3A, %mul3A_3 : i32
    "tpu.region"() ({
      %run_scoped3A = tpu.sem_alloc : memref<!tpu.dma_semaphore, #tpu.memory_space<semaphore_mem>>
      %dma_start3A = tpu.memref_slice %arg2[%mul3A_4] : memref<320000xi32, #tpu.memory_space<hbm>> -> memref<10000xi32, #tpu.memory_space<hbm>>
      %dma_start3A_22 = tpu.memref_slice %arg2[%mul3A_4] : memref<320000xi32, #tpu.memory_space<hbm>> -> memref<10000xi32, #tpu.memory_space<hbm>>
      tpu.enqueue_dma source(%dma_start3A_22 : memref<10000xi32, #tpu.memory_space<hbm>>) target(%arg6 : memref<10000xi32, #tpu.memory_space<vmem>>) target_semaphore(%run_scoped3A : memref<!tpu.dma_semaphore, #tpu.memory_space<semaphore_mem>>)
      %dma_wait3A_23 = tpu.memref_slice %arg2[%mul3A_4] : memref<320000xi32, #tpu.memory_space<hbm>> -> memref<10000xi32, #tpu.memory_space<hbm>>
      %dma_wait3A_24 = tpu.memref_slice %arg2[%mul3A_4] : memref<320000xi32, #tpu.memory_space<hbm>> -> memref<10000xi32, #tpu.memory_space<hbm>>
      tpu.wait_dma2 semaphore(%run_scoped3A : memref<!tpu.dma_semaphore, #tpu.memory_space<semaphore_mem>>) src(%dma_wait3A_24 : memref<10000xi32, #tpu.memory_space<hbm>>) dst(%arg6 : memref<10000xi32, #tpu.memory_space<vmem>>)
      tpu.yield
    }) : () -> ()
    "tpu.region"() ({
      %run_scoped3A = tpu.sem_alloc : memref<!tpu.dma_semaphore, #tpu.memory_space<semaphore_mem>>
      %dma_start3A = arith.constant 0 : i32
      %dma_start3A_22 = tpu.memref_slice %arg5[%mul3A_0, %dma_start3A] : memref<10112x128xf32, #tpu.memory_space<vmem_shared>> -> memref<632x128xf32, #tpu.memory_space<vmem_shared>>
      tpu.enqueue_dma source(%arg3 : memref<632x128xf32, #tpu.memory_space<hbm>>) target(%dma_start3A_22 : memref<632x128xf32, #tpu.memory_space<vmem_shared>>) target_semaphore(%run_scoped3A : memref<!tpu.dma_semaphore, #tpu.memory_space<semaphore_mem>>)
      %dma_wait3A_23 = arith.constant 0 : i32
      %dma_wait3A_24 = tpu.memref_slice %arg5[%mul3A_0, %dma_wait3A_23] : memref<10112x128xf32, #tpu.memory_space<vmem_shared>> -> memref<632x128xf32, #tpu.memory_space<vmem_shared>>
      tpu.wait_dma2 semaphore(%run_scoped3A : memref<!tpu.dma_semaphore, #tpu.memory_space<semaphore_mem>>) src(%arg3 : memref<632x128xf32, #tpu.memory_space<hbm>>) dst(%dma_wait3A_24 : memref<632x128xf32, #tpu.memory_space<vmem_shared>>)
      tpu.yield
    }) : () -> ()
    %scan3A = arith.constant 0 : i32
    %scan3A_5 = arith.constant 0 : i32
    %scan3A_6 = arith.constant 80 : i32
    %scan3A_7 = arith.addi %scan3A_5, %scan3A_6 : i32
    %scan3A_8 = arith.constant 1 : i32
    scf.for %scan3A_22 = %scan3A_5 to %scan3A_7 step %scan3A_8  : i32 {
      %broadcast_in_dim3A = arith.constant 1.000000e+00 : f32
      %broadcast_in_dim3A_23 = vector.broadcast %broadcast_in_dim3A : f32 to vector<16xf32>
      %swap3A = arith.index_cast %scan3A_22 : i32 to index
      %swap3A_24 = arith.constant 0 : index
      %swap3A_25 = tpu.vector_load %arg9[%swap3A, %swap3A_24] {strides = array<i32>} : memref<80x128xf32, #tpu.memory_space<vmem>>, vector<1x16xf32>,
      %swap3A_26 = vector.shape_cast %swap3A_25 : vector<1x16xf32> to vector<16xf32>
      %swap3A_27 = vector.shape_cast %broadcast_in_dim3A_23 : vector<16xf32> to vector<1x16xf32>
      tpu.vector_store %arg9[%swap3A, %swap3A_24], %swap3A_27 {strides = array<i32>} : memref<80x128xf32, #tpu.memory_space<vmem>>, vector<1x16xf32>,
      %broadcast_in_dim3A_28 = arith.constant 1.000000e+00 : f32
      %broadcast_in_dim3A_29 = vector.broadcast %broadcast_in_dim3A_28 : f32 to vector<16xf32>
      %swap3A_30 = arith.index_cast %scan3A_22 : i32 to index
      %swap3A_31 = arith.constant 16 : index
      %swap3A_32 = tpu.vector_load %arg9[%swap3A_30, %swap3A_31] {strides = array<i32>} : memref<80x128xf32, #tpu.memory_space<vmem>>, vector<1x16xf32>,
      %swap3A_33 = vector.shape_cast %swap3A_32 : vector<1x16xf32> to vector<16xf32>
      %swap3A_34 = vector.shape_cast %broadcast_in_dim3A_29 : vector<16xf32> to vector<1x16xf32>
      tpu.vector_store %arg9[%swap3A_30, %swap3A_31], %swap3A_34 {strides = array<i32>} : memref<80x128xf32, #tpu.memory_space<vmem>>, vector<1x16xf32>,
      %broadcast_in_dim3A_35 = arith.constant 1.000000e+00 : f32
      %broadcast_in_dim3A_36 = vector.broadcast %broadcast_in_dim3A_35 : f32 to vector<16xf32>
      %swap3A_37 = arith.index_cast %scan3A_22 : i32 to index
      %swap3A_38 = arith.constant 32 : index
      %swap3A_39 = tpu.vector_load %arg9[%swap3A_37, %swap3A_38] {strides = array<i32>} : memref<80x128xf32, #tpu.memory_space<vmem>>, vector<1x16xf32>,
      %swap3A_40 = vector.shape_cast %swap3A_39 : vector<1x16xf32> to vector<16xf32>
      %swap3A_41 = vector.shape_cast %broadcast_in_dim3A_36 : vector<16xf32> to vector<1x16xf32>
      tpu.vector_store %arg9[%swap3A_37, %swap3A_38], %swap3A_41 {strides = array<i32>} : memref<80x128xf32, #tpu.memory_space<vmem>>, vector<1x16xf32>,
      %broadcast_in_dim3A_42 = arith.constant 1.000000e+00 : f32
      %broadcast_in_dim3A_43 = vector.broadcast %broadcast_in_dim3A_42 : f32 to vector<16xf32>
      %swap3A_44 = arith.index_cast %scan3A_22 : i32 to index
      %swap3A_45 = arith.constant 48 : index
      %swap3A_46 = tpu.vector_load %arg9[%swap3A_44, %swap3A_45] {strides = array<i32>} : memref<80x128xf32, #tpu.memory_space<vmem>>, vector<1x16xf32>,
      %swap3A_47 = vector.shape_cast %swap3A_46 : vector<1x16xf32> to vector<16xf32>
      %swap3A_48 = vector.shape_cast %broadcast_in_dim3A_43 : vector<16xf32> to vector<1x16xf32>
      tpu.vector_store %arg9[%swap3A_44, %swap3A_45], %swap3A_48 {strides = array<i32>} : memref<80x128xf32, #tpu.memory_space<vmem>>, vector<1x16xf32>,
      %broadcast_in_dim3A_49 = arith.constant 1.000000e+00 : f32
      %broadcast_in_dim3A_50 = vector.broadcast %broadcast_in_dim3A_49 : f32 to vector<16xf32>
      %swap3A_51 = arith.index_cast %scan3A_22 : i32 to index
      %swap3A_52 = arith.constant 64 : index
      %swap3A_53 = tpu.vector_load %arg9[%swap3A_51, %swap3A_52] {strides = array<i32>} : memref<80x128xf32, #tpu.memory_space<vmem>>, vector<1x16xf32>,
      %swap3A_54 = vector.shape_cast %swap3A_53 : vector<1x16xf32> to vector<16xf32>
      %swap3A_55 = vector.shape_cast %broadcast_in_dim3A_50 : vector<16xf32> to vector<1x16xf32>
      tpu.vector_store %arg9[%swap3A_51, %swap3A_52], %swap3A_55 {strides = array<i32>} : memref<80x128xf32, #tpu.memory_space<vmem>>, vector<1x16xf32>,
      %broadcast_in_dim3A_56 = arith.constant 1.000000e+00 : f32
      %broadcast_in_dim3A_57 = vector.broadcast %broadcast_in_dim3A_56 : f32 to vector<16xf32>
      %swap3A_58 = arith.index_cast %scan3A_22 : i32 to index
      %swap3A_59 = arith.constant 80 : index
      %swap3A_60 = tpu.vector_load %arg9[%swap3A_58, %swap3A_59] {strides = array<i32>} : memref<80x128xf32, #tpu.memory_space<vmem>>, vector<1x16xf32>,
      %swap3A_61 = vector.shape_cast %swap3A_60 : vector<1x16xf32> to vector<16xf32>
      %swap3A_62 = vector.shape_cast %broadcast_in_dim3A_57 : vector<16xf32> to vector<1x16xf32>
      tpu.vector_store %arg9[%swap3A_58, %swap3A_59], %swap3A_62 {strides = array<i32>} : memref<80x128xf32, #tpu.memory_space<vmem>>, vector<1x16xf32>,
      %broadcast_in_dim3A_63 = arith.constant 1.000000e+00 : f32
      %broadcast_in_dim3A_64 = vector.broadcast %broadcast_in_dim3A_63 : f32 to vector<16xf32>
      %swap3A_65 = arith.index_cast %scan3A_22 : i32 to index
      %swap3A_66 = arith.constant 96 : index
      %swap3A_67 = tpu.vector_load %arg9[%swap3A_65, %swap3A_66] {strides = array<i32>} : memref<80x128xf32, #tpu.memory_space<vmem>>, vector<1x16xf32>,
      %swap3A_68 = vector.shape_cast %swap3A_67 : vector<1x16xf32> to vector<16xf32>
      %swap3A_69 = vector.shape_cast %broadcast_in_dim3A_64 : vector<16xf32> to vector<1x16xf32>
      tpu.vector_store %arg9[%swap3A_65, %swap3A_66], %swap3A_69 {strides = array<i32>} : memref<80x128xf32, #tpu.memory_space<vmem>>, vector<1x16xf32>,
      %broadcast_in_dim3A_70 = arith.constant 1.000000e+00 : f32
      %broadcast_in_dim3A_71 = vector.broadcast %broadcast_in_dim3A_70 : f32 to vector<16xf32>
      %swap3A_72 = arith.index_cast %scan3A_22 : i32 to index
      %swap3A_73 = arith.constant 112 : index
      %swap3A_74 = tpu.vector_load %arg9[%swap3A_72, %swap3A_73] {strides = array<i32>} : memref<80x128xf32, #tpu.memory_space<vmem>>, vector<1x16xf32>,
      %swap3A_75 = vector.shape_cast %swap3A_74 : vector<1x16xf32> to vector<16xf32>
      %swap3A_76 = vector.shape_cast %broadcast_in_dim3A_71 : vector<16xf32> to vector<1x16xf32>
      tpu.vector_store %arg9[%swap3A_72, %swap3A_73], %swap3A_76 {strides = array<i32>} : memref<80x128xf32, #tpu.memory_space<vmem>>, vector<1x16xf32>,
    }
    %scan3A_9 = arith.constant 80 : i32
    %barrier3A = arith.constant 0 : index
    tpu.barrier barrier_id(%barrier3A)
    %scan3A_10 = arith.constant 0 : i32
    %scan3A_11 = arith.constant 0 : i32
    %scan3A_12 = arith.constant 63 : i32
    %scan3A_13 = arith.addi %scan3A_11, %scan3A_12 : i32
    %scan3A_14 = arith.constant 1 : i32
    scf.for %scan3A_22 = %scan3A_11 to %scan3A_13 step %scan3A_14  : i32 {
      %mul3A_23 = arith.constant 2 : i32
      %mul3A_24 = arith.muli %mul3A_23, %scan3A_22 : i32
      %lt3A = arith.constant 125 : i32
      %lt3A_25 = arith.cmpi slt, %mul3A_24, %lt3A : i32
      %convert_element_type3A = arith.extui %lt3A_25 : i1 to i32
      %cond3A = arith.constant 0 : i32
      %cond3A_26 = arith.cmpi ne, %convert_element_type3A, %cond3A : i32
      scf.if %cond3A_26 {
        %ge3A = arith.constant 2 : i32
        %ge3A_36 = arith.cmpi sge, %mul3A_24, %ge3A : i32
        %convert_element_type3A_37 = arith.extui %ge3A_36 : i1 to i32
        %cond3A_38 = arith.constant 0 : i32
        %cond3A_39 = arith.cmpi ne, %convert_element_type3A_37, %cond3A_38 : i32
        scf.if %cond3A_39 {
          %dma_wait3A_95 = arith.constant 0 : i32
          %dma_wait3A_96 = arith.constant 0 : i32
          %dma_wait3A_97 = tpu.memref_slice %arg5[%dma_wait3A_95, %dma_wait3A_96] : memref<10112x128xf32, #tpu.memory_space<vmem_shared>> -> memref<10112x128xf32, #tpu.memory_space<vmem_shared>>
          tpu.wait_indirect_dma semaphore(%arg10 : memref<!tpu.dma_semaphore, #tpu.memory_space<semaphore_mem>>) src(%arg9 : memref<80x128xf32, #tpu.memory_space<vmem>>) dst(%dma_wait3A_97 : memref<10112x128xf32, #tpu.memory_space<vmem_shared>>)
        } else {
        }
        %mul3A_40 = arith.constant 80 : i32
        %mul3A_41 = arith.muli %mul3A_24, %mul3A_40 : i32
        %add3A_42 = arith.constant 0 : i32
        %add3A_43 = arith.addi %mul3A_41, %add3A_42 : i32
        %get3A = arith.index_cast %add3A_43 : i32 to index
        %get3A_44 = tpu.vector_load %arg6[%get3A] {strides = array<i32>} : memref<10000xi32, #tpu.memory_space<vmem>>, vector<16xi32>,
        %get3A_45 = vector.shape_cast %get3A_44 : vector<16xi32> to vector<16xi32>
        %swap3A = arith.constant 0 : index
        %swap3A_46 = tpu.vector_load %arg7[%swap3A] {strides = array<i32>} : memref<80xi32, #tpu.memory_space<vmem>>, vector<16xi32>,
        %swap3A_47 = vector.shape_cast %swap3A_46 : vector<16xi32> to vector<16xi32>
        %swap3A_48 = vector.shape_cast %get3A_45 : vector<16xi32> to vector<16xi32>
        tpu.vector_store %arg7[%swap3A], %swap3A_48 {strides = array<i32>} : memref<80xi32, #tpu.memory_space<vmem>>, vector<16xi32>,
        %mul3A_49 = arith.constant 80 : i32
        %mul3A_50 = arith.muli %mul3A_24, %mul3A_49 : i32
        %add3A_51 = arith.constant 16 : i32
        %add3A_52 = arith.addi %mul3A_50, %add3A_51 : i32
        %get3A_53 = arith.index_cast %add3A_52 : i32 to index
        %get3A_54 = tpu.vector_load %arg6[%get3A_53] {strides = array<i32>} : memref<10000xi32, #tpu.memory_space<vmem>>, vector<16xi32>,
        %get3A_55 = vector.shape_cast %get3A_54 : vector<16xi32> to vector<16xi32>
        %swap3A_56 = arith.constant 16 : index
        %swap3A_57 = tpu.vector_load %arg7[%swap3A_56] {strides = array<i32>} : memref<80xi32, #tpu.memory_space<vmem>>, vector<16xi32>,
        %swap3A_58 = vector.shape_cast %swap3A_57 : vector<16xi32> to vector<16xi32>
        %swap3A_59 = vector.shape_cast %get3A_55 : vector<16xi32> to vector<16xi32>
        tpu.vector_store %arg7[%swap3A_56], %swap3A_59 {strides = array<i32>} : memref<80xi32, #tpu.memory_space<vmem>>, vector<16xi32>,
        %mul3A_60 = arith.constant 80 : i32
        %mul3A_61 = arith.muli %mul3A_24, %mul3A_60 : i32
        %add3A_62 = arith.constant 32 : i32
        %add3A_63 = arith.addi %mul3A_61, %add3A_62 : i32
        %get3A_64 = arith.index_cast %add3A_63 : i32 to index
        %get3A_65 = tpu.vector_load %arg6[%get3A_64] {strides = array<i32>} : memref<10000xi32, #tpu.memory_space<vmem>>, vector<16xi32>,
        %get3A_66 = vector.shape_cast %get3A_65 : vector<16xi32> to vector<16xi32>
        %swap3A_67 = arith.constant 32 : index
        %swap3A_68 = tpu.vector_load %arg7[%swap3A_67] {strides = array<i32>} : memref<80xi32, #tpu.memory_space<vmem>>, vector<16xi32>,
        %swap3A_69 = vector.shape_cast %swap3A_68 : vector<16xi32> to vector<16xi32>
        %swap3A_70 = vector.shape_cast %get3A_66 : vector<16xi32> to vector<16xi32>
        tpu.vector_store %arg7[%swap3A_67], %swap3A_70 {strides = array<i32>} : memref<80xi32, #tpu.memory_space<vmem>>, vector<16xi32>,
        %mul3A_71 = arith.constant 80 : i32
        %mul3A_72 = arith.muli %mul3A_24, %mul3A_71 : i32
        %add3A_73 = arith.constant 48 : i32
        %add3A_74 = arith.addi %mul3A_72, %add3A_73 : i32
        %get3A_75 = arith.index_cast %add3A_74 : i32 to index
        %get3A_76 = tpu.vector_load %arg6[%get3A_75] {strides = array<i32>} : memref<10000xi32, #tpu.memory_space<vmem>>, vector<16xi32>,
        %get3A_77 = vector.shape_cast %get3A_76 : vector<16xi32> to vector<16xi32>
        %swap3A_78 = arith.constant 48 : index
        %swap3A_79 = tpu.vector_load %arg7[%swap3A_78] {strides = array<i32>} : memref<80xi32, #tpu.memory_space<vmem>>, vector<16xi32>,
        %swap3A_80 = vector.shape_cast %swap3A_79 : vector<16xi32> to vector<16xi32>
        %swap3A_81 = vector.shape_cast %get3A_77 : vector<16xi32> to vector<16xi32>
        tpu.vector_store %arg7[%swap3A_78], %swap3A_81 {strides = array<i32>} : memref<80xi32, #tpu.memory_space<vmem>>, vector<16xi32>,
        %mul3A_82 = arith.constant 80 : i32
        %mul3A_83 = arith.muli %mul3A_24, %mul3A_82 : i32
        %add3A_84 = arith.constant 64 : i32
        %add3A_85 = arith.addi %mul3A_83, %add3A_84 : i32
        %get3A_86 = arith.index_cast %add3A_85 : i32 to index
        %get3A_87 = tpu.vector_load %arg6[%get3A_86] {strides = array<i32>} : memref<10000xi32, #tpu.memory_space<vmem>>, vector<16xi32>,
        %get3A_88 = vector.shape_cast %get3A_87 : vector<16xi32> to vector<16xi32>
        %swap3A_89 = arith.constant 64 : index
        %swap3A_90 = tpu.vector_load %arg7[%swap3A_89] {strides = array<i32>} : memref<80xi32, #tpu.memory_space<vmem>>, vector<16xi32>,
        %swap3A_91 = vector.shape_cast %swap3A_90 : vector<16xi32> to vector<16xi32>
        %swap3A_92 = vector.shape_cast %get3A_88 : vector<16xi32> to vector<16xi32>
        tpu.vector_store %arg7[%swap3A_89], %swap3A_92 {strides = array<i32>} : memref<80xi32, #tpu.memory_space<vmem>>, vector<16xi32>,
        %dma_start3A = arith.constant 0 : i32
        %dma_start3A_93 = arith.constant 0 : i32
        %dma_start3A_94 = tpu.memref_slice %arg5[%dma_start3A, %dma_start3A_93] : memref<10112x128xf32, #tpu.memory_space<vmem_shared>> -> memref<10112x128xf32, #tpu.memory_space<vmem_shared>>
        tpu.enqueue_indirect_dma source(%arg9 : memref<80x128xf32, #tpu.memory_space<vmem>>) target(%dma_start3A_94 : memref<10112x128xf32, #tpu.memory_space<vmem_shared>>) offsets(%arg7 : memref<80xi32, #tpu.memory_space<vmem>>) semaphore(%arg10 : memref<!tpu.dma_semaphore, #tpu.memory_space<semaphore_mem>>) {add = true}
      } else {
      }
      %mul3A_27 = arith.constant 2 : i32
      %mul3A_28 = arith.muli %mul3A_27, %scan3A_22 : i32
      %add3A_29 = arith.constant 1 : i32
      %add3A_30 = arith.addi %mul3A_28, %add3A_29 : i32
      %lt3A_31 = arith.constant 125 : i32
      %lt3A_32 = arith.cmpi slt, %add3A_30, %lt3A_31 : i32
      %convert_element_type3A_33 = arith.extui %lt3A_32 : i1 to i32
      %cond3A_34 = arith.constant 0 : i32
      %cond3A_35 = arith.cmpi ne, %convert_element_type3A_33, %cond3A_34 : i32
      scf.if %cond3A_35 {
        %ge3A = arith.constant 2 : i32
        %ge3A_36 = arith.cmpi sge, %add3A_30, %ge3A : i32
        %convert_element_type3A_37 = arith.extui %ge3A_36 : i1 to i32
        %cond3A_38 = arith.constant 0 : i32
        %cond3A_39 = arith.cmpi ne, %convert_element_type3A_37, %cond3A_38 : i32
        scf.if %cond3A_39 {
          %dma_wait3A_95 = arith.constant 0 : i32
          %dma_wait3A_96 = arith.constant 0 : i32
          %dma_wait3A_97 = tpu.memref_slice %arg5[%dma_wait3A_95, %dma_wait3A_96] : memref<10112x128xf32, #tpu.memory_space<vmem_shared>> -> memref<10112x128xf32, #tpu.memory_space<vmem_shared>>
          tpu.wait_indirect_dma semaphore(%arg11 : memref<!tpu.dma_semaphore, #tpu.memory_space<semaphore_mem>>) src(%arg9 : memref<80x128xf32, #tpu.memory_space<vmem>>) dst(%dma_wait3A_97 : memref<10112x128xf32, #tpu.memory_space<vmem_shared>>)
        } else {
        }
        %mul3A_40 = arith.constant 80 : i32
        %mul3A_41 = arith.muli %add3A_30, %mul3A_40 : i32
        %add3A_42 = arith.constant 0 : i32
        %add3A_43 = arith.addi %mul3A_41, %add3A_42 : i32
        %get3A = arith.index_cast %add3A_43 : i32 to index
        %get3A_44 = tpu.vector_load %arg6[%get3A] {strides = array<i32>} : memref<10000xi32, #tpu.memory_space<vmem>>, vector<16xi32>,
        %get3A_45 = vector.shape_cast %get3A_44 : vector<16xi32> to vector<16xi32>
        %swap3A = arith.constant 0 : index
        %swap3A_46 = tpu.vector_load %arg8[%swap3A] {strides = array<i32>} : memref<80xi32, #tpu.memory_space<vmem>>, vector<16xi32>,
        %swap3A_47 = vector.shape_cast %swap3A_46 : vector<16xi32> to vector<16xi32>
        %swap3A_48 = vector.shape_cast %get3A_45 : vector<16xi32> to vector<16xi32>
        tpu.vector_store %arg8[%swap3A], %swap3A_48 {strides = array<i32>} : memref<80xi32, #tpu.memory_space<vmem>>, vector<16xi32>,
        %mul3A_49 = arith.constant 80 : i32
        %mul3A_50 = arith.muli %add3A_30, %mul3A_49 : i32
        %add3A_51 = arith.constant 16 : i32
        %add3A_52 = arith.addi %mul3A_50, %add3A_51 : i32
        %get3A_53 = arith.index_cast %add3A_52 : i32 to index
        %get3A_54 = tpu.vector_load %arg6[%get3A_53] {strides = array<i32>} : memref<10000xi32, #tpu.memory_space<vmem>>, vector<16xi32>,
        %get3A_55 = vector.shape_cast %get3A_54 : vector<16xi32> to vector<16xi32>
        %swap3A_56 = arith.constant 16 : index
        %swap3A_57 = tpu.vector_load %arg8[%swap3A_56] {strides = array<i32>} : memref<80xi32, #tpu.memory_space<vmem>>, vector<16xi32>,
        %swap3A_58 = vector.shape_cast %swap3A_57 : vector<16xi32> to vector<16xi32>
        %swap3A_59 = vector.shape_cast %get3A_55 : vector<16xi32> to vector<16xi32>
        tpu.vector_store %arg8[%swap3A_56], %swap3A_59 {strides = array<i32>} : memref<80xi32, #tpu.memory_space<vmem>>, vector<16xi32>,
        %mul3A_60 = arith.constant 80 : i32
        %mul3A_61 = arith.muli %add3A_30, %mul3A_60 : i32
        %add3A_62 = arith.constant 32 : i32
        %add3A_63 = arith.addi %mul3A_61, %add3A_62 : i32
        %get3A_64 = arith.index_cast %add3A_63 : i32 to index
        %get3A_65 = tpu.vector_load %arg6[%get3A_64] {strides = array<i32>} : memref<10000xi32, #tpu.memory_space<vmem>>, vector<16xi32>,
        %get3A_66 = vector.shape_cast %get3A_65 : vector<16xi32> to vector<16xi32>
        %swap3A_67 = arith.constant 32 : index
        %swap3A_68 = tpu.vector_load %arg8[%swap3A_67] {strides = array<i32>} : memref<80xi32, #tpu.memory_space<vmem>>, vector<16xi32>,
        %swap3A_69 = vector.shape_cast %swap3A_68 : vector<16xi32> to vector<16xi32>
        %swap3A_70 = vector.shape_cast %get3A_66 : vector<16xi32> to vector<16xi32>
        tpu.vector_store %arg8[%swap3A_67], %swap3A_70 {strides = array<i32>} : memref<80xi32, #tpu.memory_space<vmem>>, vector<16xi32>,
        %mul3A_71 = arith.constant 80 : i32
        %mul3A_72 = arith.muli %add3A_30, %mul3A_71 : i32
        %add3A_73 = arith.constant 48 : i32
        %add3A_74 = arith.addi %mul3A_72, %add3A_73 : i32
        %get3A_75 = arith.index_cast %add3A_74 : i32 to index
        %get3A_76 = tpu.vector_load %arg6[%get3A_75] {strides = array<i32>} : memref<10000xi32, #tpu.memory_space<vmem>>, vector<16xi32>,
        %get3A_77 = vector.shape_cast %get3A_76 : vector<16xi32> to vector<16xi32>
        %swap3A_78 = arith.constant 48 : index
        %swap3A_79 = tpu.vector_load %arg8[%swap3A_78] {strides = array<i32>} : memref<80xi32, #tpu.memory_space<vmem>>, vector<16xi32>,
        %swap3A_80 = vector.shape_cast %swap3A_79 : vector<16xi32> to vector<16xi32>
        %swap3A_81 = vector.shape_cast %get3A_77 : vector<16xi32> to vector<16xi32>
        tpu.vector_store %arg8[%swap3A_78], %swap3A_81 {strides = array<i32>} : memref<80xi32, #tpu.memory_space<vmem>>, vector<16xi32>,
        %mul3A_82 = arith.constant 80 : i32
        %mul3A_83 = arith.muli %add3A_30, %mul3A_82 : i32
        %add3A_84 = arith.constant 64 : i32
        %add3A_85 = arith.addi %mul3A_83, %add3A_84 : i32
        %get3A_86 = arith.index_cast %add3A_85 : i32 to index
        %get3A_87 = tpu.vector_load %arg6[%get3A_86] {strides = array<i32>} : memref<10000xi32, #tpu.memory_space<vmem>>, vector<16xi32>,
        %get3A_88 = vector.shape_cast %get3A_87 : vector<16xi32> to vector<16xi32>
        %swap3A_89 = arith.constant 64 : index
        %swap3A_90 = tpu.vector_load %arg8[%swap3A_89] {strides = array<i32>} : memref<80xi32, #tpu.memory_space<vmem>>, vector<16xi32>,
        %swap3A_91 = vector.shape_cast %swap3A_90 : vector<16xi32> to vector<16xi32>
        %swap3A_92 = vector.shape_cast %get3A_88 : vector<16xi32> to vector<16xi32>
        tpu.vector_store %arg8[%swap3A_89], %swap3A_92 {strides = array<i32>} : memref<80xi32, #tpu.memory_space<vmem>>, vector<16xi32>,
        %dma_start3A = arith.constant 0 : i32
        %dma_start3A_93 = arith.constant 0 : i32
        %dma_start3A_94 = tpu.memref_slice %arg5[%dma_start3A, %dma_start3A_93] : memref<10112x128xf32, #tpu.memory_space<vmem_shared>> -> memref<10112x128xf32, #tpu.memory_space<vmem_shared>>
        tpu.enqueue_indirect_dma source(%arg9 : memref<80x128xf32, #tpu.memory_space<vmem>>) target(%dma_start3A_94 : memref<10112x128xf32, #tpu.memory_space<vmem_shared>>) offsets(%arg8 : memref<80xi32, #tpu.memory_space<vmem>>) semaphore(%arg11 : memref<!tpu.dma_semaphore, #tpu.memory_space<semaphore_mem>>) {add = true}
      } else {
      }
    }
    %scan3A_15 = arith.constant 63 : i32
    %dma_wait3A = arith.constant 0 : i32
    %dma_wait3A_16 = arith.constant 0 : i32
    %dma_wait3A_17 = tpu.memref_slice %arg5[%dma_wait3A, %dma_wait3A_16] : memref<10112x128xf32, #tpu.memory_space<vmem_shared>> -> memref<10112x128xf32, #tpu.memory_space<vmem_shared>>
    tpu.wait_indirect_dma semaphore(%arg10 : memref<!tpu.dma_semaphore, #tpu.memory_space<semaphore_mem>>) src(%arg9 : memref<80x128xf32, #tpu.memory_space<vmem>>) dst(%dma_wait3A_17 : memref<10112x128xf32, #tpu.memory_space<vmem_shared>>)
    %dma_wait3A_18 = arith.constant 0 : i32
    %dma_wait3A_19 = arith.constant 0 : i32
    %dma_wait3A_20 = tpu.memref_slice %arg5[%dma_wait3A_18, %dma_wait3A_19] : memref<10112x128xf32, #tpu.memory_space<vmem_shared>> -> memref<10112x128xf32, #tpu.memory_space<vmem_shared>>
    tpu.wait_indirect_dma semaphore(%arg11 : memref<!tpu.dma_semaphore, #tpu.memory_space<semaphore_mem>>) src(%arg9 : memref<80x128xf32, #tpu.memory_space<vmem>>) dst(%dma_wait3A_20 : memref<10112x128xf32, #tpu.memory_space<vmem_shared>>)
    %barrier3A_21 = arith.constant 0 : index
    tpu.barrier barrier_id(%barrier3A_21)
    "tpu.region"() ({
      %run_scoped3A = tpu.sem_alloc : memref<!tpu.dma_semaphore, #tpu.memory_space<semaphore_mem>>
      %dma_start3A = arith.constant 0 : i32
      %dma_start3A_22 = tpu.memref_slice %arg4[%arg0, %mul3A_0, %dma_start3A] : memref<2x10112x128xf32, #tpu.memory_space<hbm>> -> memref<1x632x128xf32, #tpu.memory_space<hbm>>
      %dma_start3A_23 = tpu.memref_squeeze %dma_start3A_22 : memref<1x632x128xf32, #tpu.memory_space<hbm>> -> memref<632x128xf32, #tpu.memory_space<hbm>>
      %dma_start3A_24 = arith.constant 0 : i32
      %dma_start3A_25 = tpu.memref_slice %arg5[%mul3A_0, %dma_start3A_24] : memref<10112x128xf32, #tpu.memory_space<vmem_shared>> -> memref<632x128xf32, #tpu.memory_space<vmem_shared>>
      tpu.enqueue_dma source(%dma_start3A_25 : memref<632x128xf32, #tpu.memory_space<vmem_shared>>) target(%dma_start3A_23 : memref<632x128xf32, #tpu.memory_space<hbm>>) target_semaphore(%run_scoped3A : memref<!tpu.dma_semaphore, #tpu.memory_space<semaphore_mem>>)
      %dma_wait3A_26 = arith.constant 0 : i32
      %dma_wait3A_27 = tpu.memref_slice %arg4[%arg0, %mul3A_0, %dma_wait3A_26] : memref<2x10112x128xf32, #tpu.memory_space<hbm>> -> memref<1x632x128xf32, #tpu.memory_space<hbm>>
      %dma_wait3A_28 = tpu.memref_squeeze %dma_wait3A_27 : memref<1x632x128xf32, #tpu.memory_space<hbm>> -> memref<632x128xf32, #tpu.memory_space<hbm>>
      %dma_wait3A_29 = arith.constant 0 : i32
      %dma_wait3A_30 = tpu.memref_slice %arg5[%mul3A_0, %dma_wait3A_29] : memref<10112x128xf32, #tpu.memory_space<vmem_shared>> -> memref<632x128xf32, #tpu.memory_space<vmem_shared>>
      tpu.wait_dma2 semaphore(%run_scoped3A : memref<!tpu.dma_semaphore, #tpu.memory_space<semaphore_mem>>) src(%dma_wait3A_30 : memref<632x128xf32, #tpu.memory_space<vmem_shared>>) dst(%dma_wait3A_28 : memref<632x128xf32, #tpu.memory_space<hbm>>)
      tpu.yield
    }) : () -> ()
    return
  }
}

#map = affine_map<(d0, d1) -> (0, 0)>
#map1 = affine_map<(d0, d1) -> (0)>
#map2 = affine_map<(d0, d1) -> (0, 0, 0)>
module attributes {stable_mosaic.version = 14 : i64} {
  func.func @_mp(%arg0: i32, %arg1: i32, %arg2: memref<10112x128xf32, #tpu.memory_space<hbm>>, %arg3: memref<320000xi32, #tpu.memory_space<hbm>>, %arg4: memref<320000xi32, #tpu.memory_space<hbm>>, %arg5: memref<632x128xf32, #tpu.memory_space<hbm>>, %arg6: memref<2x10112x128xf32, #tpu.memory_space<hbm>>, %arg7: memref<10112x128xf32, #tpu.memory_space<vmem_shared>>, %arg8: memref<10000xi32, #tpu.memory_space<vmem>>, %arg9: memref<10000xi32, #tpu.memory_space<vmem>>, %arg10: memref<80xi32, #tpu.memory_space<vmem>>, %arg11: memref<80xi32, #tpu.memory_space<vmem>>, %arg12: memref<80x128xf32, #tpu.memory_space<vmem>>, %arg13: memref<80x128xf32, #tpu.memory_space<vmem>>, %arg14: memref<!tpu.dma_semaphore, #tpu.memory_space<semaphore_mem>>, %arg15: memref<!tpu.dma_semaphore, #tpu.memory_space<semaphore_mem>>, %arg16: memref<!tpu.dma_semaphore, #tpu.memory_space<semaphore_mem>>, %arg17: memref<!tpu.dma_semaphore, #tpu.memory_space<semaphore_mem>>) attributes {dimension_semantics = [#tpu.dimension_semantics<core_parallel>, #tpu.dimension_semantics<subcore_parallel>], iteration_bounds = array<i64: 2, 16>, scalar_prefetch = 0 : i64, scratch_operands = 11 : i64, tpu.core_type = #tpu.core_type<sc_vector_subcore>, window_params = [{transform_indices = #map}, {transform_indices = #map1}, {transform_indices = #map1}, {transform_indices = #map}, {transform_indices = #map2}]} {
    %mul3A = arith.constant 632 : i32
    %mul3A_0 = arith.muli %arg1, %mul3A : i32
    %mul3A_1 = arith.constant 16 : i32
    %mul3A_2 = arith.muli %arg0, %mul3A_1 : i32
    %add3A = arith.addi %mul3A_2, %arg1 : i32
    %mul3A_3 = arith.constant 10000 : i32
    %mul3A_4 = arith.muli %add3A, %mul3A_3 : i32
    "tpu.region"() ({
      %run_scoped3A = tpu.sem_alloc : memref<!tpu.dma_semaphore, #tpu.memory_space<semaphore_mem>>
      %dma_start3A_53 = tpu.memref_slice %arg3[%mul3A_4] : memref<320000xi32, #tpu.memory_space<hbm>> -> memref<10000xi32, #tpu.memory_space<hbm>>
      %dma_start3A_54 = tpu.memref_slice %arg3[%mul3A_4] : memref<320000xi32, #tpu.memory_space<hbm>> -> memref<10000xi32, #tpu.memory_space<hbm>>
      tpu.enqueue_dma source(%dma_start3A_54 : memref<10000xi32, #tpu.memory_space<hbm>>) target(%arg8 : memref<10000xi32, #tpu.memory_space<vmem>>) target_semaphore(%run_scoped3A : memref<!tpu.dma_semaphore, #tpu.memory_space<semaphore_mem>>)
      %dma_wait3A_55 = tpu.memref_slice %arg3[%mul3A_4] : memref<320000xi32, #tpu.memory_space<hbm>> -> memref<10000xi32, #tpu.memory_space<hbm>>
      %dma_wait3A_56 = tpu.memref_slice %arg3[%mul3A_4] : memref<320000xi32, #tpu.memory_space<hbm>> -> memref<10000xi32, #tpu.memory_space<hbm>>
      tpu.wait_dma2 semaphore(%run_scoped3A : memref<!tpu.dma_semaphore, #tpu.memory_space<semaphore_mem>>) src(%dma_wait3A_56 : memref<10000xi32, #tpu.memory_space<hbm>>) dst(%arg8 : memref<10000xi32, #tpu.memory_space<vmem>>)
      tpu.yield
    }) : () -> ()
    "tpu.region"() ({
      %run_scoped3A = tpu.sem_alloc : memref<!tpu.dma_semaphore, #tpu.memory_space<semaphore_mem>>
      %dma_start3A_53 = tpu.memref_slice %arg4[%mul3A_4] : memref<320000xi32, #tpu.memory_space<hbm>> -> memref<10000xi32, #tpu.memory_space<hbm>>
      %dma_start3A_54 = tpu.memref_slice %arg4[%mul3A_4] : memref<320000xi32, #tpu.memory_space<hbm>> -> memref<10000xi32, #tpu.memory_space<hbm>>
      tpu.enqueue_dma source(%dma_start3A_54 : memref<10000xi32, #tpu.memory_space<hbm>>) target(%arg9 : memref<10000xi32, #tpu.memory_space<vmem>>) target_semaphore(%run_scoped3A : memref<!tpu.dma_semaphore, #tpu.memory_space<semaphore_mem>>)
      %dma_wait3A_55 = tpu.memref_slice %arg4[%mul3A_4] : memref<320000xi32, #tpu.memory_space<hbm>> -> memref<10000xi32, #tpu.memory_space<hbm>>
      %dma_wait3A_56 = tpu.memref_slice %arg4[%mul3A_4] : memref<320000xi32, #tpu.memory_space<hbm>> -> memref<10000xi32, #tpu.memory_space<hbm>>
      tpu.wait_dma2 semaphore(%run_scoped3A : memref<!tpu.dma_semaphore, #tpu.memory_space<semaphore_mem>>) src(%dma_wait3A_56 : memref<10000xi32, #tpu.memory_space<hbm>>) dst(%arg9 : memref<10000xi32, #tpu.memory_space<vmem>>)
      tpu.yield
    }) : () -> ()
    "tpu.region"() ({
      %run_scoped3A = tpu.sem_alloc : memref<!tpu.dma_semaphore, #tpu.memory_space<semaphore_mem>>
      %dma_start3A_53 = arith.constant 0 : i32
      %dma_start3A_54 = tpu.memref_slice %arg7[%mul3A_0, %dma_start3A_53] : memref<10112x128xf32, #tpu.memory_space<vmem_shared>> -> memref<632x128xf32, #tpu.memory_space<vmem_shared>>
      tpu.enqueue_dma source(%arg5 : memref<632x128xf32, #tpu.memory_space<hbm>>) target(%dma_start3A_54 : memref<632x128xf32, #tpu.memory_space<vmem_shared>>) target_semaphore(%run_scoped3A : memref<!tpu.dma_semaphore, #tpu.memory_space<semaphore_mem>>)
      %dma_wait3A_55 = arith.constant 0 : i32
      %dma_wait3A_56 = tpu.memref_slice %arg7[%mul3A_0, %dma_wait3A_55] : memref<10112x128xf32, #tpu.memory_space<vmem_shared>> -> memref<632x128xf32, #tpu.memory_space<vmem_shared>>
      tpu.wait_dma2 semaphore(%run_scoped3A : memref<!tpu.dma_semaphore, #tpu.memory_space<semaphore_mem>>) src(%arg5 : memref<632x128xf32, #tpu.memory_space<hbm>>) dst(%dma_wait3A_56 : memref<632x128xf32, #tpu.memory_space<vmem_shared>>)
      tpu.yield
    }) : () -> ()
    %barrier3A = arith.constant 0 : index
    tpu.barrier barrier_id(%barrier3A)
    %get3A = arith.constant 0 : index
    %get3A_5 = tpu.vector_load %arg9[%get3A] {strides = array<i32>} : memref<10000xi32, #tpu.memory_space<vmem>>, vector<16xi32>,
    %get3A_6 = vector.shape_cast %get3A_5 : vector<16xi32> to vector<16xi32>
    %swap3A = arith.constant 0 : index
    %swap3A_7 = tpu.vector_load %arg10[%swap3A] {strides = array<i32>} : memref<80xi32, #tpu.memory_space<vmem>>, vector<16xi32>,
    %swap3A_8 = vector.shape_cast %swap3A_7 : vector<16xi32> to vector<16xi32>
    %swap3A_9 = vector.shape_cast %get3A_6 : vector<16xi32> to vector<16xi32>
    tpu.vector_store %arg10[%swap3A], %swap3A_9 {strides = array<i32>} : memref<80xi32, #tpu.memory_space<vmem>>, vector<16xi32>,
    %get3A_10 = arith.constant 16 : index
    %get3A_11 = tpu.vector_load %arg9[%get3A_10] {strides = array<i32>} : memref<10000xi32, #tpu.memory_space<vmem>>, vector<16xi32>,
    %get3A_12 = vector.shape_cast %get3A_11 : vector<16xi32> to vector<16xi32>
    %swap3A_13 = arith.constant 16 : index
    %swap3A_14 = tpu.vector_load %arg10[%swap3A_13] {strides = array<i32>} : memref<80xi32, #tpu.memory_space<vmem>>, vector<16xi32>,
    %swap3A_15 = vector.shape_cast %swap3A_14 : vector<16xi32> to vector<16xi32>
    %swap3A_16 = vector.shape_cast %get3A_12 : vector<16xi32> to vector<16xi32>
    tpu.vector_store %arg10[%swap3A_13], %swap3A_16 {strides = array<i32>} : memref<80xi32, #tpu.memory_space<vmem>>, vector<16xi32>,
    %get3A_17 = arith.constant 32 : index
    %get3A_18 = tpu.vector_load %arg9[%get3A_17] {strides = array<i32>} : memref<10000xi32, #tpu.memory_space<vmem>>, vector<16xi32>,
    %get3A_19 = vector.shape_cast %get3A_18 : vector<16xi32> to vector<16xi32>
    %swap3A_20 = arith.constant 32 : index
    %swap3A_21 = tpu.vector_load %arg10[%swap3A_20] {strides = array<i32>} : memref<80xi32, #tpu.memory_space<vmem>>, vector<16xi32>,
    %swap3A_22 = vector.shape_cast %swap3A_21 : vector<16xi32> to vector<16xi32>
    %swap3A_23 = vector.shape_cast %get3A_19 : vector<16xi32> to vector<16xi32>
    tpu.vector_store %arg10[%swap3A_20], %swap3A_23 {strides = array<i32>} : memref<80xi32, #tpu.memory_space<vmem>>, vector<16xi32>,
    %get3A_24 = arith.constant 48 : index
    %get3A_25 = tpu.vector_load %arg9[%get3A_24] {strides = array<i32>} : memref<10000xi32, #tpu.memory_space<vmem>>, vector<16xi32>,
    %get3A_26 = vector.shape_cast %get3A_25 : vector<16xi32> to vector<16xi32>
    %swap3A_27 = arith.constant 48 : index
    %swap3A_28 = tpu.vector_load %arg10[%swap3A_27] {strides = array<i32>} : memref<80xi32, #tpu.memory_space<vmem>>, vector<16xi32>,
    %swap3A_29 = vector.shape_cast %swap3A_28 : vector<16xi32> to vector<16xi32>
    %swap3A_30 = vector.shape_cast %get3A_26 : vector<16xi32> to vector<16xi32>
    tpu.vector_store %arg10[%swap3A_27], %swap3A_30 {strides = array<i32>} : memref<80xi32, #tpu.memory_space<vmem>>, vector<16xi32>,
    %get3A_31 = arith.constant 64 : index
    %get3A_32 = tpu.vector_load %arg9[%get3A_31] {strides = array<i32>} : memref<10000xi32, #tpu.memory_space<vmem>>, vector<16xi32>,
    %get3A_33 = vector.shape_cast %get3A_32 : vector<16xi32> to vector<16xi32>
    %swap3A_34 = arith.constant 64 : index
    %swap3A_35 = tpu.vector_load %arg10[%swap3A_34] {strides = array<i32>} : memref<80xi32, #tpu.memory_space<vmem>>, vector<16xi32>,
    %swap3A_36 = vector.shape_cast %swap3A_35 : vector<16xi32> to vector<16xi32>
    %swap3A_37 = vector.shape_cast %get3A_33 : vector<16xi32> to vector<16xi32>
    tpu.vector_store %arg10[%swap3A_34], %swap3A_37 {strides = array<i32>} : memref<80xi32, #tpu.memory_space<vmem>>, vector<16xi32>,
    %dma_start3A = arith.constant 0 : i32
    %dma_start3A_38 = tpu.memref_slice %arg8[%dma_start3A] : memref<10000xi32, #tpu.memory_space<vmem>> -> memref<80xi32, #tpu.memory_space<vmem>>
    %dma_start3A_39 = arith.constant 0 : i32
    %dma_start3A_40 = arith.constant 0 : i32
    %dma_start3A_41 = tpu.memref_slice %arg2[%dma_start3A_39, %dma_start3A_40] : memref<10112x128xf32, #tpu.memory_space<hbm>> -> memref<10112x128xf32, #tpu.memory_space<hbm>>
    tpu.enqueue_indirect_dma source(%dma_start3A_41 : memref<10112x128xf32, #tpu.memory_space<hbm>>) target(%arg12 : memref<80x128xf32, #tpu.memory_space<vmem>>) offsets(%dma_start3A_38 : memref<80xi32, #tpu.memory_space<vmem>>) semaphore(%arg14 : memref<!tpu.dma_semaphore, #tpu.memory_space<semaphore_mem>>)
    %scan3A = arith.constant 0 : i32
    %scan3A_42 = arith.constant 0 : i32
    %scan3A_43 = arith.constant 63 : i32
    %scan3A_44 = arith.addi %scan3A_42, %scan3A_43 : i32
    %scan3A_45 = arith.constant 1 : i32
    scf.for %scan3A_53 = %scan3A_42 to %scan3A_44 step %scan3A_45  : i32 {
      %mul3A_54 = arith.constant 2 : i32
      %mul3A_55 = arith.muli %mul3A_54, %scan3A_53 : i32
      %mul3A_56 = arith.constant 80 : i32
      %mul3A_57 = arith.muli %mul3A_55, %mul3A_56 : i32
      %dma_wait3A_58 = tpu.memref_slice %arg8[%mul3A_57] : memref<10000xi32, #tpu.memory_space<vmem>> -> memref<80xi32, #tpu.memory_space<vmem>>
      %dma_wait3A_59 = arith.constant 0 : i32
      %dma_wait3A_60 = arith.constant 0 : i32
      %dma_wait3A_61 = tpu.memref_slice %arg2[%dma_wait3A_59, %dma_wait3A_60] : memref<10112x128xf32, #tpu.memory_space<hbm>> -> memref<10112x128xf32, #tpu.memory_space<hbm>>
      tpu.wait_indirect_dma semaphore(%arg14 : memref<!tpu.dma_semaphore, #tpu.memory_space<semaphore_mem>>) src(%dma_wait3A_61 : memref<10112x128xf32, #tpu.memory_space<hbm>>) dst(%arg12 : memref<80x128xf32, #tpu.memory_space<vmem>>)
      %dma_start3A_62 = arith.constant 0 : i32
      %dma_start3A_63 = arith.constant 0 : i32
      %dma_start3A_64 = tpu.memref_slice %arg7[%dma_start3A_62, %dma_start3A_63] : memref<10112x128xf32, #tpu.memory_space<vmem_shared>> -> memref<10112x128xf32, #tpu.memory_space<vmem_shared>>
      tpu.enqueue_indirect_dma source(%arg12 : memref<80x128xf32, #tpu.memory_space<vmem>>) target(%dma_start3A_64 : memref<10112x128xf32, #tpu.memory_space<vmem_shared>>) offsets(%arg10 : memref<80xi32, #tpu.memory_space<vmem>>) semaphore(%arg16 : memref<!tpu.dma_semaphore, #tpu.memory_space<semaphore_mem>>) {add = true}
      %add3A_65 = arith.constant 1 : i32
      %add3A_66 = arith.addi %mul3A_55, %add3A_65 : i32
      %lt3A = arith.constant 125 : i32
      %lt3A_67 = arith.cmpi slt, %add3A_66, %lt3A : i32
      %convert_element_type3A = arith.extui %lt3A_67 : i1 to i32
      %cond3A = arith.constant 0 : i32
      %cond3A_68 = arith.cmpi ne, %convert_element_type3A, %cond3A : i32
      scf.if %cond3A_68 {
        %ge3A = arith.constant 1 : i32
        %ge3A_78 = arith.cmpi sge, %mul3A_55, %ge3A : i32
        %convert_element_type3A_79 = arith.extui %ge3A_78 : i1 to i32
        %cond3A_80 = arith.constant 0 : i32
        %cond3A_81 = arith.cmpi ne, %convert_element_type3A_79, %cond3A_80 : i32
        scf.if %cond3A_81 {
          %dma_wait3A_147 = arith.constant 0 : i32
          %dma_wait3A_148 = arith.constant 0 : i32
          %dma_wait3A_149 = tpu.memref_slice %arg7[%dma_wait3A_147, %dma_wait3A_148] : memref<10112x128xf32, #tpu.memory_space<vmem_shared>> -> memref<10112x128xf32, #tpu.memory_space<vmem_shared>>
          tpu.wait_indirect_dma semaphore(%arg17 : memref<!tpu.dma_semaphore, #tpu.memory_space<semaphore_mem>>) src(%arg13 : memref<80x128xf32, #tpu.memory_space<vmem>>) dst(%dma_wait3A_149 : memref<10112x128xf32, #tpu.memory_space<vmem_shared>>)
        } else {
        }
        %add3A_82 = arith.constant 1 : i32
        %add3A_83 = arith.addi %mul3A_55, %add3A_82 : i32
        %mul3A_84 = arith.constant 80 : i32
        %mul3A_85 = arith.muli %add3A_83, %mul3A_84 : i32
        %add3A_86 = arith.constant 0 : i32
        %add3A_87 = arith.addi %mul3A_85, %add3A_86 : i32
        %get3A_88 = arith.index_cast %add3A_87 : i32 to index
        %get3A_89 = tpu.vector_load %arg9[%get3A_88] {strides = array<i32>} : memref<10000xi32, #tpu.memory_space<vmem>>, vector<16xi32>,
        %get3A_90 = vector.shape_cast %get3A_89 : vector<16xi32> to vector<16xi32>
        %swap3A_91 = arith.constant 0 : index
        %swap3A_92 = tpu.vector_load %arg11[%swap3A_91] {strides = array<i32>} : memref<80xi32, #tpu.memory_space<vmem>>, vector<16xi32>,
        %swap3A_93 = vector.shape_cast %swap3A_92 : vector<16xi32> to vector<16xi32>
        %swap3A_94 = vector.shape_cast %get3A_90 : vector<16xi32> to vector<16xi32>
        tpu.vector_store %arg11[%swap3A_91], %swap3A_94 {strides = array<i32>} : memref<80xi32, #tpu.memory_space<vmem>>, vector<16xi32>,
        %mul3A_95 = arith.constant 80 : i32
        %mul3A_96 = arith.muli %add3A_83, %mul3A_95 : i32
        %add3A_97 = arith.constant 16 : i32
        %add3A_98 = arith.addi %mul3A_96, %add3A_97 : i32
        %get3A_99 = arith.index_cast %add3A_98 : i32 to index
        %get3A_100 = tpu.vector_load %arg9[%get3A_99] {strides = array<i32>} : memref<10000xi32, #tpu.memory_space<vmem>>, vector<16xi32>,
        %get3A_101 = vector.shape_cast %get3A_100 : vector<16xi32> to vector<16xi32>
        %swap3A_102 = arith.constant 16 : index
        %swap3A_103 = tpu.vector_load %arg11[%swap3A_102] {strides = array<i32>} : memref<80xi32, #tpu.memory_space<vmem>>, vector<16xi32>,
        %swap3A_104 = vector.shape_cast %swap3A_103 : vector<16xi32> to vector<16xi32>
        %swap3A_105 = vector.shape_cast %get3A_101 : vector<16xi32> to vector<16xi32>
        tpu.vector_store %arg11[%swap3A_102], %swap3A_105 {strides = array<i32>} : memref<80xi32, #tpu.memory_space<vmem>>, vector<16xi32>,
        %mul3A_106 = arith.constant 80 : i32
        %mul3A_107 = arith.muli %add3A_83, %mul3A_106 : i32
        %add3A_108 = arith.constant 32 : i32
        %add3A_109 = arith.addi %mul3A_107, %add3A_108 : i32
        %get3A_110 = arith.index_cast %add3A_109 : i32 to index
        %get3A_111 = tpu.vector_load %arg9[%get3A_110] {strides = array<i32>} : memref<10000xi32, #tpu.memory_space<vmem>>, vector<16xi32>,
        %get3A_112 = vector.shape_cast %get3A_111 : vector<16xi32> to vector<16xi32>
        %swap3A_113 = arith.constant 32 : index
        %swap3A_114 = tpu.vector_load %arg11[%swap3A_113] {strides = array<i32>} : memref<80xi32, #tpu.memory_space<vmem>>, vector<16xi32>,
        %swap3A_115 = vector.shape_cast %swap3A_114 : vector<16xi32> to vector<16xi32>
        %swap3A_116 = vector.shape_cast %get3A_112 : vector<16xi32> to vector<16xi32>
        tpu.vector_store %arg11[%swap3A_113], %swap3A_116 {strides = array<i32>} : memref<80xi32, #tpu.memory_space<vmem>>, vector<16xi32>,
        %mul3A_117 = arith.constant 80 : i32
        %mul3A_118 = arith.muli %add3A_83, %mul3A_117 : i32
        %add3A_119 = arith.constant 48 : i32
        %add3A_120 = arith.addi %mul3A_118, %add3A_119 : i32
        %get3A_121 = arith.index_cast %add3A_120 : i32 to index
        %get3A_122 = tpu.vector_load %arg9[%get3A_121] {strides = array<i32>} : memref<10000xi32, #tpu.memory_space<vmem>>, vector<16xi32>,
        %get3A_123 = vector.shape_cast %get3A_122 : vector<16xi32> to vector<16xi32>
        %swap3A_124 = arith.constant 48 : index
        %swap3A_125 = tpu.vector_load %arg11[%swap3A_124] {strides = array<i32>} : memref<80xi32, #tpu.memory_space<vmem>>, vector<16xi32>,
        %swap3A_126 = vector.shape_cast %swap3A_125 : vector<16xi32> to vector<16xi32>
        %swap3A_127 = vector.shape_cast %get3A_123 : vector<16xi32> to vector<16xi32>
        tpu.vector_store %arg11[%swap3A_124], %swap3A_127 {strides = array<i32>} : memref<80xi32, #tpu.memory_space<vmem>>, vector<16xi32>,
        %mul3A_128 = arith.constant 80 : i32
        %mul3A_129 = arith.muli %add3A_83, %mul3A_128 : i32
        %add3A_130 = arith.constant 64 : i32
        %add3A_131 = arith.addi %mul3A_129, %add3A_130 : i32
        %get3A_132 = arith.index_cast %add3A_131 : i32 to index
        %get3A_133 = tpu.vector_load %arg9[%get3A_132] {strides = array<i32>} : memref<10000xi32, #tpu.memory_space<vmem>>, vector<16xi32>,
        %get3A_134 = vector.shape_cast %get3A_133 : vector<16xi32> to vector<16xi32>
        %swap3A_135 = arith.constant 64 : index
        %swap3A_136 = tpu.vector_load %arg11[%swap3A_135] {strides = array<i32>} : memref<80xi32, #tpu.memory_space<vmem>>, vector<16xi32>,
        %swap3A_137 = vector.shape_cast %swap3A_136 : vector<16xi32> to vector<16xi32>
        %swap3A_138 = vector.shape_cast %get3A_134 : vector<16xi32> to vector<16xi32>
        tpu.vector_store %arg11[%swap3A_135], %swap3A_138 {strides = array<i32>} : memref<80xi32, #tpu.memory_space<vmem>>, vector<16xi32>,
        %add3A_139 = arith.constant 1 : i32
        %add3A_140 = arith.addi %mul3A_55, %add3A_139 : i32
        %mul3A_141 = arith.constant 80 : i32
        %mul3A_142 = arith.muli %add3A_140, %mul3A_141 : i32
        %dma_start3A_143 = tpu.memref_slice %arg8[%mul3A_142] : memref<10000xi32, #tpu.memory_space<vmem>> -> memref<80xi32, #tpu.memory_space<vmem>>
        %dma_start3A_144 = arith.constant 0 : i32
        %dma_start3A_145 = arith.constant 0 : i32
        %dma_start3A_146 = tpu.memref_slice %arg2[%dma_start3A_144, %dma_start3A_145] : memref<10112x128xf32, #tpu.memory_space<hbm>> -> memref<10112x128xf32, #tpu.memory_space<hbm>>
        tpu.enqueue_indirect_dma source(%dma_start3A_146 : memref<10112x128xf32, #tpu.memory_space<hbm>>) target(%arg13 : memref<80x128xf32, #tpu.memory_space<vmem>>) offsets(%dma_start3A_143 : memref<80xi32, #tpu.memory_space<vmem>>) semaphore(%arg15 : memref<!tpu.dma_semaphore, #tpu.memory_space<semaphore_mem>>)
      } else {
      }
      %mul3A_69 = arith.constant 2 : i32
      %mul3A_70 = arith.muli %mul3A_69, %scan3A_53 : i32
      %add3A_71 = arith.constant 1 : i32
      %add3A_72 = arith.addi %mul3A_70, %add3A_71 : i32
      %lt3A_73 = arith.constant 125 : i32
      %lt3A_74 = arith.cmpi slt, %add3A_72, %lt3A_73 : i32
      %convert_element_type3A_75 = arith.extui %lt3A_74 : i1 to i32
      %cond3A_76 = arith.constant 0 : i32
      %cond3A_77 = arith.cmpi ne, %convert_element_type3A_75, %cond3A_76 : i32
      scf.if %cond3A_77 {
        %mul3A_78 = arith.constant 80 : i32
        %mul3A_79 = arith.muli %add3A_72, %mul3A_78 : i32
        %dma_wait3A_80 = tpu.memref_slice %arg8[%mul3A_79] : memref<10000xi32, #tpu.memory_space<vmem>> -> memref<80xi32, #tpu.memory_space<vmem>>
        %dma_wait3A_81 = arith.constant 0 : i32
        %dma_wait3A_82 = arith.constant 0 : i32
        %dma_wait3A_83 = tpu.memref_slice %arg2[%dma_wait3A_81, %dma_wait3A_82] : memref<10112x128xf32, #tpu.memory_space<hbm>> -> memref<10112x128xf32, #tpu.memory_space<hbm>>
        tpu.wait_indirect_dma semaphore(%arg15 : memref<!tpu.dma_semaphore, #tpu.memory_space<semaphore_mem>>) src(%dma_wait3A_83 : memref<10112x128xf32, #tpu.memory_space<hbm>>) dst(%arg13 : memref<80x128xf32, #tpu.memory_space<vmem>>)
        %dma_start3A_84 = arith.constant 0 : i32
        %dma_start3A_85 = arith.constant 0 : i32
        %dma_start3A_86 = tpu.memref_slice %arg7[%dma_start3A_84, %dma_start3A_85] : memref<10112x128xf32, #tpu.memory_space<vmem_shared>> -> memref<10112x128xf32, #tpu.memory_space<vmem_shared>>
        tpu.enqueue_indirect_dma source(%arg13 : memref<80x128xf32, #tpu.memory_space<vmem>>) target(%dma_start3A_86 : memref<10112x128xf32, #tpu.memory_space<vmem_shared>>) offsets(%arg11 : memref<80xi32, #tpu.memory_space<vmem>>) semaphore(%arg17 : memref<!tpu.dma_semaphore, #tpu.memory_space<semaphore_mem>>) {add = true}
        %add3A_87 = arith.constant 1 : i32
        %add3A_88 = arith.addi %add3A_72, %add3A_87 : i32
        %lt3A_89 = arith.constant 125 : i32
        %lt3A_90 = arith.cmpi slt, %add3A_88, %lt3A_89 : i32
        %convert_element_type3A_91 = arith.extui %lt3A_90 : i1 to i32
        %cond3A_92 = arith.constant 0 : i32
        %cond3A_93 = arith.cmpi ne, %convert_element_type3A_91, %cond3A_92 : i32
        scf.if %cond3A_93 {
          %dma_wait3A_94 = arith.constant 0 : i32
          %dma_wait3A_95 = arith.constant 0 : i32
          %dma_wait3A_96 = tpu.memref_slice %arg7[%dma_wait3A_94, %dma_wait3A_95] : memref<10112x128xf32, #tpu.memory_space<vmem_shared>> -> memref<10112x128xf32, #tpu.memory_space<vmem_shared>>
          tpu.wait_indirect_dma semaphore(%arg16 : memref<!tpu.dma_semaphore, #tpu.memory_space<semaphore_mem>>) src(%arg12 : memref<80x128xf32, #tpu.memory_space<vmem>>) dst(%dma_wait3A_96 : memref<10112x128xf32, #tpu.memory_space<vmem_shared>>)
          %add3A_97 = arith.constant 1 : i32
          %add3A_98 = arith.addi %add3A_72, %add3A_97 : i32
          %mul3A_99 = arith.constant 80 : i32
          %mul3A_100 = arith.muli %add3A_98, %mul3A_99 : i32
          %add3A_101 = arith.constant 0 : i32
          %add3A_102 = arith.addi %mul3A_100, %add3A_101 : i32
          %get3A_103 = arith.index_cast %add3A_102 : i32 to index
          %get3A_104 = tpu.vector_load %arg9[%get3A_103] {strides = array<i32>} : memref<10000xi32, #tpu.memory_space<vmem>>, vector<16xi32>,
          %get3A_105 = vector.shape_cast %get3A_104 : vector<16xi32> to vector<16xi32>
          %swap3A_106 = arith.constant 0 : index
          %swap3A_107 = tpu.vector_load %arg10[%swap3A_106] {strides = array<i32>} : memref<80xi32, #tpu.memory_space<vmem>>, vector<16xi32>,
          %swap3A_108 = vector.shape_cast %swap3A_107 : vector<16xi32> to vector<16xi32>
          %swap3A_109 = vector.shape_cast %get3A_105 : vector<16xi32> to vector<16xi32>
          tpu.vector_store %arg10[%swap3A_106], %swap3A_109 {strides = array<i32>} : memref<80xi32, #tpu.memory_space<vmem>>, vector<16xi32>,
          %mul3A_110 = arith.constant 80 : i32
          %mul3A_111 = arith.muli %add3A_98, %mul3A_110 : i32
          %add3A_112 = arith.constant 16 : i32
          %add3A_113 = arith.addi %mul3A_111, %add3A_112 : i32
          %get3A_114 = arith.index_cast %add3A_113 : i32 to index
          %get3A_115 = tpu.vector_load %arg9[%get3A_114] {strides = array<i32>} : memref<10000xi32, #tpu.memory_space<vmem>>, vector<16xi32>,
          %get3A_116 = vector.shape_cast %get3A_115 : vector<16xi32> to vector<16xi32>
          %swap3A_117 = arith.constant 16 : index
          %swap3A_118 = tpu.vector_load %arg10[%swap3A_117] {strides = array<i32>} : memref<80xi32, #tpu.memory_space<vmem>>, vector<16xi32>,
          %swap3A_119 = vector.shape_cast %swap3A_118 : vector<16xi32> to vector<16xi32>
          %swap3A_120 = vector.shape_cast %get3A_116 : vector<16xi32> to vector<16xi32>
          tpu.vector_store %arg10[%swap3A_117], %swap3A_120 {strides = array<i32>} : memref<80xi32, #tpu.memory_space<vmem>>, vector<16xi32>,
          %mul3A_121 = arith.constant 80 : i32
          %mul3A_122 = arith.muli %add3A_98, %mul3A_121 : i32
          %add3A_123 = arith.constant 32 : i32
          %add3A_124 = arith.addi %mul3A_122, %add3A_123 : i32
          %get3A_125 = arith.index_cast %add3A_124 : i32 to index
          %get3A_126 = tpu.vector_load %arg9[%get3A_125] {strides = array<i32>} : memref<10000xi32, #tpu.memory_space<vmem>>, vector<16xi32>,
          %get3A_127 = vector.shape_cast %get3A_126 : vector<16xi32> to vector<16xi32>
          %swap3A_128 = arith.constant 32 : index
          %swap3A_129 = tpu.vector_load %arg10[%swap3A_128] {strides = array<i32>} : memref<80xi32, #tpu.memory_space<vmem>>, vector<16xi32>,
          %swap3A_130 = vector.shape_cast %swap3A_129 : vector<16xi32> to vector<16xi32>
          %swap3A_131 = vector.shape_cast %get3A_127 : vector<16xi32> to vector<16xi32>
          tpu.vector_store %arg10[%swap3A_128], %swap3A_131 {strides = array<i32>} : memref<80xi32, #tpu.memory_space<vmem>>, vector<16xi32>,
          %mul3A_132 = arith.constant 80 : i32
          %mul3A_133 = arith.muli %add3A_98, %mul3A_132 : i32
          %add3A_134 = arith.constant 48 : i32
          %add3A_135 = arith.addi %mul3A_133, %add3A_134 : i32
          %get3A_136 = arith.index_cast %add3A_135 : i32 to index
          %get3A_137 = tpu.vector_load %arg9[%get3A_136] {strides = array<i32>} : memref<10000xi32, #tpu.memory_space<vmem>>, vector<16xi32>,
          %get3A_138 = vector.shape_cast %get3A_137 : vector<16xi32> to vector<16xi32>
          %swap3A_139 = arith.constant 48 : index
          %swap3A_140 = tpu.vector_load %arg10[%swap3A_139] {strides = array<i32>} : memref<80xi32, #tpu.memory_space<vmem>>, vector<16xi32>,
          %swap3A_141 = vector.shape_cast %swap3A_140 : vector<16xi32> to vector<16xi32>
          %swap3A_142 = vector.shape_cast %get3A_138 : vector<16xi32> to vector<16xi32>
          tpu.vector_store %arg10[%swap3A_139], %swap3A_142 {strides = array<i32>} : memref<80xi32, #tpu.memory_space<vmem>>, vector<16xi32>,
          %mul3A_143 = arith.constant 80 : i32
          %mul3A_144 = arith.muli %add3A_98, %mul3A_143 : i32
          %add3A_145 = arith.constant 64 : i32
          %add3A_146 = arith.addi %mul3A_144, %add3A_145 : i32
          %get3A_147 = arith.index_cast %add3A_146 : i32 to index
          %get3A_148 = tpu.vector_load %arg9[%get3A_147] {strides = array<i32>} : memref<10000xi32, #tpu.memory_space<vmem>>, vector<16xi32>,
          %get3A_149 = vector.shape_cast %get3A_148 : vector<16xi32> to vector<16xi32>
          %swap3A_150 = arith.constant 64 : index
          %swap3A_151 = tpu.vector_load %arg10[%swap3A_150] {strides = array<i32>} : memref<80xi32, #tpu.memory_space<vmem>>, vector<16xi32>,
          %swap3A_152 = vector.shape_cast %swap3A_151 : vector<16xi32> to vector<16xi32>
          %swap3A_153 = vector.shape_cast %get3A_149 : vector<16xi32> to vector<16xi32>
          tpu.vector_store %arg10[%swap3A_150], %swap3A_153 {strides = array<i32>} : memref<80xi32, #tpu.memory_space<vmem>>, vector<16xi32>,
          %add3A_154 = arith.constant 1 : i32
          %add3A_155 = arith.addi %add3A_72, %add3A_154 : i32
          %mul3A_156 = arith.constant 80 : i32
          %mul3A_157 = arith.muli %add3A_155, %mul3A_156 : i32
          %dma_start3A_158 = tpu.memref_slice %arg8[%mul3A_157] : memref<10000xi32, #tpu.memory_space<vmem>> -> memref<80xi32, #tpu.memory_space<vmem>>
          %dma_start3A_159 = arith.constant 0 : i32
          %dma_start3A_160 = arith.constant 0 : i32
          %dma_start3A_161 = tpu.memref_slice %arg2[%dma_start3A_159, %dma_start3A_160] : memref<10112x128xf32, #tpu.memory_space<hbm>> -> memref<10112x128xf32, #tpu.memory_space<hbm>>
          tpu.enqueue_indirect_dma source(%dma_start3A_161 : memref<10112x128xf32, #tpu.memory_space<hbm>>) target(%arg12 : memref<80x128xf32, #tpu.memory_space<vmem>>) offsets(%dma_start3A_158 : memref<80xi32, #tpu.memory_space<vmem>>) semaphore(%arg14 : memref<!tpu.dma_semaphore, #tpu.memory_space<semaphore_mem>>)
        } else {
        }
      } else {
      }
    }
    %scan3A_46 = arith.constant 63 : i32
    %dma_wait3A = arith.constant 0 : i32
    %dma_wait3A_47 = arith.constant 0 : i32
    %dma_wait3A_48 = tpu.memref_slice %arg7[%dma_wait3A, %dma_wait3A_47] : memref<10112x128xf32, #tpu.memory_space<vmem_shared>> -> memref<10112x128xf32, #tpu.memory_space<vmem_shared>>
    tpu.wait_indirect_dma semaphore(%arg16 : memref<!tpu.dma_semaphore, #tpu.memory_space<semaphore_mem>>) src(%arg12 : memref<80x128xf32, #tpu.memory_space<vmem>>) dst(%dma_wait3A_48 : memref<10112x128xf32, #tpu.memory_space<vmem_shared>>)
    %dma_wait3A_49 = arith.constant 0 : i32
    %dma_wait3A_50 = arith.constant 0 : i32
    %dma_wait3A_51 = tpu.memref_slice %arg7[%dma_wait3A_49, %dma_wait3A_50] : memref<10112x128xf32, #tpu.memory_space<vmem_shared>> -> memref<10112x128xf32, #tpu.memory_space<vmem_shared>>
    tpu.wait_indirect_dma semaphore(%arg17 : memref<!tpu.dma_semaphore, #tpu.memory_space<semaphore_mem>>) src(%arg13 : memref<80x128xf32, #tpu.memory_space<vmem>>) dst(%dma_wait3A_51 : memref<10112x128xf32, #tpu.memory_space<vmem_shared>>)
    %barrier3A_52 = arith.constant 0 : index
    tpu.barrier barrier_id(%barrier3A_52)
    "tpu.region"() ({
      %run_scoped3A = tpu.sem_alloc : memref<!tpu.dma_semaphore, #tpu.memory_space<semaphore_mem>>
      %dma_start3A_53 = arith.constant 0 : i32
      %dma_start3A_54 = tpu.memref_slice %arg6[%arg0, %mul3A_0, %dma_start3A_53] : memref<2x10112x128xf32, #tpu.memory_space<hbm>> -> memref<1x632x128xf32, #tpu.memory_space<hbm>>
      %dma_start3A_55 = tpu.memref_squeeze %dma_start3A_54 : memref<1x632x128xf32, #tpu.memory_space<hbm>> -> memref<632x128xf32, #tpu.memory_space<hbm>>
      %dma_start3A_56 = arith.constant 0 : i32
      %dma_start3A_57 = tpu.memref_slice %arg7[%mul3A_0, %dma_start3A_56] : memref<10112x128xf32, #tpu.memory_space<vmem_shared>> -> memref<632x128xf32, #tpu.memory_space<vmem_shared>>
      tpu.enqueue_dma source(%dma_start3A_57 : memref<632x128xf32, #tpu.memory_space<vmem_shared>>) target(%dma_start3A_55 : memref<632x128xf32, #tpu.memory_space<hbm>>) target_semaphore(%run_scoped3A : memref<!tpu.dma_semaphore, #tpu.memory_space<semaphore_mem>>)
      %dma_wait3A_58 = arith.constant 0 : i32
      %dma_wait3A_59 = tpu.memref_slice %arg6[%arg0, %mul3A_0, %dma_wait3A_58] : memref<2x10112x128xf32, #tpu.memory_space<hbm>> -> memref<1x632x128xf32, #tpu.memory_space<hbm>>
      %dma_wait3A_60 = tpu.memref_squeeze %dma_wait3A_59 : memref<1x632x128xf32, #tpu.memory_space<hbm>> -> memref<632x128xf32, #tpu.memory_space<hbm>>
      %dma_wait3A_61 = arith.constant 0 : i32
      %dma_wait3A_62 = tpu.memref_slice %arg7[%mul3A_0, %dma_wait3A_61] : memref<10112x128xf32, #tpu.memory_space<vmem_shared>> -> memref<632x128xf32, #tpu.memory_space<vmem_shared>>
      tpu.wait_dma2 semaphore(%run_scoped3A : memref<!tpu.dma_semaphore, #tpu.memory_space<semaphore_mem>>) src(%dma_wait3A_62 : memref<632x128xf32, #tpu.memory_space<vmem_shared>>) dst(%dma_wait3A_60 : memref<632x128xf32, #tpu.memory_space<hbm>>)
      tpu.yield
    }) : () -> ()
    return
  }
}

#map = affine_map<(d0, d1) -> (0, 0)>
#map1 = affine_map<(d0, d1) -> (0)>
#map2 = affine_map<(d0, d1) -> (0, 0, 0)>
module attributes {stable_mosaic.version = 14 : i64} {
  func.func @_mp(%arg0: i32, %arg1: i32, %arg2: memref<10112x128xf32, #tpu.memory_space<hbm>>, %arg3: memref<320000xi32, #tpu.memory_space<hbm>>, %arg4: memref<320000xi32, #tpu.memory_space<hbm>>, %arg5: memref<632x128xf32, #tpu.memory_space<hbm>>, %arg6: memref<2x10112x128xf32, #tpu.memory_space<hbm>>, %arg7: memref<10112x128xf32, #tpu.memory_space<vmem_shared>>, %arg8: memref<10000xi32, #tpu.memory_space<vmem>>, %arg9: memref<10000xi32, #tpu.memory_space<vmem>>, %arg10: memref<80xi32, #tpu.memory_space<vmem>>, %arg11: memref<80xi32, #tpu.memory_space<vmem>>, %arg12: memref<80x128xf32, #tpu.memory_space<vmem>>, %arg13: memref<80x128xf32, #tpu.memory_space<vmem>>, %arg14: memref<!tpu.dma_semaphore, #tpu.memory_space<semaphore_mem>>, %arg15: memref<!tpu.dma_semaphore, #tpu.memory_space<semaphore_mem>>, %arg16: memref<!tpu.dma_semaphore, #tpu.memory_space<semaphore_mem>>, %arg17: memref<!tpu.dma_semaphore, #tpu.memory_space<semaphore_mem>>) attributes {dimension_semantics = [#tpu.dimension_semantics<core_parallel>, #tpu.dimension_semantics<subcore_parallel>], iteration_bounds = array<i64: 2, 16>, scalar_prefetch = 0 : i64, scratch_operands = 11 : i64, tpu.core_type = #tpu.core_type<sc_vector_subcore>, window_params = [{transform_indices = #map}, {transform_indices = #map1}, {transform_indices = #map1}, {transform_indices = #map}, {transform_indices = #map2}]} {
    %mul3A = arith.constant 632 : i32
    %mul3A_0 = arith.muli %arg1, %mul3A : i32
    %mul3A_1 = arith.constant 16 : i32
    %mul3A_2 = arith.muli %arg0, %mul3A_1 : i32
    %add3A = arith.addi %mul3A_2, %arg1 : i32
    %mul3A_3 = arith.constant 10000 : i32
    %mul3A_4 = arith.muli %add3A, %mul3A_3 : i32
    "tpu.region"() ({
      %run_scoped3A = tpu.sem_alloc : memref<!tpu.dma_semaphore, #tpu.memory_space<semaphore_mem>>
      %dma_start3A_53 = tpu.memref_slice %arg3[%mul3A_4] : memref<320000xi32, #tpu.memory_space<hbm>> -> memref<10000xi32, #tpu.memory_space<hbm>>
      %dma_start3A_54 = tpu.memref_slice %arg3[%mul3A_4] : memref<320000xi32, #tpu.memory_space<hbm>> -> memref<10000xi32, #tpu.memory_space<hbm>>
      tpu.enqueue_dma source(%dma_start3A_54 : memref<10000xi32, #tpu.memory_space<hbm>>) target(%arg8 : memref<10000xi32, #tpu.memory_space<vmem>>) target_semaphore(%run_scoped3A : memref<!tpu.dma_semaphore, #tpu.memory_space<semaphore_mem>>)
      %dma_wait3A_55 = tpu.memref_slice %arg3[%mul3A_4] : memref<320000xi32, #tpu.memory_space<hbm>> -> memref<10000xi32, #tpu.memory_space<hbm>>
      %dma_wait3A_56 = tpu.memref_slice %arg3[%mul3A_4] : memref<320000xi32, #tpu.memory_space<hbm>> -> memref<10000xi32, #tpu.memory_space<hbm>>
      tpu.wait_dma2 semaphore(%run_scoped3A : memref<!tpu.dma_semaphore, #tpu.memory_space<semaphore_mem>>) src(%dma_wait3A_56 : memref<10000xi32, #tpu.memory_space<hbm>>) dst(%arg8 : memref<10000xi32, #tpu.memory_space<vmem>>)
      tpu.yield
    }) : () -> ()
    "tpu.region"() ({
      %run_scoped3A = tpu.sem_alloc : memref<!tpu.dma_semaphore, #tpu.memory_space<semaphore_mem>>
      %dma_start3A_53 = tpu.memref_slice %arg4[%mul3A_4] : memref<320000xi32, #tpu.memory_space<hbm>> -> memref<10000xi32, #tpu.memory_space<hbm>>
      %dma_start3A_54 = tpu.memref_slice %arg4[%mul3A_4] : memref<320000xi32, #tpu.memory_space<hbm>> -> memref<10000xi32, #tpu.memory_space<hbm>>
      tpu.enqueue_dma source(%dma_start3A_54 : memref<10000xi32, #tpu.memory_space<hbm>>) target(%arg9 : memref<10000xi32, #tpu.memory_space<vmem>>) target_semaphore(%run_scoped3A : memref<!tpu.dma_semaphore, #tpu.memory_space<semaphore_mem>>)
      %dma_wait3A_55 = tpu.memref_slice %arg4[%mul3A_4] : memref<320000xi32, #tpu.memory_space<hbm>> -> memref<10000xi32, #tpu.memory_space<hbm>>
      %dma_wait3A_56 = tpu.memref_slice %arg4[%mul3A_4] : memref<320000xi32, #tpu.memory_space<hbm>> -> memref<10000xi32, #tpu.memory_space<hbm>>
      tpu.wait_dma2 semaphore(%run_scoped3A : memref<!tpu.dma_semaphore, #tpu.memory_space<semaphore_mem>>) src(%dma_wait3A_56 : memref<10000xi32, #tpu.memory_space<hbm>>) dst(%arg9 : memref<10000xi32, #tpu.memory_space<vmem>>)
      tpu.yield
    }) : () -> ()
    "tpu.region"() ({
      %run_scoped3A = tpu.sem_alloc : memref<!tpu.dma_semaphore, #tpu.memory_space<semaphore_mem>>
      %dma_start3A_53 = arith.constant 0 : i32
      %dma_start3A_54 = tpu.memref_slice %arg7[%mul3A_0, %dma_start3A_53] : memref<10112x128xf32, #tpu.memory_space<vmem_shared>> -> memref<632x128xf32, #tpu.memory_space<vmem_shared>>
      tpu.enqueue_dma source(%arg5 : memref<632x128xf32, #tpu.memory_space<hbm>>) target(%dma_start3A_54 : memref<632x128xf32, #tpu.memory_space<vmem_shared>>) target_semaphore(%run_scoped3A : memref<!tpu.dma_semaphore, #tpu.memory_space<semaphore_mem>>)
      %dma_wait3A_55 = arith.constant 0 : i32
      %dma_wait3A_56 = tpu.memref_slice %arg7[%mul3A_0, %dma_wait3A_55] : memref<10112x128xf32, #tpu.memory_space<vmem_shared>> -> memref<632x128xf32, #tpu.memory_space<vmem_shared>>
      tpu.wait_dma2 semaphore(%run_scoped3A : memref<!tpu.dma_semaphore, #tpu.memory_space<semaphore_mem>>) src(%arg5 : memref<632x128xf32, #tpu.memory_space<hbm>>) dst(%dma_wait3A_56 : memref<632x128xf32, #tpu.memory_space<vmem_shared>>)
      tpu.yield
    }) : () -> ()
    %barrier3A = arith.constant 0 : index
    tpu.barrier barrier_id(%barrier3A)
    %get3A = arith.constant 0 : index
    %get3A_5 = tpu.vector_load %arg9[%get3A] {strides = array<i32>} : memref<10000xi32, #tpu.memory_space<vmem>>, vector<16xi32>,
    %get3A_6 = vector.shape_cast %get3A_5 : vector<16xi32> to vector<16xi32>
    %swap3A = arith.constant 0 : index
    %swap3A_7 = tpu.vector_load %arg10[%swap3A] {strides = array<i32>} : memref<80xi32, #tpu.memory_space<vmem>>, vector<16xi32>,
    %swap3A_8 = vector.shape_cast %swap3A_7 : vector<16xi32> to vector<16xi32>
    %swap3A_9 = vector.shape_cast %get3A_6 : vector<16xi32> to vector<16xi32>
    tpu.vector_store %arg10[%swap3A], %swap3A_9 {strides = array<i32>} : memref<80xi32, #tpu.memory_space<vmem>>, vector<16xi32>,
    %get3A_10 = arith.constant 16 : index
    %get3A_11 = tpu.vector_load %arg9[%get3A_10] {strides = array<i32>} : memref<10000xi32, #tpu.memory_space<vmem>>, vector<16xi32>,
    %get3A_12 = vector.shape_cast %get3A_11 : vector<16xi32> to vector<16xi32>
    %swap3A_13 = arith.constant 16 : index
    %swap3A_14 = tpu.vector_load %arg10[%swap3A_13] {strides = array<i32>} : memref<80xi32, #tpu.memory_space<vmem>>, vector<16xi32>,
    %swap3A_15 = vector.shape_cast %swap3A_14 : vector<16xi32> to vector<16xi32>
    %swap3A_16 = vector.shape_cast %get3A_12 : vector<16xi32> to vector<16xi32>
    tpu.vector_store %arg10[%swap3A_13], %swap3A_16 {strides = array<i32>} : memref<80xi32, #tpu.memory_space<vmem>>, vector<16xi32>,
    %get3A_17 = arith.constant 32 : index
    %get3A_18 = tpu.vector_load %arg9[%get3A_17] {strides = array<i32>} : memref<10000xi32, #tpu.memory_space<vmem>>, vector<16xi32>,
    %get3A_19 = vector.shape_cast %get3A_18 : vector<16xi32> to vector<16xi32>
    %swap3A_20 = arith.constant 32 : index
    %swap3A_21 = tpu.vector_load %arg10[%swap3A_20] {strides = array<i32>} : memref<80xi32, #tpu.memory_space<vmem>>, vector<16xi32>,
    %swap3A_22 = vector.shape_cast %swap3A_21 : vector<16xi32> to vector<16xi32>
    %swap3A_23 = vector.shape_cast %get3A_19 : vector<16xi32> to vector<16xi32>
    tpu.vector_store %arg10[%swap3A_20], %swap3A_23 {strides = array<i32>} : memref<80xi32, #tpu.memory_space<vmem>>, vector<16xi32>,
    %get3A_24 = arith.constant 48 : index
    %get3A_25 = tpu.vector_load %arg9[%get3A_24] {strides = array<i32>} : memref<10000xi32, #tpu.memory_space<vmem>>, vector<16xi32>,
    %get3A_26 = vector.shape_cast %get3A_25 : vector<16xi32> to vector<16xi32>
    %swap3A_27 = arith.constant 48 : index
    %swap3A_28 = tpu.vector_load %arg10[%swap3A_27] {strides = array<i32>} : memref<80xi32, #tpu.memory_space<vmem>>, vector<16xi32>,
    %swap3A_29 = vector.shape_cast %swap3A_28 : vector<16xi32> to vector<16xi32>
    %swap3A_30 = vector.shape_cast %get3A_26 : vector<16xi32> to vector<16xi32>
    tpu.vector_store %arg10[%swap3A_27], %swap3A_30 {strides = array<i32>} : memref<80xi32, #tpu.memory_space<vmem>>, vector<16xi32>,
    %get3A_31 = arith.constant 64 : index
    %get3A_32 = tpu.vector_load %arg9[%get3A_31] {strides = array<i32>} : memref<10000xi32, #tpu.memory_space<vmem>>, vector<16xi32>,
    %get3A_33 = vector.shape_cast %get3A_32 : vector<16xi32> to vector<16xi32>
    %swap3A_34 = arith.constant 64 : index
    %swap3A_35 = tpu.vector_load %arg10[%swap3A_34] {strides = array<i32>} : memref<80xi32, #tpu.memory_space<vmem>>, vector<16xi32>,
    %swap3A_36 = vector.shape_cast %swap3A_35 : vector<16xi32> to vector<16xi32>
    %swap3A_37 = vector.shape_cast %get3A_33 : vector<16xi32> to vector<16xi32>
    tpu.vector_store %arg10[%swap3A_34], %swap3A_37 {strides = array<i32>} : memref<80xi32, #tpu.memory_space<vmem>>, vector<16xi32>,
    %dma_start3A = arith.constant 0 : i32
    %dma_start3A_38 = tpu.memref_slice %arg8[%dma_start3A] : memref<10000xi32, #tpu.memory_space<vmem>> -> memref<80xi32, #tpu.memory_space<vmem>>
    %dma_start3A_39 = arith.constant 0 : i32
    %dma_start3A_40 = arith.constant 0 : i32
    %dma_start3A_41 = tpu.memref_slice %arg2[%dma_start3A_39, %dma_start3A_40] : memref<10112x128xf32, #tpu.memory_space<hbm>> -> memref<10112x128xf32, #tpu.memory_space<hbm>>
    tpu.enqueue_indirect_dma source(%dma_start3A_41 : memref<10112x128xf32, #tpu.memory_space<hbm>>) target(%arg12 : memref<80x128xf32, #tpu.memory_space<vmem>>) offsets(%dma_start3A_38 : memref<80xi32, #tpu.memory_space<vmem>>) semaphore(%arg14 : memref<!tpu.dma_semaphore, #tpu.memory_space<semaphore_mem>>)
    %scan3A = arith.constant 0 : i32
    %scan3A_42 = arith.constant 0 : i32
    %scan3A_43 = arith.constant 63 : i32
    %scan3A_44 = arith.addi %scan3A_42, %scan3A_43 : i32
    %scan3A_45 = arith.constant 1 : i32
    scf.for %scan3A_53 = %scan3A_42 to %scan3A_44 step %scan3A_45  : i32 {
      %mul3A_54 = arith.constant 2 : i32
      %mul3A_55 = arith.muli %mul3A_54, %scan3A_53 : i32
      %mul3A_56 = arith.constant 80 : i32
      %mul3A_57 = arith.muli %mul3A_55, %mul3A_56 : i32
      %dma_wait3A_58 = tpu.memref_slice %arg8[%mul3A_57] : memref<10000xi32, #tpu.memory_space<vmem>> -> memref<80xi32, #tpu.memory_space<vmem>>
      %dma_wait3A_59 = arith.constant 0 : i32
      %dma_wait3A_60 = arith.constant 0 : i32
      %dma_wait3A_61 = tpu.memref_slice %arg2[%dma_wait3A_59, %dma_wait3A_60] : memref<10112x128xf32, #tpu.memory_space<hbm>> -> memref<10112x128xf32, #tpu.memory_space<hbm>>
      tpu.wait_indirect_dma semaphore(%arg14 : memref<!tpu.dma_semaphore, #tpu.memory_space<semaphore_mem>>) src(%dma_wait3A_61 : memref<10112x128xf32, #tpu.memory_space<hbm>>) dst(%arg12 : memref<80x128xf32, #tpu.memory_space<vmem>>)
      %dma_start3A_62 = arith.constant 0 : i32
      %dma_start3A_63 = arith.constant 0 : i32
      %dma_start3A_64 = tpu.memref_slice %arg7[%dma_start3A_62, %dma_start3A_63] : memref<10112x128xf32, #tpu.memory_space<vmem_shared>> -> memref<10112x128xf32, #tpu.memory_space<vmem_shared>>
      tpu.enqueue_indirect_dma source(%arg12 : memref<80x128xf32, #tpu.memory_space<vmem>>) target(%dma_start3A_64 : memref<10112x128xf32, #tpu.memory_space<vmem_shared>>) offsets(%arg10 : memref<80xi32, #tpu.memory_space<vmem>>) semaphore(%arg16 : memref<!tpu.dma_semaphore, #tpu.memory_space<semaphore_mem>>) {add = true}
      %add3A_65 = arith.constant 1 : i32
      %add3A_66 = arith.addi %mul3A_55, %add3A_65 : i32
      %lt3A = arith.constant 125 : i32
      %lt3A_67 = arith.cmpi slt, %add3A_66, %lt3A : i32
      %convert_element_type3A = arith.extui %lt3A_67 : i1 to i32
      %cond3A = arith.constant 0 : i32
      %cond3A_68 = arith.cmpi ne, %convert_element_type3A, %cond3A : i32
      scf.if %cond3A_68 {
        %ge3A = arith.constant 1 : i32
        %ge3A_78 = arith.cmpi sge, %mul3A_55, %ge3A : i32
        %convert_element_type3A_79 = arith.extui %ge3A_78 : i1 to i32
        %cond3A_80 = arith.constant 0 : i32
        %cond3A_81 = arith.cmpi ne, %convert_element_type3A_79, %cond3A_80 : i32
        scf.if %cond3A_81 {
          %dma_wait3A_147 = arith.constant 0 : i32
          %dma_wait3A_148 = arith.constant 0 : i32
          %dma_wait3A_149 = tpu.memref_slice %arg7[%dma_wait3A_147, %dma_wait3A_148] : memref<10112x128xf32, #tpu.memory_space<vmem_shared>> -> memref<10112x128xf32, #tpu.memory_space<vmem_shared>>
          tpu.wait_indirect_dma semaphore(%arg17 : memref<!tpu.dma_semaphore, #tpu.memory_space<semaphore_mem>>) src(%arg13 : memref<80x128xf32, #tpu.memory_space<vmem>>) dst(%dma_wait3A_149 : memref<10112x128xf32, #tpu.memory_space<vmem_shared>>)
        } else {
        }
        %add3A_82 = arith.constant 1 : i32
        %add3A_83 = arith.addi %mul3A_55, %add3A_82 : i32
        %mul3A_84 = arith.constant 80 : i32
        %mul3A_85 = arith.muli %add3A_83, %mul3A_84 : i32
        %add3A_86 = arith.constant 0 : i32
        %add3A_87 = arith.addi %mul3A_85, %add3A_86 : i32
        %get3A_88 = arith.index_cast %add3A_87 : i32 to index
        %get3A_89 = tpu.vector_load %arg9[%get3A_88] {strides = array<i32>} : memref<10000xi32, #tpu.memory_space<vmem>>, vector<16xi32>,
        %get3A_90 = vector.shape_cast %get3A_89 : vector<16xi32> to vector<16xi32>
        %swap3A_91 = arith.constant 0 : index
        %swap3A_92 = tpu.vector_load %arg11[%swap3A_91] {strides = array<i32>} : memref<80xi32, #tpu.memory_space<vmem>>, vector<16xi32>,
        %swap3A_93 = vector.shape_cast %swap3A_92 : vector<16xi32> to vector<16xi32>
        %swap3A_94 = vector.shape_cast %get3A_90 : vector<16xi32> to vector<16xi32>
        tpu.vector_store %arg11[%swap3A_91], %swap3A_94 {strides = array<i32>} : memref<80xi32, #tpu.memory_space<vmem>>, vector<16xi32>,
        %mul3A_95 = arith.constant 80 : i32
        %mul3A_96 = arith.muli %add3A_83, %mul3A_95 : i32
        %add3A_97 = arith.constant 16 : i32
        %add3A_98 = arith.addi %mul3A_96, %add3A_97 : i32
        %get3A_99 = arith.index_cast %add3A_98 : i32 to index
        %get3A_100 = tpu.vector_load %arg9[%get3A_99] {strides = array<i32>} : memref<10000xi32, #tpu.memory_space<vmem>>, vector<16xi32>,
        %get3A_101 = vector.shape_cast %get3A_100 : vector<16xi32> to vector<16xi32>
        %swap3A_102 = arith.constant 16 : index
        %swap3A_103 = tpu.vector_load %arg11[%swap3A_102] {strides = array<i32>} : memref<80xi32, #tpu.memory_space<vmem>>, vector<16xi32>,
        %swap3A_104 = vector.shape_cast %swap3A_103 : vector<16xi32> to vector<16xi32>
        %swap3A_105 = vector.shape_cast %get3A_101 : vector<16xi32> to vector<16xi32>
        tpu.vector_store %arg11[%swap3A_102], %swap3A_105 {strides = array<i32>} : memref<80xi32, #tpu.memory_space<vmem>>, vector<16xi32>,
        %mul3A_106 = arith.constant 80 : i32
        %mul3A_107 = arith.muli %add3A_83, %mul3A_106 : i32
        %add3A_108 = arith.constant 32 : i32
        %add3A_109 = arith.addi %mul3A_107, %add3A_108 : i32
        %get3A_110 = arith.index_cast %add3A_109 : i32 to index
        %get3A_111 = tpu.vector_load %arg9[%get3A_110] {strides = array<i32>} : memref<10000xi32, #tpu.memory_space<vmem>>, vector<16xi32>,
        %get3A_112 = vector.shape_cast %get3A_111 : vector<16xi32> to vector<16xi32>
        %swap3A_113 = arith.constant 32 : index
        %swap3A_114 = tpu.vector_load %arg11[%swap3A_113] {strides = array<i32>} : memref<80xi32, #tpu.memory_space<vmem>>, vector<16xi32>,
        %swap3A_115 = vector.shape_cast %swap3A_114 : vector<16xi32> to vector<16xi32>
        %swap3A_116 = vector.shape_cast %get3A_112 : vector<16xi32> to vector<16xi32>
        tpu.vector_store %arg11[%swap3A_113], %swap3A_116 {strides = array<i32>} : memref<80xi32, #tpu.memory_space<vmem>>, vector<16xi32>,
        %mul3A_117 = arith.constant 80 : i32
        %mul3A_118 = arith.muli %add3A_83, %mul3A_117 : i32
        %add3A_119 = arith.constant 48 : i32
        %add3A_120 = arith.addi %mul3A_118, %add3A_119 : i32
        %get3A_121 = arith.index_cast %add3A_120 : i32 to index
        %get3A_122 = tpu.vector_load %arg9[%get3A_121] {strides = array<i32>} : memref<10000xi32, #tpu.memory_space<vmem>>, vector<16xi32>,
        %get3A_123 = vector.shape_cast %get3A_122 : vector<16xi32> to vector<16xi32>
        %swap3A_124 = arith.constant 48 : index
        %swap3A_125 = tpu.vector_load %arg11[%swap3A_124] {strides = array<i32>} : memref<80xi32, #tpu.memory_space<vmem>>, vector<16xi32>,
        %swap3A_126 = vector.shape_cast %swap3A_125 : vector<16xi32> to vector<16xi32>
        %swap3A_127 = vector.shape_cast %get3A_123 : vector<16xi32> to vector<16xi32>
        tpu.vector_store %arg11[%swap3A_124], %swap3A_127 {strides = array<i32>} : memref<80xi32, #tpu.memory_space<vmem>>, vector<16xi32>,
        %mul3A_128 = arith.constant 80 : i32
        %mul3A_129 = arith.muli %add3A_83, %mul3A_128 : i32
        %add3A_130 = arith.constant 64 : i32
        %add3A_131 = arith.addi %mul3A_129, %add3A_130 : i32
        %get3A_132 = arith.index_cast %add3A_131 : i32 to index
        %get3A_133 = tpu.vector_load %arg9[%get3A_132] {strides = array<i32>} : memref<10000xi32, #tpu.memory_space<vmem>>, vector<16xi32>,
        %get3A_134 = vector.shape_cast %get3A_133 : vector<16xi32> to vector<16xi32>
        %swap3A_135 = arith.constant 64 : index
        %swap3A_136 = tpu.vector_load %arg11[%swap3A_135] {strides = array<i32>} : memref<80xi32, #tpu.memory_space<vmem>>, vector<16xi32>,
        %swap3A_137 = vector.shape_cast %swap3A_136 : vector<16xi32> to vector<16xi32>
        %swap3A_138 = vector.shape_cast %get3A_134 : vector<16xi32> to vector<16xi32>
        tpu.vector_store %arg11[%swap3A_135], %swap3A_138 {strides = array<i32>} : memref<80xi32, #tpu.memory_space<vmem>>, vector<16xi32>,
        %add3A_139 = arith.constant 1 : i32
        %add3A_140 = arith.addi %mul3A_55, %add3A_139 : i32
        %mul3A_141 = arith.constant 80 : i32
        %mul3A_142 = arith.muli %add3A_140, %mul3A_141 : i32
        %dma_start3A_143 = tpu.memref_slice %arg8[%mul3A_142] : memref<10000xi32, #tpu.memory_space<vmem>> -> memref<80xi32, #tpu.memory_space<vmem>>
        %dma_start3A_144 = arith.constant 0 : i32
        %dma_start3A_145 = arith.constant 0 : i32
        %dma_start3A_146 = tpu.memref_slice %arg2[%dma_start3A_144, %dma_start3A_145] : memref<10112x128xf32, #tpu.memory_space<hbm>> -> memref<10112x128xf32, #tpu.memory_space<hbm>>
        tpu.enqueue_indirect_dma source(%dma_start3A_146 : memref<10112x128xf32, #tpu.memory_space<hbm>>) target(%arg13 : memref<80x128xf32, #tpu.memory_space<vmem>>) offsets(%dma_start3A_143 : memref<80xi32, #tpu.memory_space<vmem>>) semaphore(%arg15 : memref<!tpu.dma_semaphore, #tpu.memory_space<semaphore_mem>>)
      } else {
      }
      %mul3A_69 = arith.constant 2 : i32
      %mul3A_70 = arith.muli %mul3A_69, %scan3A_53 : i32
      %add3A_71 = arith.constant 1 : i32
      %add3A_72 = arith.addi %mul3A_70, %add3A_71 : i32
      %lt3A_73 = arith.constant 125 : i32
      %lt3A_74 = arith.cmpi slt, %add3A_72, %lt3A_73 : i32
      %convert_element_type3A_75 = arith.extui %lt3A_74 : i1 to i32
      %cond3A_76 = arith.constant 0 : i32
      %cond3A_77 = arith.cmpi ne, %convert_element_type3A_75, %cond3A_76 : i32
      scf.if %cond3A_77 {
        %mul3A_78 = arith.constant 80 : i32
        %mul3A_79 = arith.muli %add3A_72, %mul3A_78 : i32
        %dma_wait3A_80 = tpu.memref_slice %arg8[%mul3A_79] : memref<10000xi32, #tpu.memory_space<vmem>> -> memref<80xi32, #tpu.memory_space<vmem>>
        %dma_wait3A_81 = arith.constant 0 : i32
        %dma_wait3A_82 = arith.constant 0 : i32
        %dma_wait3A_83 = tpu.memref_slice %arg2[%dma_wait3A_81, %dma_wait3A_82] : memref<10112x128xf32, #tpu.memory_space<hbm>> -> memref<10112x128xf32, #tpu.memory_space<hbm>>
        tpu.wait_indirect_dma semaphore(%arg15 : memref<!tpu.dma_semaphore, #tpu.memory_space<semaphore_mem>>) src(%dma_wait3A_83 : memref<10112x128xf32, #tpu.memory_space<hbm>>) dst(%arg13 : memref<80x128xf32, #tpu.memory_space<vmem>>)
        %dma_start3A_84 = arith.constant 0 : i32
        %dma_start3A_85 = arith.constant 0 : i32
        %dma_start3A_86 = tpu.memref_slice %arg7[%dma_start3A_84, %dma_start3A_85] : memref<10112x128xf32, #tpu.memory_space<vmem_shared>> -> memref<10112x128xf32, #tpu.memory_space<vmem_shared>>
        tpu.enqueue_indirect_dma source(%arg13 : memref<80x128xf32, #tpu.memory_space<vmem>>) target(%dma_start3A_86 : memref<10112x128xf32, #tpu.memory_space<vmem_shared>>) offsets(%arg11 : memref<80xi32, #tpu.memory_space<vmem>>) semaphore(%arg17 : memref<!tpu.dma_semaphore, #tpu.memory_space<semaphore_mem>>) {add = true}
        %add3A_87 = arith.constant 1 : i32
        %add3A_88 = arith.addi %add3A_72, %add3A_87 : i32
        %lt3A_89 = arith.constant 125 : i32
        %lt3A_90 = arith.cmpi slt, %add3A_88, %lt3A_89 : i32
        %convert_element_type3A_91 = arith.extui %lt3A_90 : i1 to i32
        %cond3A_92 = arith.constant 0 : i32
        %cond3A_93 = arith.cmpi ne, %convert_element_type3A_91, %cond3A_92 : i32
        scf.if %cond3A_93 {
          %dma_wait3A_94 = arith.constant 0 : i32
          %dma_wait3A_95 = arith.constant 0 : i32
          %dma_wait3A_96 = tpu.memref_slice %arg7[%dma_wait3A_94, %dma_wait3A_95] : memref<10112x128xf32, #tpu.memory_space<vmem_shared>> -> memref<10112x128xf32, #tpu.memory_space<vmem_shared>>
          tpu.wait_indirect_dma semaphore(%arg16 : memref<!tpu.dma_semaphore, #tpu.memory_space<semaphore_mem>>) src(%arg12 : memref<80x128xf32, #tpu.memory_space<vmem>>) dst(%dma_wait3A_96 : memref<10112x128xf32, #tpu.memory_space<vmem_shared>>)
          %add3A_97 = arith.constant 1 : i32
          %add3A_98 = arith.addi %add3A_72, %add3A_97 : i32
          %mul3A_99 = arith.constant 80 : i32
          %mul3A_100 = arith.muli %add3A_98, %mul3A_99 : i32
          %add3A_101 = arith.constant 0 : i32
          %add3A_102 = arith.addi %mul3A_100, %add3A_101 : i32
          %get3A_103 = arith.index_cast %add3A_102 : i32 to index
          %get3A_104 = tpu.vector_load %arg9[%get3A_103] {strides = array<i32>} : memref<10000xi32, #tpu.memory_space<vmem>>, vector<16xi32>,
          %get3A_105 = vector.shape_cast %get3A_104 : vector<16xi32> to vector<16xi32>
          %swap3A_106 = arith.constant 0 : index
          %swap3A_107 = tpu.vector_load %arg10[%swap3A_106] {strides = array<i32>} : memref<80xi32, #tpu.memory_space<vmem>>, vector<16xi32>,
          %swap3A_108 = vector.shape_cast %swap3A_107 : vector<16xi32> to vector<16xi32>
          %swap3A_109 = vector.shape_cast %get3A_105 : vector<16xi32> to vector<16xi32>
          tpu.vector_store %arg10[%swap3A_106], %swap3A_109 {strides = array<i32>} : memref<80xi32, #tpu.memory_space<vmem>>, vector<16xi32>,
          %mul3A_110 = arith.constant 80 : i32
          %mul3A_111 = arith.muli %add3A_98, %mul3A_110 : i32
          %add3A_112 = arith.constant 16 : i32
          %add3A_113 = arith.addi %mul3A_111, %add3A_112 : i32
          %get3A_114 = arith.index_cast %add3A_113 : i32 to index
          %get3A_115 = tpu.vector_load %arg9[%get3A_114] {strides = array<i32>} : memref<10000xi32, #tpu.memory_space<vmem>>, vector<16xi32>,
          %get3A_116 = vector.shape_cast %get3A_115 : vector<16xi32> to vector<16xi32>
          %swap3A_117 = arith.constant 16 : index
          %swap3A_118 = tpu.vector_load %arg10[%swap3A_117] {strides = array<i32>} : memref<80xi32, #tpu.memory_space<vmem>>, vector<16xi32>,
          %swap3A_119 = vector.shape_cast %swap3A_118 : vector<16xi32> to vector<16xi32>
          %swap3A_120 = vector.shape_cast %get3A_116 : vector<16xi32> to vector<16xi32>
          tpu.vector_store %arg10[%swap3A_117], %swap3A_120 {strides = array<i32>} : memref<80xi32, #tpu.memory_space<vmem>>, vector<16xi32>,
          %mul3A_121 = arith.constant 80 : i32
          %mul3A_122 = arith.muli %add3A_98, %mul3A_121 : i32
          %add3A_123 = arith.constant 32 : i32
          %add3A_124 = arith.addi %mul3A_122, %add3A_123 : i32
          %get3A_125 = arith.index_cast %add3A_124 : i32 to index
          %get3A_126 = tpu.vector_load %arg9[%get3A_125] {strides = array<i32>} : memref<10000xi32, #tpu.memory_space<vmem>>, vector<16xi32>,
          %get3A_127 = vector.shape_cast %get3A_126 : vector<16xi32> to vector<16xi32>
          %swap3A_128 = arith.constant 32 : index
          %swap3A_129 = tpu.vector_load %arg10[%swap3A_128] {strides = array<i32>} : memref<80xi32, #tpu.memory_space<vmem>>, vector<16xi32>,
          %swap3A_130 = vector.shape_cast %swap3A_129 : vector<16xi32> to vector<16xi32>
          %swap3A_131 = vector.shape_cast %get3A_127 : vector<16xi32> to vector<16xi32>
          tpu.vector_store %arg10[%swap3A_128], %swap3A_131 {strides = array<i32>} : memref<80xi32, #tpu.memory_space<vmem>>, vector<16xi32>,
          %mul3A_132 = arith.constant 80 : i32
          %mul3A_133 = arith.muli %add3A_98, %mul3A_132 : i32
          %add3A_134 = arith.constant 48 : i32
          %add3A_135 = arith.addi %mul3A_133, %add3A_134 : i32
          %get3A_136 = arith.index_cast %add3A_135 : i32 to index
          %get3A_137 = tpu.vector_load %arg9[%get3A_136] {strides = array<i32>} : memref<10000xi32, #tpu.memory_space<vmem>>, vector<16xi32>,
          %get3A_138 = vector.shape_cast %get3A_137 : vector<16xi32> to vector<16xi32>
          %swap3A_139 = arith.constant 48 : index
          %swap3A_140 = tpu.vector_load %arg10[%swap3A_139] {strides = array<i32>} : memref<80xi32, #tpu.memory_space<vmem>>, vector<16xi32>,
          %swap3A_141 = vector.shape_cast %swap3A_140 : vector<16xi32> to vector<16xi32>
          %swap3A_142 = vector.shape_cast %get3A_138 : vector<16xi32> to vector<16xi32>
          tpu.vector_store %arg10[%swap3A_139], %swap3A_142 {strides = array<i32>} : memref<80xi32, #tpu.memory_space<vmem>>, vector<16xi32>,
          %mul3A_143 = arith.constant 80 : i32
          %mul3A_144 = arith.muli %add3A_98, %mul3A_143 : i32
          %add3A_145 = arith.constant 64 : i32
          %add3A_146 = arith.addi %mul3A_144, %add3A_145 : i32
          %get3A_147 = arith.index_cast %add3A_146 : i32 to index
          %get3A_148 = tpu.vector_load %arg9[%get3A_147] {strides = array<i32>} : memref<10000xi32, #tpu.memory_space<vmem>>, vector<16xi32>,
          %get3A_149 = vector.shape_cast %get3A_148 : vector<16xi32> to vector<16xi32>
          %swap3A_150 = arith.constant 64 : index
          %swap3A_151 = tpu.vector_load %arg10[%swap3A_150] {strides = array<i32>} : memref<80xi32, #tpu.memory_space<vmem>>, vector<16xi32>,
          %swap3A_152 = vector.shape_cast %swap3A_151 : vector<16xi32> to vector<16xi32>
          %swap3A_153 = vector.shape_cast %get3A_149 : vector<16xi32> to vector<16xi32>
          tpu.vector_store %arg10[%swap3A_150], %swap3A_153 {strides = array<i32>} : memref<80xi32, #tpu.memory_space<vmem>>, vector<16xi32>,
          %add3A_154 = arith.constant 1 : i32
          %add3A_155 = arith.addi %add3A_72, %add3A_154 : i32
          %mul3A_156 = arith.constant 80 : i32
          %mul3A_157 = arith.muli %add3A_155, %mul3A_156 : i32
          %dma_start3A_158 = tpu.memref_slice %arg8[%mul3A_157] : memref<10000xi32, #tpu.memory_space<vmem>> -> memref<80xi32, #tpu.memory_space<vmem>>
          %dma_start3A_159 = arith.constant 0 : i32
          %dma_start3A_160 = arith.constant 0 : i32
          %dma_start3A_161 = tpu.memref_slice %arg2[%dma_start3A_159, %dma_start3A_160] : memref<10112x128xf32, #tpu.memory_space<hbm>> -> memref<10112x128xf32, #tpu.memory_space<hbm>>
          tpu.enqueue_indirect_dma source(%dma_start3A_161 : memref<10112x128xf32, #tpu.memory_space<hbm>>) target(%arg12 : memref<80x128xf32, #tpu.memory_space<vmem>>) offsets(%dma_start3A_158 : memref<80xi32, #tpu.memory_space<vmem>>) semaphore(%arg14 : memref<!tpu.dma_semaphore, #tpu.memory_space<semaphore_mem>>)
        } else {
        }
      } else {
      }
    }
    %scan3A_46 = arith.constant 63 : i32
    %dma_wait3A = arith.constant 0 : i32
    %dma_wait3A_47 = arith.constant 0 : i32
    %dma_wait3A_48 = tpu.memref_slice %arg7[%dma_wait3A, %dma_wait3A_47] : memref<10112x128xf32, #tpu.memory_space<vmem_shared>> -> memref<10112x128xf32, #tpu.memory_space<vmem_shared>>
    tpu.wait_indirect_dma semaphore(%arg16 : memref<!tpu.dma_semaphore, #tpu.memory_space<semaphore_mem>>) src(%arg12 : memref<80x128xf32, #tpu.memory_space<vmem>>) dst(%dma_wait3A_48 : memref<10112x128xf32, #tpu.memory_space<vmem_shared>>)
    %dma_wait3A_49 = arith.constant 0 : i32
    %dma_wait3A_50 = arith.constant 0 : i32
    %dma_wait3A_51 = tpu.memref_slice %arg7[%dma_wait3A_49, %dma_wait3A_50] : memref<10112x128xf32, #tpu.memory_space<vmem_shared>> -> memref<10112x128xf32, #tpu.memory_space<vmem_shared>>
    tpu.wait_indirect_dma semaphore(%arg17 : memref<!tpu.dma_semaphore, #tpu.memory_space<semaphore_mem>>) src(%arg13 : memref<80x128xf32, #tpu.memory_space<vmem>>) dst(%dma_wait3A_51 : memref<10112x128xf32, #tpu.memory_space<vmem_shared>>)
    %barrier3A_52 = arith.constant 0 : index
    tpu.barrier barrier_id(%barrier3A_52)
    "tpu.region"() ({
      %run_scoped3A = tpu.sem_alloc : memref<!tpu.dma_semaphore, #tpu.memory_space<semaphore_mem>>
      %dma_start3A_53 = arith.constant 0 : i32
      %dma_start3A_54 = tpu.memref_slice %arg6[%arg0, %mul3A_0, %dma_start3A_53] : memref<2x10112x128xf32, #tpu.memory_space<hbm>> -> memref<1x632x128xf32, #tpu.memory_space<hbm>>
      %dma_start3A_55 = tpu.memref_squeeze %dma_start3A_54 : memref<1x632x128xf32, #tpu.memory_space<hbm>> -> memref<632x128xf32, #tpu.memory_space<hbm>>
      %dma_start3A_56 = arith.constant 0 : i32
      %dma_start3A_57 = tpu.memref_slice %arg7[%mul3A_0, %dma_start3A_56] : memref<10112x128xf32, #tpu.memory_space<vmem_shared>> -> memref<632x128xf32, #tpu.memory_space<vmem_shared>>
      tpu.enqueue_dma source(%dma_start3A_57 : memref<632x128xf32, #tpu.memory_space<vmem_shared>>) target(%dma_start3A_55 : memref<632x128xf32, #tpu.memory_space<hbm>>) target_semaphore(%run_scoped3A : memref<!tpu.dma_semaphore, #tpu.memory_space<semaphore_mem>>)
      %dma_wait3A_58 = arith.constant 0 : i32
      %dma_wait3A_59 = tpu.memref_slice %arg6[%arg0, %mul3A_0, %dma_wait3A_58] : memref<2x10112x128xf32, #tpu.memory_space<hbm>> -> memref<1x632x128xf32, #tpu.memory_space<hbm>>
      %dma_wait3A_60 = tpu.memref_squeeze %dma_wait3A_59 : memref<1x632x128xf32, #tpu.memory_space<hbm>> -> memref<632x128xf32, #tpu.memory_space<hbm>>
      %dma_wait3A_61 = arith.constant 0 : i32
      %dma_wait3A_62 = tpu.memref_slice %arg7[%mul3A_0, %dma_wait3A_61] : memref<10112x128xf32, #tpu.memory_space<vmem_shared>> -> memref<632x128xf32, #tpu.memory_space<vmem_shared>>
      tpu.wait_dma2 semaphore(%run_scoped3A : memref<!tpu.dma_semaphore, #tpu.memory_space<semaphore_mem>>) src(%dma_wait3A_62 : memref<632x128xf32, #tpu.memory_space<vmem_shared>>) dst(%dma_wait3A_60 : memref<632x128xf32, #tpu.memory_space<hbm>>)
      tpu.yield
    }) : () -> ()
    return
  }
}

#map = affine_map<(d0, d1) -> (0, 0)>
#map1 = affine_map<(d0, d1) -> (0)>
#map2 = affine_map<(d0, d1) -> (0, 0, 0)>
module attributes {stable_mosaic.version = 14 : i64} {
  func.func @_mp(%arg0: i32, %arg1: i32, %arg2: memref<10112x128xf32, #tpu.memory_space<hbm>>, %arg3: memref<320000xi32, #tpu.memory_space<hbm>>, %arg4: memref<320000xi32, #tpu.memory_space<hbm>>, %arg5: memref<632x128xf32, #tpu.memory_space<hbm>>, %arg6: memref<2x10112x128xf32, #tpu.memory_space<hbm>>, %arg7: memref<10112x128xf32, #tpu.memory_space<vmem_shared>>, %arg8: memref<10000xi32, #tpu.memory_space<vmem>>, %arg9: memref<10000xi32, #tpu.memory_space<vmem>>, %arg10: memref<80xi32, #tpu.memory_space<vmem>>, %arg11: memref<80xi32, #tpu.memory_space<vmem>>, %arg12: memref<80x128xf32, #tpu.memory_space<vmem>>, %arg13: memref<80x128xf32, #tpu.memory_space<vmem>>, %arg14: memref<!tpu.dma_semaphore, #tpu.memory_space<semaphore_mem>>, %arg15: memref<!tpu.dma_semaphore, #tpu.memory_space<semaphore_mem>>, %arg16: memref<!tpu.dma_semaphore, #tpu.memory_space<semaphore_mem>>, %arg17: memref<!tpu.dma_semaphore, #tpu.memory_space<semaphore_mem>>) attributes {dimension_semantics = [#tpu.dimension_semantics<core_parallel>, #tpu.dimension_semantics<subcore_parallel>], iteration_bounds = array<i64: 2, 16>, scalar_prefetch = 0 : i64, scratch_operands = 11 : i64, tpu.core_type = #tpu.core_type<sc_vector_subcore>, window_params = [{transform_indices = #map}, {transform_indices = #map1}, {transform_indices = #map1}, {transform_indices = #map}, {transform_indices = #map2}]} {
    %mul3A = arith.constant 632 : i32
    %mul3A_0 = arith.muli %arg1, %mul3A : i32
    %mul3A_1 = arith.constant 16 : i32
    %mul3A_2 = arith.muli %arg0, %mul3A_1 : i32
    %add3A = arith.addi %mul3A_2, %arg1 : i32
    %mul3A_3 = arith.constant 10000 : i32
    %mul3A_4 = arith.muli %add3A, %mul3A_3 : i32
    "tpu.region"() ({
      %run_scoped3A = tpu.sem_alloc : memref<!tpu.dma_semaphore, #tpu.memory_space<semaphore_mem>>
      %dma_start3A_53 = tpu.memref_slice %arg3[%mul3A_4] : memref<320000xi32, #tpu.memory_space<hbm>> -> memref<10000xi32, #tpu.memory_space<hbm>>
      %dma_start3A_54 = tpu.memref_slice %arg3[%mul3A_4] : memref<320000xi32, #tpu.memory_space<hbm>> -> memref<10000xi32, #tpu.memory_space<hbm>>
      tpu.enqueue_dma source(%dma_start3A_54 : memref<10000xi32, #tpu.memory_space<hbm>>) target(%arg8 : memref<10000xi32, #tpu.memory_space<vmem>>) target_semaphore(%run_scoped3A : memref<!tpu.dma_semaphore, #tpu.memory_space<semaphore_mem>>)
      %dma_wait3A_55 = tpu.memref_slice %arg3[%mul3A_4] : memref<320000xi32, #tpu.memory_space<hbm>> -> memref<10000xi32, #tpu.memory_space<hbm>>
      %dma_wait3A_56 = tpu.memref_slice %arg3[%mul3A_4] : memref<320000xi32, #tpu.memory_space<hbm>> -> memref<10000xi32, #tpu.memory_space<hbm>>
      tpu.wait_dma2 semaphore(%run_scoped3A : memref<!tpu.dma_semaphore, #tpu.memory_space<semaphore_mem>>) src(%dma_wait3A_56 : memref<10000xi32, #tpu.memory_space<hbm>>) dst(%arg8 : memref<10000xi32, #tpu.memory_space<vmem>>)
      tpu.yield
    }) : () -> ()
    "tpu.region"() ({
      %run_scoped3A = tpu.sem_alloc : memref<!tpu.dma_semaphore, #tpu.memory_space<semaphore_mem>>
      %dma_start3A_53 = tpu.memref_slice %arg4[%mul3A_4] : memref<320000xi32, #tpu.memory_space<hbm>> -> memref<10000xi32, #tpu.memory_space<hbm>>
      %dma_start3A_54 = tpu.memref_slice %arg4[%mul3A_4] : memref<320000xi32, #tpu.memory_space<hbm>> -> memref<10000xi32, #tpu.memory_space<hbm>>
      tpu.enqueue_dma source(%dma_start3A_54 : memref<10000xi32, #tpu.memory_space<hbm>>) target(%arg9 : memref<10000xi32, #tpu.memory_space<vmem>>) target_semaphore(%run_scoped3A : memref<!tpu.dma_semaphore, #tpu.memory_space<semaphore_mem>>)
      %dma_wait3A_55 = tpu.memref_slice %arg4[%mul3A_4] : memref<320000xi32, #tpu.memory_space<hbm>> -> memref<10000xi32, #tpu.memory_space<hbm>>
      %dma_wait3A_56 = tpu.memref_slice %arg4[%mul3A_4] : memref<320000xi32, #tpu.memory_space<hbm>> -> memref<10000xi32, #tpu.memory_space<hbm>>
      tpu.wait_dma2 semaphore(%run_scoped3A : memref<!tpu.dma_semaphore, #tpu.memory_space<semaphore_mem>>) src(%dma_wait3A_56 : memref<10000xi32, #tpu.memory_space<hbm>>) dst(%arg9 : memref<10000xi32, #tpu.memory_space<vmem>>)
      tpu.yield
    }) : () -> ()
    "tpu.region"() ({
      %run_scoped3A = tpu.sem_alloc : memref<!tpu.dma_semaphore, #tpu.memory_space<semaphore_mem>>
      %dma_start3A_53 = arith.constant 0 : i32
      %dma_start3A_54 = tpu.memref_slice %arg7[%mul3A_0, %dma_start3A_53] : memref<10112x128xf32, #tpu.memory_space<vmem_shared>> -> memref<632x128xf32, #tpu.memory_space<vmem_shared>>
      tpu.enqueue_dma source(%arg5 : memref<632x128xf32, #tpu.memory_space<hbm>>) target(%dma_start3A_54 : memref<632x128xf32, #tpu.memory_space<vmem_shared>>) target_semaphore(%run_scoped3A : memref<!tpu.dma_semaphore, #tpu.memory_space<semaphore_mem>>)
      %dma_wait3A_55 = arith.constant 0 : i32
      %dma_wait3A_56 = tpu.memref_slice %arg7[%mul3A_0, %dma_wait3A_55] : memref<10112x128xf32, #tpu.memory_space<vmem_shared>> -> memref<632x128xf32, #tpu.memory_space<vmem_shared>>
      tpu.wait_dma2 semaphore(%run_scoped3A : memref<!tpu.dma_semaphore, #tpu.memory_space<semaphore_mem>>) src(%arg5 : memref<632x128xf32, #tpu.memory_space<hbm>>) dst(%dma_wait3A_56 : memref<632x128xf32, #tpu.memory_space<vmem_shared>>)
      tpu.yield
    }) : () -> ()
    %barrier3A = arith.constant 0 : index
    tpu.barrier barrier_id(%barrier3A)
    %get3A = arith.constant 0 : index
    %get3A_5 = tpu.vector_load %arg9[%get3A] {strides = array<i32>} : memref<10000xi32, #tpu.memory_space<vmem>>, vector<16xi32>,
    %get3A_6 = vector.shape_cast %get3A_5 : vector<16xi32> to vector<16xi32>
    %swap3A = arith.constant 0 : index
    %swap3A_7 = tpu.vector_load %arg10[%swap3A] {strides = array<i32>} : memref<80xi32, #tpu.memory_space<vmem>>, vector<16xi32>,
    %swap3A_8 = vector.shape_cast %swap3A_7 : vector<16xi32> to vector<16xi32>
    %swap3A_9 = vector.shape_cast %get3A_6 : vector<16xi32> to vector<16xi32>
    tpu.vector_store %arg10[%swap3A], %swap3A_9 {strides = array<i32>} : memref<80xi32, #tpu.memory_space<vmem>>, vector<16xi32>,
    %get3A_10 = arith.constant 16 : index
    %get3A_11 = tpu.vector_load %arg9[%get3A_10] {strides = array<i32>} : memref<10000xi32, #tpu.memory_space<vmem>>, vector<16xi32>,
    %get3A_12 = vector.shape_cast %get3A_11 : vector<16xi32> to vector<16xi32>
    %swap3A_13 = arith.constant 16 : index
    %swap3A_14 = tpu.vector_load %arg10[%swap3A_13] {strides = array<i32>} : memref<80xi32, #tpu.memory_space<vmem>>, vector<16xi32>,
    %swap3A_15 = vector.shape_cast %swap3A_14 : vector<16xi32> to vector<16xi32>
    %swap3A_16 = vector.shape_cast %get3A_12 : vector<16xi32> to vector<16xi32>
    tpu.vector_store %arg10[%swap3A_13], %swap3A_16 {strides = array<i32>} : memref<80xi32, #tpu.memory_space<vmem>>, vector<16xi32>,
    %get3A_17 = arith.constant 32 : index
    %get3A_18 = tpu.vector_load %arg9[%get3A_17] {strides = array<i32>} : memref<10000xi32, #tpu.memory_space<vmem>>, vector<16xi32>,
    %get3A_19 = vector.shape_cast %get3A_18 : vector<16xi32> to vector<16xi32>
    %swap3A_20 = arith.constant 32 : index
    %swap3A_21 = tpu.vector_load %arg10[%swap3A_20] {strides = array<i32>} : memref<80xi32, #tpu.memory_space<vmem>>, vector<16xi32>,
    %swap3A_22 = vector.shape_cast %swap3A_21 : vector<16xi32> to vector<16xi32>
    %swap3A_23 = vector.shape_cast %get3A_19 : vector<16xi32> to vector<16xi32>
    tpu.vector_store %arg10[%swap3A_20], %swap3A_23 {strides = array<i32>} : memref<80xi32, #tpu.memory_space<vmem>>, vector<16xi32>,
    %get3A_24 = arith.constant 48 : index
    %get3A_25 = tpu.vector_load %arg9[%get3A_24] {strides = array<i32>} : memref<10000xi32, #tpu.memory_space<vmem>>, vector<16xi32>,
    %get3A_26 = vector.shape_cast %get3A_25 : vector<16xi32> to vector<16xi32>
    %swap3A_27 = arith.constant 48 : index
    %swap3A_28 = tpu.vector_load %arg10[%swap3A_27] {strides = array<i32>} : memref<80xi32, #tpu.memory_space<vmem>>, vector<16xi32>,
    %swap3A_29 = vector.shape_cast %swap3A_28 : vector<16xi32> to vector<16xi32>
    %swap3A_30 = vector.shape_cast %get3A_26 : vector<16xi32> to vector<16xi32>
    tpu.vector_store %arg10[%swap3A_27], %swap3A_30 {strides = array<i32>} : memref<80xi32, #tpu.memory_space<vmem>>, vector<16xi32>,
    %get3A_31 = arith.constant 64 : index
    %get3A_32 = tpu.vector_load %arg9[%get3A_31] {strides = array<i32>} : memref<10000xi32, #tpu.memory_space<vmem>>, vector<16xi32>,
    %get3A_33 = vector.shape_cast %get3A_32 : vector<16xi32> to vector<16xi32>
    %swap3A_34 = arith.constant 64 : index
    %swap3A_35 = tpu.vector_load %arg10[%swap3A_34] {strides = array<i32>} : memref<80xi32, #tpu.memory_space<vmem>>, vector<16xi32>,
    %swap3A_36 = vector.shape_cast %swap3A_35 : vector<16xi32> to vector<16xi32>
    %swap3A_37 = vector.shape_cast %get3A_33 : vector<16xi32> to vector<16xi32>
    tpu.vector_store %arg10[%swap3A_34], %swap3A_37 {strides = array<i32>} : memref<80xi32, #tpu.memory_space<vmem>>, vector<16xi32>,
    %dma_start3A = arith.constant 0 : i32
    %dma_start3A_38 = tpu.memref_slice %arg8[%dma_start3A] : memref<10000xi32, #tpu.memory_space<vmem>> -> memref<80xi32, #tpu.memory_space<vmem>>
    %dma_start3A_39 = arith.constant 0 : i32
    %dma_start3A_40 = arith.constant 0 : i32
    %dma_start3A_41 = tpu.memref_slice %arg2[%dma_start3A_39, %dma_start3A_40] : memref<10112x128xf32, #tpu.memory_space<hbm>> -> memref<10112x128xf32, #tpu.memory_space<hbm>>
    tpu.enqueue_indirect_dma source(%dma_start3A_41 : memref<10112x128xf32, #tpu.memory_space<hbm>>) target(%arg12 : memref<80x128xf32, #tpu.memory_space<vmem>>) offsets(%dma_start3A_38 : memref<80xi32, #tpu.memory_space<vmem>>) semaphore(%arg14 : memref<!tpu.dma_semaphore, #tpu.memory_space<semaphore_mem>>)
    %scan3A = arith.constant 0 : i32
    %scan3A_42 = arith.constant 0 : i32
    %scan3A_43 = arith.constant 63 : i32
    %scan3A_44 = arith.addi %scan3A_42, %scan3A_43 : i32
    %scan3A_45 = arith.constant 1 : i32
    scf.for %scan3A_53 = %scan3A_42 to %scan3A_44 step %scan3A_45  : i32 {
      %mul3A_54 = arith.constant 2 : i32
      %mul3A_55 = arith.muli %mul3A_54, %scan3A_53 : i32
      %mul3A_56 = arith.constant 80 : i32
      %mul3A_57 = arith.muli %mul3A_55, %mul3A_56 : i32
      %dma_wait3A_58 = tpu.memref_slice %arg8[%mul3A_57] : memref<10000xi32, #tpu.memory_space<vmem>> -> memref<80xi32, #tpu.memory_space<vmem>>
      %dma_wait3A_59 = arith.constant 0 : i32
      %dma_wait3A_60 = arith.constant 0 : i32
      %dma_wait3A_61 = tpu.memref_slice %arg2[%dma_wait3A_59, %dma_wait3A_60] : memref<10112x128xf32, #tpu.memory_space<hbm>> -> memref<10112x128xf32, #tpu.memory_space<hbm>>
      tpu.wait_indirect_dma semaphore(%arg14 : memref<!tpu.dma_semaphore, #tpu.memory_space<semaphore_mem>>) src(%dma_wait3A_61 : memref<10112x128xf32, #tpu.memory_space<hbm>>) dst(%arg12 : memref<80x128xf32, #tpu.memory_space<vmem>>)
      %dma_start3A_62 = arith.constant 0 : i32
      %dma_start3A_63 = arith.constant 0 : i32
      %dma_start3A_64 = tpu.memref_slice %arg7[%dma_start3A_62, %dma_start3A_63] : memref<10112x128xf32, #tpu.memory_space<vmem_shared>> -> memref<10112x128xf32, #tpu.memory_space<vmem_shared>>
      tpu.enqueue_indirect_dma source(%arg12 : memref<80x128xf32, #tpu.memory_space<vmem>>) target(%dma_start3A_64 : memref<10112x128xf32, #tpu.memory_space<vmem_shared>>) offsets(%arg10 : memref<80xi32, #tpu.memory_space<vmem>>) semaphore(%arg16 : memref<!tpu.dma_semaphore, #tpu.memory_space<semaphore_mem>>) {add = true}
      %add3A_65 = arith.constant 1 : i32
      %add3A_66 = arith.addi %mul3A_55, %add3A_65 : i32
      %lt3A = arith.constant 125 : i32
      %lt3A_67 = arith.cmpi slt, %add3A_66, %lt3A : i32
      %convert_element_type3A = arith.extui %lt3A_67 : i1 to i32
      %cond3A = arith.constant 0 : i32
      %cond3A_68 = arith.cmpi ne, %convert_element_type3A, %cond3A : i32
      scf.if %cond3A_68 {
        %ge3A = arith.constant 1 : i32
        %ge3A_78 = arith.cmpi sge, %mul3A_55, %ge3A : i32
        %convert_element_type3A_79 = arith.extui %ge3A_78 : i1 to i32
        %cond3A_80 = arith.constant 0 : i32
        %cond3A_81 = arith.cmpi ne, %convert_element_type3A_79, %cond3A_80 : i32
        scf.if %cond3A_81 {
          %dma_wait3A_147 = arith.constant 0 : i32
          %dma_wait3A_148 = arith.constant 0 : i32
          %dma_wait3A_149 = tpu.memref_slice %arg7[%dma_wait3A_147, %dma_wait3A_148] : memref<10112x128xf32, #tpu.memory_space<vmem_shared>> -> memref<10112x128xf32, #tpu.memory_space<vmem_shared>>
          tpu.wait_indirect_dma semaphore(%arg17 : memref<!tpu.dma_semaphore, #tpu.memory_space<semaphore_mem>>) src(%arg13 : memref<80x128xf32, #tpu.memory_space<vmem>>) dst(%dma_wait3A_149 : memref<10112x128xf32, #tpu.memory_space<vmem_shared>>)
        } else {
        }
        %add3A_82 = arith.constant 1 : i32
        %add3A_83 = arith.addi %mul3A_55, %add3A_82 : i32
        %mul3A_84 = arith.constant 80 : i32
        %mul3A_85 = arith.muli %add3A_83, %mul3A_84 : i32
        %add3A_86 = arith.constant 0 : i32
        %add3A_87 = arith.addi %mul3A_85, %add3A_86 : i32
        %get3A_88 = arith.index_cast %add3A_87 : i32 to index
        %get3A_89 = tpu.vector_load %arg9[%get3A_88] {strides = array<i32>} : memref<10000xi32, #tpu.memory_space<vmem>>, vector<16xi32>,
        %get3A_90 = vector.shape_cast %get3A_89 : vector<16xi32> to vector<16xi32>
        %swap3A_91 = arith.constant 0 : index
        %swap3A_92 = tpu.vector_load %arg11[%swap3A_91] {strides = array<i32>} : memref<80xi32, #tpu.memory_space<vmem>>, vector<16xi32>,
        %swap3A_93 = vector.shape_cast %swap3A_92 : vector<16xi32> to vector<16xi32>
        %swap3A_94 = vector.shape_cast %get3A_90 : vector<16xi32> to vector<16xi32>
        tpu.vector_store %arg11[%swap3A_91], %swap3A_94 {strides = array<i32>} : memref<80xi32, #tpu.memory_space<vmem>>, vector<16xi32>,
        %mul3A_95 = arith.constant 80 : i32
        %mul3A_96 = arith.muli %add3A_83, %mul3A_95 : i32
        %add3A_97 = arith.constant 16 : i32
        %add3A_98 = arith.addi %mul3A_96, %add3A_97 : i32
        %get3A_99 = arith.index_cast %add3A_98 : i32 to index
        %get3A_100 = tpu.vector_load %arg9[%get3A_99] {strides = array<i32>} : memref<10000xi32, #tpu.memory_space<vmem>>, vector<16xi32>,
        %get3A_101 = vector.shape_cast %get3A_100 : vector<16xi32> to vector<16xi32>
        %swap3A_102 = arith.constant 16 : index
        %swap3A_103 = tpu.vector_load %arg11[%swap3A_102] {strides = array<i32>} : memref<80xi32, #tpu.memory_space<vmem>>, vector<16xi32>,
        %swap3A_104 = vector.shape_cast %swap3A_103 : vector<16xi32> to vector<16xi32>
        %swap3A_105 = vector.shape_cast %get3A_101 : vector<16xi32> to vector<16xi32>
        tpu.vector_store %arg11[%swap3A_102], %swap3A_105 {strides = array<i32>} : memref<80xi32, #tpu.memory_space<vmem>>, vector<16xi32>,
        %mul3A_106 = arith.constant 80 : i32
        %mul3A_107 = arith.muli %add3A_83, %mul3A_106 : i32
        %add3A_108 = arith.constant 32 : i32
        %add3A_109 = arith.addi %mul3A_107, %add3A_108 : i32
        %get3A_110 = arith.index_cast %add3A_109 : i32 to index
        %get3A_111 = tpu.vector_load %arg9[%get3A_110] {strides = array<i32>} : memref<10000xi32, #tpu.memory_space<vmem>>, vector<16xi32>,
        %get3A_112 = vector.shape_cast %get3A_111 : vector<16xi32> to vector<16xi32>
        %swap3A_113 = arith.constant 32 : index
        %swap3A_114 = tpu.vector_load %arg11[%swap3A_113] {strides = array<i32>} : memref<80xi32, #tpu.memory_space<vmem>>, vector<16xi32>,
        %swap3A_115 = vector.shape_cast %swap3A_114 : vector<16xi32> to vector<16xi32>
        %swap3A_116 = vector.shape_cast %get3A_112 : vector<16xi32> to vector<16xi32>
        tpu.vector_store %arg11[%swap3A_113], %swap3A_116 {strides = array<i32>} : memref<80xi32, #tpu.memory_space<vmem>>, vector<16xi32>,
        %mul3A_117 = arith.constant 80 : i32
        %mul3A_118 = arith.muli %add3A_83, %mul3A_117 : i32
        %add3A_119 = arith.constant 48 : i32
        %add3A_120 = arith.addi %mul3A_118, %add3A_119 : i32
        %get3A_121 = arith.index_cast %add3A_120 : i32 to index
        %get3A_122 = tpu.vector_load %arg9[%get3A_121] {strides = array<i32>} : memref<10000xi32, #tpu.memory_space<vmem>>, vector<16xi32>,
        %get3A_123 = vector.shape_cast %get3A_122 : vector<16xi32> to vector<16xi32>
        %swap3A_124 = arith.constant 48 : index
        %swap3A_125 = tpu.vector_load %arg11[%swap3A_124] {strides = array<i32>} : memref<80xi32, #tpu.memory_space<vmem>>, vector<16xi32>,
        %swap3A_126 = vector.shape_cast %swap3A_125 : vector<16xi32> to vector<16xi32>
        %swap3A_127 = vector.shape_cast %get3A_123 : vector<16xi32> to vector<16xi32>
        tpu.vector_store %arg11[%swap3A_124], %swap3A_127 {strides = array<i32>} : memref<80xi32, #tpu.memory_space<vmem>>, vector<16xi32>,
        %mul3A_128 = arith.constant 80 : i32
        %mul3A_129 = arith.muli %add3A_83, %mul3A_128 : i32
        %add3A_130 = arith.constant 64 : i32
        %add3A_131 = arith.addi %mul3A_129, %add3A_130 : i32
        %get3A_132 = arith.index_cast %add3A_131 : i32 to index
        %get3A_133 = tpu.vector_load %arg9[%get3A_132] {strides = array<i32>} : memref<10000xi32, #tpu.memory_space<vmem>>, vector<16xi32>,
        %get3A_134 = vector.shape_cast %get3A_133 : vector<16xi32> to vector<16xi32>
        %swap3A_135 = arith.constant 64 : index
        %swap3A_136 = tpu.vector_load %arg11[%swap3A_135] {strides = array<i32>} : memref<80xi32, #tpu.memory_space<vmem>>, vector<16xi32>,
        %swap3A_137 = vector.shape_cast %swap3A_136 : vector<16xi32> to vector<16xi32>
        %swap3A_138 = vector.shape_cast %get3A_134 : vector<16xi32> to vector<16xi32>
        tpu.vector_store %arg11[%swap3A_135], %swap3A_138 {strides = array<i32>} : memref<80xi32, #tpu.memory_space<vmem>>, vector<16xi32>,
        %add3A_139 = arith.constant 1 : i32
        %add3A_140 = arith.addi %mul3A_55, %add3A_139 : i32
        %mul3A_141 = arith.constant 80 : i32
        %mul3A_142 = arith.muli %add3A_140, %mul3A_141 : i32
        %dma_start3A_143 = tpu.memref_slice %arg8[%mul3A_142] : memref<10000xi32, #tpu.memory_space<vmem>> -> memref<80xi32, #tpu.memory_space<vmem>>
        %dma_start3A_144 = arith.constant 0 : i32
        %dma_start3A_145 = arith.constant 0 : i32
        %dma_start3A_146 = tpu.memref_slice %arg2[%dma_start3A_144, %dma_start3A_145] : memref<10112x128xf32, #tpu.memory_space<hbm>> -> memref<10112x128xf32, #tpu.memory_space<hbm>>
        tpu.enqueue_indirect_dma source(%dma_start3A_146 : memref<10112x128xf32, #tpu.memory_space<hbm>>) target(%arg13 : memref<80x128xf32, #tpu.memory_space<vmem>>) offsets(%dma_start3A_143 : memref<80xi32, #tpu.memory_space<vmem>>) semaphore(%arg15 : memref<!tpu.dma_semaphore, #tpu.memory_space<semaphore_mem>>)
      } else {
      }
      %mul3A_69 = arith.constant 2 : i32
      %mul3A_70 = arith.muli %mul3A_69, %scan3A_53 : i32
      %add3A_71 = arith.constant 1 : i32
      %add3A_72 = arith.addi %mul3A_70, %add3A_71 : i32
      %lt3A_73 = arith.constant 125 : i32
      %lt3A_74 = arith.cmpi slt, %add3A_72, %lt3A_73 : i32
      %convert_element_type3A_75 = arith.extui %lt3A_74 : i1 to i32
      %cond3A_76 = arith.constant 0 : i32
      %cond3A_77 = arith.cmpi ne, %convert_element_type3A_75, %cond3A_76 : i32
      scf.if %cond3A_77 {
        %mul3A_78 = arith.constant 80 : i32
        %mul3A_79 = arith.muli %add3A_72, %mul3A_78 : i32
        %dma_wait3A_80 = tpu.memref_slice %arg8[%mul3A_79] : memref<10000xi32, #tpu.memory_space<vmem>> -> memref<80xi32, #tpu.memory_space<vmem>>
        %dma_wait3A_81 = arith.constant 0 : i32
        %dma_wait3A_82 = arith.constant 0 : i32
        %dma_wait3A_83 = tpu.memref_slice %arg2[%dma_wait3A_81, %dma_wait3A_82] : memref<10112x128xf32, #tpu.memory_space<hbm>> -> memref<10112x128xf32, #tpu.memory_space<hbm>>
        tpu.wait_indirect_dma semaphore(%arg15 : memref<!tpu.dma_semaphore, #tpu.memory_space<semaphore_mem>>) src(%dma_wait3A_83 : memref<10112x128xf32, #tpu.memory_space<hbm>>) dst(%arg13 : memref<80x128xf32, #tpu.memory_space<vmem>>)
        %dma_start3A_84 = arith.constant 0 : i32
        %dma_start3A_85 = arith.constant 0 : i32
        %dma_start3A_86 = tpu.memref_slice %arg7[%dma_start3A_84, %dma_start3A_85] : memref<10112x128xf32, #tpu.memory_space<vmem_shared>> -> memref<10112x128xf32, #tpu.memory_space<vmem_shared>>
        tpu.enqueue_indirect_dma source(%arg13 : memref<80x128xf32, #tpu.memory_space<vmem>>) target(%dma_start3A_86 : memref<10112x128xf32, #tpu.memory_space<vmem_shared>>) offsets(%arg11 : memref<80xi32, #tpu.memory_space<vmem>>) semaphore(%arg17 : memref<!tpu.dma_semaphore, #tpu.memory_space<semaphore_mem>>) {add = true}
        %add3A_87 = arith.constant 1 : i32
        %add3A_88 = arith.addi %add3A_72, %add3A_87 : i32
        %lt3A_89 = arith.constant 125 : i32
        %lt3A_90 = arith.cmpi slt, %add3A_88, %lt3A_89 : i32
        %convert_element_type3A_91 = arith.extui %lt3A_90 : i1 to i32
        %cond3A_92 = arith.constant 0 : i32
        %cond3A_93 = arith.cmpi ne, %convert_element_type3A_91, %cond3A_92 : i32
        scf.if %cond3A_93 {
          %dma_wait3A_94 = arith.constant 0 : i32
          %dma_wait3A_95 = arith.constant 0 : i32
          %dma_wait3A_96 = tpu.memref_slice %arg7[%dma_wait3A_94, %dma_wait3A_95] : memref<10112x128xf32, #tpu.memory_space<vmem_shared>> -> memref<10112x128xf32, #tpu.memory_space<vmem_shared>>
          tpu.wait_indirect_dma semaphore(%arg16 : memref<!tpu.dma_semaphore, #tpu.memory_space<semaphore_mem>>) src(%arg12 : memref<80x128xf32, #tpu.memory_space<vmem>>) dst(%dma_wait3A_96 : memref<10112x128xf32, #tpu.memory_space<vmem_shared>>)
          %add3A_97 = arith.constant 1 : i32
          %add3A_98 = arith.addi %add3A_72, %add3A_97 : i32
          %mul3A_99 = arith.constant 80 : i32
          %mul3A_100 = arith.muli %add3A_98, %mul3A_99 : i32
          %add3A_101 = arith.constant 0 : i32
          %add3A_102 = arith.addi %mul3A_100, %add3A_101 : i32
          %get3A_103 = arith.index_cast %add3A_102 : i32 to index
          %get3A_104 = tpu.vector_load %arg9[%get3A_103] {strides = array<i32>} : memref<10000xi32, #tpu.memory_space<vmem>>, vector<16xi32>,
          %get3A_105 = vector.shape_cast %get3A_104 : vector<16xi32> to vector<16xi32>
          %swap3A_106 = arith.constant 0 : index
          %swap3A_107 = tpu.vector_load %arg10[%swap3A_106] {strides = array<i32>} : memref<80xi32, #tpu.memory_space<vmem>>, vector<16xi32>,
          %swap3A_108 = vector.shape_cast %swap3A_107 : vector<16xi32> to vector<16xi32>
          %swap3A_109 = vector.shape_cast %get3A_105 : vector<16xi32> to vector<16xi32>
          tpu.vector_store %arg10[%swap3A_106], %swap3A_109 {strides = array<i32>} : memref<80xi32, #tpu.memory_space<vmem>>, vector<16xi32>,
          %mul3A_110 = arith.constant 80 : i32
          %mul3A_111 = arith.muli %add3A_98, %mul3A_110 : i32
          %add3A_112 = arith.constant 16 : i32
          %add3A_113 = arith.addi %mul3A_111, %add3A_112 : i32
          %get3A_114 = arith.index_cast %add3A_113 : i32 to index
          %get3A_115 = tpu.vector_load %arg9[%get3A_114] {strides = array<i32>} : memref<10000xi32, #tpu.memory_space<vmem>>, vector<16xi32>,
          %get3A_116 = vector.shape_cast %get3A_115 : vector<16xi32> to vector<16xi32>
          %swap3A_117 = arith.constant 16 : index
          %swap3A_118 = tpu.vector_load %arg10[%swap3A_117] {strides = array<i32>} : memref<80xi32, #tpu.memory_space<vmem>>, vector<16xi32>,
          %swap3A_119 = vector.shape_cast %swap3A_118 : vector<16xi32> to vector<16xi32>
          %swap3A_120 = vector.shape_cast %get3A_116 : vector<16xi32> to vector<16xi32>
          tpu.vector_store %arg10[%swap3A_117], %swap3A_120 {strides = array<i32>} : memref<80xi32, #tpu.memory_space<vmem>>, vector<16xi32>,
          %mul3A_121 = arith.constant 80 : i32
          %mul3A_122 = arith.muli %add3A_98, %mul3A_121 : i32
          %add3A_123 = arith.constant 32 : i32
          %add3A_124 = arith.addi %mul3A_122, %add3A_123 : i32
          %get3A_125 = arith.index_cast %add3A_124 : i32 to index
          %get3A_126 = tpu.vector_load %arg9[%get3A_125] {strides = array<i32>} : memref<10000xi32, #tpu.memory_space<vmem>>, vector<16xi32>,
          %get3A_127 = vector.shape_cast %get3A_126 : vector<16xi32> to vector<16xi32>
          %swap3A_128 = arith.constant 32 : index
          %swap3A_129 = tpu.vector_load %arg10[%swap3A_128] {strides = array<i32>} : memref<80xi32, #tpu.memory_space<vmem>>, vector<16xi32>,
          %swap3A_130 = vector.shape_cast %swap3A_129 : vector<16xi32> to vector<16xi32>
          %swap3A_131 = vector.shape_cast %get3A_127 : vector<16xi32> to vector<16xi32>
          tpu.vector_store %arg10[%swap3A_128], %swap3A_131 {strides = array<i32>} : memref<80xi32, #tpu.memory_space<vmem>>, vector<16xi32>,
          %mul3A_132 = arith.constant 80 : i32
          %mul3A_133 = arith.muli %add3A_98, %mul3A_132 : i32
          %add3A_134 = arith.constant 48 : i32
          %add3A_135 = arith.addi %mul3A_133, %add3A_134 : i32
          %get3A_136 = arith.index_cast %add3A_135 : i32 to index
          %get3A_137 = tpu.vector_load %arg9[%get3A_136] {strides = array<i32>} : memref<10000xi32, #tpu.memory_space<vmem>>, vector<16xi32>,
          %get3A_138 = vector.shape_cast %get3A_137 : vector<16xi32> to vector<16xi32>
          %swap3A_139 = arith.constant 48 : index
          %swap3A_140 = tpu.vector_load %arg10[%swap3A_139] {strides = array<i32>} : memref<80xi32, #tpu.memory_space<vmem>>, vector<16xi32>,
          %swap3A_141 = vector.shape_cast %swap3A_140 : vector<16xi32> to vector<16xi32>
          %swap3A_142 = vector.shape_cast %get3A_138 : vector<16xi32> to vector<16xi32>
          tpu.vector_store %arg10[%swap3A_139], %swap3A_142 {strides = array<i32>} : memref<80xi32, #tpu.memory_space<vmem>>, vector<16xi32>,
          %mul3A_143 = arith.constant 80 : i32
          %mul3A_144 = arith.muli %add3A_98, %mul3A_143 : i32
          %add3A_145 = arith.constant 64 : i32
          %add3A_146 = arith.addi %mul3A_144, %add3A_145 : i32
          %get3A_147 = arith.index_cast %add3A_146 : i32 to index
          %get3A_148 = tpu.vector_load %arg9[%get3A_147] {strides = array<i32>} : memref<10000xi32, #tpu.memory_space<vmem>>, vector<16xi32>,
          %get3A_149 = vector.shape_cast %get3A_148 : vector<16xi32> to vector<16xi32>
          %swap3A_150 = arith.constant 64 : index
          %swap3A_151 = tpu.vector_load %arg10[%swap3A_150] {strides = array<i32>} : memref<80xi32, #tpu.memory_space<vmem>>, vector<16xi32>,
          %swap3A_152 = vector.shape_cast %swap3A_151 : vector<16xi32> to vector<16xi32>
          %swap3A_153 = vector.shape_cast %get3A_149 : vector<16xi32> to vector<16xi32>
          tpu.vector_store %arg10[%swap3A_150], %swap3A_153 {strides = array<i32>} : memref<80xi32, #tpu.memory_space<vmem>>, vector<16xi32>,
          %add3A_154 = arith.constant 1 : i32
          %add3A_155 = arith.addi %add3A_72, %add3A_154 : i32
          %mul3A_156 = arith.constant 80 : i32
          %mul3A_157 = arith.muli %add3A_155, %mul3A_156 : i32
          %dma_start3A_158 = tpu.memref_slice %arg8[%mul3A_157] : memref<10000xi32, #tpu.memory_space<vmem>> -> memref<80xi32, #tpu.memory_space<vmem>>
          %dma_start3A_159 = arith.constant 0 : i32
          %dma_start3A_160 = arith.constant 0 : i32
          %dma_start3A_161 = tpu.memref_slice %arg2[%dma_start3A_159, %dma_start3A_160] : memref<10112x128xf32, #tpu.memory_space<hbm>> -> memref<10112x128xf32, #tpu.memory_space<hbm>>
          tpu.enqueue_indirect_dma source(%dma_start3A_161 : memref<10112x128xf32, #tpu.memory_space<hbm>>) target(%arg12 : memref<80x128xf32, #tpu.memory_space<vmem>>) offsets(%dma_start3A_158 : memref<80xi32, #tpu.memory_space<vmem>>) semaphore(%arg14 : memref<!tpu.dma_semaphore, #tpu.memory_space<semaphore_mem>>)
        } else {
        }
      } else {
      }
    }
    %scan3A_46 = arith.constant 63 : i32
    %dma_wait3A = arith.constant 0 : i32
    %dma_wait3A_47 = arith.constant 0 : i32
    %dma_wait3A_48 = tpu.memref_slice %arg7[%dma_wait3A, %dma_wait3A_47] : memref<10112x128xf32, #tpu.memory_space<vmem_shared>> -> memref<10112x128xf32, #tpu.memory_space<vmem_shared>>
    tpu.wait_indirect_dma semaphore(%arg16 : memref<!tpu.dma_semaphore, #tpu.memory_space<semaphore_mem>>) src(%arg12 : memref<80x128xf32, #tpu.memory_space<vmem>>) dst(%dma_wait3A_48 : memref<10112x128xf32, #tpu.memory_space<vmem_shared>>)
    %dma_wait3A_49 = arith.constant 0 : i32
    %dma_wait3A_50 = arith.constant 0 : i32
    %dma_wait3A_51 = tpu.memref_slice %arg7[%dma_wait3A_49, %dma_wait3A_50] : memref<10112x128xf32, #tpu.memory_space<vmem_shared>> -> memref<10112x128xf32, #tpu.memory_space<vmem_shared>>
    tpu.wait_indirect_dma semaphore(%arg17 : memref<!tpu.dma_semaphore, #tpu.memory_space<semaphore_mem>>) src(%arg13 : memref<80x128xf32, #tpu.memory_space<vmem>>) dst(%dma_wait3A_51 : memref<10112x128xf32, #tpu.memory_space<vmem_shared>>)
    %barrier3A_52 = arith.constant 0 : index
    tpu.barrier barrier_id(%barrier3A_52)
    "tpu.region"() ({
      %run_scoped3A = tpu.sem_alloc : memref<!tpu.dma_semaphore, #tpu.memory_space<semaphore_mem>>
      %dma_start3A_53 = arith.constant 0 : i32
      %dma_start3A_54 = tpu.memref_slice %arg6[%arg0, %mul3A_0, %dma_start3A_53] : memref<2x10112x128xf32, #tpu.memory_space<hbm>> -> memref<1x632x128xf32, #tpu.memory_space<hbm>>
      %dma_start3A_55 = tpu.memref_squeeze %dma_start3A_54 : memref<1x632x128xf32, #tpu.memory_space<hbm>> -> memref<632x128xf32, #tpu.memory_space<hbm>>
      %dma_start3A_56 = arith.constant 0 : i32
      %dma_start3A_57 = tpu.memref_slice %arg7[%mul3A_0, %dma_start3A_56] : memref<10112x128xf32, #tpu.memory_space<vmem_shared>> -> memref<632x128xf32, #tpu.memory_space<vmem_shared>>
      tpu.enqueue_dma source(%dma_start3A_57 : memref<632x128xf32, #tpu.memory_space<vmem_shared>>) target(%dma_start3A_55 : memref<632x128xf32, #tpu.memory_space<hbm>>) target_semaphore(%run_scoped3A : memref<!tpu.dma_semaphore, #tpu.memory_space<semaphore_mem>>)
      %dma_wait3A_58 = arith.constant 0 : i32
      %dma_wait3A_59 = tpu.memref_slice %arg6[%arg0, %mul3A_0, %dma_wait3A_58] : memref<2x10112x128xf32, #tpu.memory_space<hbm>> -> memref<1x632x128xf32, #tpu.memory_space<hbm>>
      %dma_wait3A_60 = tpu.memref_squeeze %dma_wait3A_59 : memref<1x632x128xf32, #tpu.memory_space<hbm>> -> memref<632x128xf32, #tpu.memory_space<hbm>>
      %dma_wait3A_61 = arith.constant 0 : i32
      %dma_wait3A_62 = tpu.memref_slice %arg7[%mul3A_0, %dma_wait3A_61] : memref<10112x128xf32, #tpu.memory_space<vmem_shared>> -> memref<632x128xf32, #tpu.memory_space<vmem_shared>>
      tpu.wait_dma2 semaphore(%run_scoped3A : memref<!tpu.dma_semaphore, #tpu.memory_space<semaphore_mem>>) src(%dma_wait3A_62 : memref<632x128xf32, #tpu.memory_space<vmem_shared>>) dst(%dma_wait3A_60 : memref<632x128xf32, #tpu.memory_space<hbm>>)
      tpu.yield
    }) : () -> ()
    return
  }
}

module attributes {stable_mosaic.version = 14 : i64} {
  func.func @_first_body(%arg0: i32, %arg1: memref<1264x128xf32, #tpu.memory_space<vmem>>, %arg2: memref<128x128xf32, #tpu.memory_space<vmem>>, %arg3: memref<2x1264x128xf32, #tpu.memory_space<vmem>>, %arg4: memref<1264x128xf32, #tpu.memory_space<vmem>>, %arg5: memref<1264x128xf32, #tpu.memory_space<vmem>>, %arg6: memref<1264x1xf32, #tpu.memory_space<vmem>>) attributes {dimension_semantics = [#tpu.dimension_semantics<arbitrary>], iteration_bounds = array<i64: 8>, scalar_prefetch = 0 : i64, scratch_operands = 0 : i64, tpu.core_type = #tpu.core_type<tc>, window_params = [{transform_indices = @transform_0, window_bounds = array<i64: 1264, 128>}, {pipeline_mode = #tpu.pipeline_mode<synchronous>, transform_indices = @transform_1, window_bounds = array<i64: 128, 128>}, {transform_indices = @transform_2, window_bounds = array<i64: 2, 1264, 128>}, {transform_indices = @transform_3, window_bounds = array<i64: 1264, 128>}, {transform_indices = @transform_4, window_bounds = array<i64: 1264, 128>}, {transform_indices = @transform_5, window_bounds = array<i64: 1264, 1>}]} {
    %get3A = arith.constant 0 : index
    %get3A_0 = arith.constant 0 : index
    %get3A_1 = arith.constant 0 : index
    %get3A_2 = vector.load %arg3[%get3A, %get3A_0, %get3A_1] : memref<2x1264x128xf32, #tpu.memory_space<vmem>>, vector<1x1264x1xf32>
    %get3A_3 = vector.shape_cast %get3A_2 : vector<1x1264x1xf32> to vector<1264x1xf32>
    %add3A = arith.constant 1.000000e+00 : f32
    %add3A_4 = vector.broadcast %add3A : f32 to vector<1264x1xf32>
    %add3A_5 = arith.addf %add3A_4, %get3A_3 : vector<1264x1xf32>
    %get3A_6 = arith.constant 1 : index
    %get3A_7 = arith.constant 0 : index
    %get3A_8 = arith.constant 0 : index
    %get3A_9 = vector.load %arg3[%get3A_6, %get3A_7, %get3A_8] : memref<2x1264x128xf32, #tpu.memory_space<vmem>>, vector<1x1264x1xf32>
    %get3A_10 = vector.shape_cast %get3A_9 : vector<1x1264x1xf32> to vector<1264x1xf32>
    %add3A_11 = arith.addf %add3A_5, %get3A_10 : vector<1264x1xf32>
    %rsqrt3A = math.rsqrt %add3A_11 : vector<1264x1xf32>
    %get3A_12 = arith.constant 0 : index
    %get3A_13 = arith.constant 0 : index
    %get3A_14 = vector.load %arg1[%get3A_12, %get3A_13] : memref<1264x128xf32, #tpu.memory_space<vmem>>, vector<1264x128xf32>
    %get3A_15 = arith.constant 0 : index
    %get3A_16 = arith.constant 0 : index
    %get3A_17 = vector.load %arg2[%get3A_15, %get3A_16] : memref<128x128xf32, #tpu.memory_space<vmem>>, vector<128x128xf32>
    %dot_general3A = arith.constant dense<0.000000e+00> : vector<1264x128xf32>
    %dot_general3A_18 = tpu.matmul %get3A_14, %get3A_17, %dot_general3A {dimension_numbers = #tpu.dot_dimension_numbers<[1], [0], [0], [1], [0, 0, 1, 1], [], []>, precision = #tpu.contract_precision<fp32>, transpose_lhs_hint = false} : vector<1264x128xf32>, vector<128x128xf32>, vector<1264x128xf32> -> vector<1264x128xf32>
    %swap3A = arith.constant 0 : index
    %swap3A_19 = arith.constant 0 : index
    %swap3A_20 = vector.load %arg4[%swap3A, %swap3A_19] : memref<1264x128xf32, #tpu.memory_space<vmem>>, vector<1264x128xf32>
    tpu.vector_store %arg4[%swap3A, %swap3A_19], %dot_general3A_18 {strides = array<i32>} : memref<1264x128xf32, #tpu.memory_space<vmem>>, vector<1264x128xf32>,
    %mul3A = vector.broadcast %rsqrt3A : vector<1264x1xf32> to vector<1264x128xf32>
    %mul3A_21 = arith.mulf %dot_general3A_18, %mul3A : vector<1264x128xf32>
    %swap3A_22 = arith.constant 0 : index
    %swap3A_23 = arith.constant 0 : index
    %swap3A_24 = vector.load %arg5[%swap3A_22, %swap3A_23] : memref<1264x128xf32, #tpu.memory_space<vmem>>, vector<1264x128xf32>
    tpu.vector_store %arg5[%swap3A_22, %swap3A_23], %mul3A_21 {strides = array<i32>} : memref<1264x128xf32, #tpu.memory_space<vmem>>, vector<1264x128xf32>,
    %swap3A_25 = arith.constant 0 : index
    %swap3A_26 = arith.constant 0 : index
    %swap3A_27 = vector.load %arg6[%swap3A_25, %swap3A_26] : memref<1264x1xf32, #tpu.memory_space<vmem>>, vector<1264x1xf32>
    tpu.vector_store %arg6[%swap3A_25, %swap3A_26], %rsqrt3A {strides = array<i32>} : memref<1264x1xf32, #tpu.memory_space<vmem>>, vector<1264x1xf32>,
    return
  }
  func.func @transform_0(%arg0: i32) -> (i32, i32) {
    %c0_i32 = arith.constant 0 : i32
    %c0_i32_0 = arith.constant 0 : i32
    return %arg0, %c0_i32 : i32, i32
  }
  func.func @transform_1(%arg0: i32) -> (i32, i32) {
    %c0_i32 = arith.constant 0 : i32
    %c0_i32_0 = arith.constant 0 : i32
    %c0_i32_1 = arith.constant 0 : i32
    return %c0_i32, %c0_i32_0 : i32, i32
  }
  func.func @transform_2(%arg0: i32) -> (i32, i32, i32) {
    %c0_i32 = arith.constant 0 : i32
    %c0_i32_0 = arith.constant 0 : i32
    %c0_i32_1 = arith.constant 0 : i32
    return %c0_i32, %arg0, %c0_i32_0 : i32, i32, i32
  }
  func.func @transform_3(%arg0: i32) -> (i32, i32) {
    %c0_i32 = arith.constant 0 : i32
    %c0_i32_0 = arith.constant 0 : i32
    return %arg0, %c0_i32 : i32, i32
  }
  func.func @transform_4(%arg0: i32) -> (i32, i32) {
    %c0_i32 = arith.constant 0 : i32
    %c0_i32_0 = arith.constant 0 : i32
    return %arg0, %c0_i32 : i32, i32
  }
  func.func @transform_5(%arg0: i32) -> (i32, i32) {
    %c0_i32 = arith.constant 0 : i32
    %c0_i32_0 = arith.constant 0 : i32
    return %arg0, %c0_i32 : i32, i32
  }
}

module attributes {stable_mosaic.version = 14 : i64} {
  func.func @_mid_body(%arg0: i32, %arg1: memref<2x1264x128xf32, #tpu.memory_space<vmem>>, %arg2: memref<1264x128xf32, #tpu.memory_space<vmem>>, %arg3: memref<1264x1xf32, #tpu.memory_space<vmem>>, %arg4: memref<1x128xf32, #tpu.memory_space<vmem>>, %arg5: memref<1x128xf32, #tpu.memory_space<vmem>>, %arg6: memref<1x128xf32, #tpu.memory_space<vmem>>, %arg7: memref<128x128xf32, #tpu.memory_space<vmem>>, %arg8: memref<1264x128xf32, #tpu.memory_space<vmem>>, %arg9: memref<1264x128xf32, #tpu.memory_space<vmem>>) attributes {dimension_semantics = [#tpu.dimension_semantics<arbitrary>], iteration_bounds = array<i64: 8>, scalar_prefetch = 0 : i64, scratch_operands = 0 : i64, tpu.core_type = #tpu.core_type<tc>, window_params = [{transform_indices = @transform_0, window_bounds = array<i64: 2, 1264, 128>}, {transform_indices = @transform_1, window_bounds = array<i64: 1264, 128>}, {transform_indices = @transform_2, window_bounds = array<i64: 1264, 1>}, {pipeline_mode = #tpu.pipeline_mode<synchronous>, transform_indices = @transform_3, window_bounds = array<i64: 1, 128>}, {pipeline_mode = #tpu.pipeline_mode<synchronous>, transform_indices = @transform_4, window_bounds = array<i64: 1, 128>}, {pipeline_mode = #tpu.pipeline_mode<synchronous>, transform_indices = @transform_5, window_bounds = array<i64: 1, 128>}, {pipeline_mode = #tpu.pipeline_mode<synchronous>, transform_indices = @transform_6, window_bounds = array<i64: 128, 128>}, {transform_indices = @transform_7, window_bounds = array<i64: 1264, 128>}, {transform_indices = @transform_8, window_bounds = array<i64: 1264, 128>}]} {
    %get3A = arith.constant 0 : index
    %get3A_0 = arith.constant 0 : index
    %get3A_1 = vector.load %arg3[%get3A, %get3A_0] : memref<1264x1xf32, #tpu.memory_space<vmem>>, vector<1264x1xf32>
    %get3A_2 = arith.constant 0 : index
    %get3A_3 = arith.constant 0 : index
    %get3A_4 = arith.constant 0 : index
    %get3A_5 = vector.load %arg1[%get3A_2, %get3A_3, %get3A_4] : memref<2x1264x128xf32, #tpu.memory_space<vmem>>, vector<1x1264x128xf32>
    %get3A_6 = vector.shape_cast %get3A_5 : vector<1x1264x128xf32> to vector<1264x128xf32>
    %get3A_7 = arith.constant 1 : index
    %get3A_8 = arith.constant 0 : index
    %get3A_9 = arith.constant 0 : index
    %get3A_10 = vector.load %arg1[%get3A_7, %get3A_8, %get3A_9] : memref<2x1264x128xf32, #tpu.memory_space<vmem>>, vector<1x1264x128xf32>
    %get3A_11 = vector.shape_cast %get3A_10 : vector<1x1264x128xf32> to vector<1264x128xf32>
    %add3A = arith.addf %get3A_6, %get3A_11 : vector<1264x128xf32>
    %mul3A = vector.broadcast %get3A_1 : vector<1264x1xf32> to vector<1264x128xf32>
    %mul3A_12 = arith.mulf %mul3A, %add3A : vector<1264x128xf32>
    %mul3A_13 = arith.mulf %get3A_1, %get3A_1 : vector<1264x1xf32>
    %get3A_14 = arith.constant 0 : index
    %get3A_15 = arith.constant 0 : index
    %get3A_16 = vector.load %arg2[%get3A_14, %get3A_15] : memref<1264x128xf32, #tpu.memory_space<vmem>>, vector<1264x128xf32>
    %mul3A_17 = vector.broadcast %mul3A_13 : vector<1264x1xf32> to vector<1264x128xf32>
    %mul3A_18 = arith.mulf %mul3A_17, %get3A_16 : vector<1264x128xf32>
    %add3A_19 = arith.addf %mul3A_12, %mul3A_18 : vector<1264x128xf32>
    %get3A_20 = arith.constant 0 : index
    %get3A_21 = arith.constant 0 : index
    %get3A_22 = vector.load %arg4[%get3A_20, %get3A_21] : memref<1x128xf32, #tpu.memory_space<vmem>>, vector<1x128xf32>
    %add3A_23 = vector.broadcast %get3A_22 : vector<1x128xf32> to vector<1264x128xf32>
    %add3A_24 = arith.addf %add3A_19, %add3A_23 : vector<1264x128xf32>
    %get3A_25 = arith.constant 0 : index
    %get3A_26 = arith.constant 0 : index
    %get3A_27 = vector.load %arg5[%get3A_25, %get3A_26] : memref<1x128xf32, #tpu.memory_space<vmem>>, vector<1x128xf32>
    %mul3A_28 = vector.broadcast %get3A_27 : vector<1x128xf32> to vector<1264x128xf32>
    %mul3A_29 = arith.mulf %add3A_24, %mul3A_28 : vector<1264x128xf32>
    %get3A_30 = arith.constant 0 : index
    %get3A_31 = arith.constant 0 : index
    %get3A_32 = vector.load %arg6[%get3A_30, %get3A_31] : memref<1x128xf32, #tpu.memory_space<vmem>>, vector<1x128xf32>
    %add3A_33 = vector.broadcast %get3A_32 : vector<1x128xf32> to vector<1264x128xf32>
    %add3A_34 = arith.addf %mul3A_29, %add3A_33 : vector<1264x128xf32>
    %max3A = arith.constant 0.000000e+00 : f32
    %max3A_35 = vector.broadcast %max3A : f32 to vector<1264x128xf32>
    %max3A_36 = arith.maximumf %add3A_34, %max3A_35 : vector<1264x128xf32>
    %get3A_37 = arith.constant 0 : index
    %get3A_38 = arith.constant 0 : index
    %get3A_39 = vector.load %arg7[%get3A_37, %get3A_38] : memref<128x128xf32, #tpu.memory_space<vmem>>, vector<128x128xf32>
    %dot_general3A = arith.constant dense<0.000000e+00> : vector<1264x128xf32>
    %dot_general3A_40 = tpu.matmul %max3A_36, %get3A_39, %dot_general3A {dimension_numbers = #tpu.dot_dimension_numbers<[1], [0], [0], [1], [0, 0, 1, 1], [], []>, precision = #tpu.contract_precision<fp32>, transpose_lhs_hint = false} : vector<1264x128xf32>, vector<128x128xf32>, vector<1264x128xf32> -> vector<1264x128xf32>
    %swap3A = arith.constant 0 : index
    %swap3A_41 = arith.constant 0 : index
    %swap3A_42 = vector.load %arg8[%swap3A, %swap3A_41] : memref<1264x128xf32, #tpu.memory_space<vmem>>, vector<1264x128xf32>
    tpu.vector_store %arg8[%swap3A, %swap3A_41], %dot_general3A_40 {strides = array<i32>} : memref<1264x128xf32, #tpu.memory_space<vmem>>, vector<1264x128xf32>,
    %get3A_43 = arith.constant 0 : index
    %get3A_44 = arith.constant 0 : index
    %get3A_45 = vector.load %arg3[%get3A_43, %get3A_44] : memref<1264x1xf32, #tpu.memory_space<vmem>>, vector<1264x1xf32>
    %mul3A_46 = vector.broadcast %get3A_45 : vector<1264x1xf32> to vector<1264x128xf32>
    %mul3A_47 = arith.mulf %dot_general3A_40, %mul3A_46 : vector<1264x128xf32>
    %swap3A_48 = arith.constant 0 : index
    %swap3A_49 = arith.constant 0 : index
    %swap3A_50 = vector.load %arg9[%swap3A_48, %swap3A_49] : memref<1264x128xf32, #tpu.memory_space<vmem>>, vector<1264x128xf32>
    tpu.vector_store %arg9[%swap3A_48, %swap3A_49], %mul3A_47 {strides = array<i32>} : memref<1264x128xf32, #tpu.memory_space<vmem>>, vector<1264x128xf32>,
    return
  }
  func.func @transform_0(%arg0: i32) -> (i32, i32, i32) {
    %c0_i32 = arith.constant 0 : i32
    %c0_i32_0 = arith.constant 0 : i32
    %c0_i32_1 = arith.constant 0 : i32
    return %c0_i32, %arg0, %c0_i32_0 : i32, i32, i32
  }
  func.func @transform_1(%arg0: i32) -> (i32, i32) {
    %c0_i32 = arith.constant 0 : i32
    %c0_i32_0 = arith.constant 0 : i32
    return %arg0, %c0_i32 : i32, i32
  }
  func.func @transform_2(%arg0: i32) -> (i32, i32) {
    %c0_i32 = arith.constant 0 : i32
    %c0_i32_0 = arith.constant 0 : i32
    return %arg0, %c0_i32 : i32, i32
  }
  func.func @transform_3(%arg0: i32) -> (i32, i32) {
    %c0_i32 = arith.constant 0 : i32
    %c0_i32_0 = arith.constant 0 : i32
    %c0_i32_1 = arith.constant 0 : i32
    return %c0_i32, %c0_i32_0 : i32, i32
  }
  func.func @transform_4(%arg0: i32) -> (i32, i32) {
    %c0_i32 = arith.constant 0 : i32
    %c0_i32_0 = arith.constant 0 : i32
    %c0_i32_1 = arith.constant 0 : i32
    return %c0_i32, %c0_i32_0 : i32, i32
  }
  func.func @transform_5(%arg0: i32) -> (i32, i32) {
    %c0_i32 = arith.constant 0 : i32
    %c0_i32_0 = arith.constant 0 : i32
    %c0_i32_1 = arith.constant 0 : i32
    return %c0_i32, %c0_i32_0 : i32, i32
  }
  func.func @transform_6(%arg0: i32) -> (i32, i32) {
    %c0_i32 = arith.constant 0 : i32
    %c0_i32_0 = arith.constant 0 : i32
    %c0_i32_1 = arith.constant 0 : i32
    return %c0_i32, %c0_i32_0 : i32, i32
  }
  func.func @transform_7(%arg0: i32) -> (i32, i32) {
    %c0_i32 = arith.constant 0 : i32
    %c0_i32_0 = arith.constant 0 : i32
    return %arg0, %c0_i32 : i32, i32
  }
  func.func @transform_8(%arg0: i32) -> (i32, i32) {
    %c0_i32 = arith.constant 0 : i32
    %c0_i32_0 = arith.constant 0 : i32
    return %arg0, %c0_i32 : i32, i32
  }
}

module attributes {stable_mosaic.version = 14 : i64} {
  func.func @_last_body(%arg0: i32, %arg1: memref<2x1264x128xf32, #tpu.memory_space<vmem>>, %arg2: memref<1264x128xf32, #tpu.memory_space<vmem>>, %arg3: memref<1264x1xf32, #tpu.memory_space<vmem>>, %arg4: memref<1x128xf32, #tpu.memory_space<vmem>>, %arg5: memref<1x128xf32, #tpu.memory_space<vmem>>, %arg6: memref<1x128xf32, #tpu.memory_space<vmem>>, %arg7: memref<128x40xf32, #tpu.memory_space<vmem>>, %arg8: memref<1x40xf32, #tpu.memory_space<vmem>>, %arg9: memref<1264x40xf32, #tpu.memory_space<vmem>>) attributes {dimension_semantics = [#tpu.dimension_semantics<arbitrary>], iteration_bounds = array<i64: 8>, scalar_prefetch = 0 : i64, scratch_operands = 0 : i64, tpu.core_type = #tpu.core_type<tc>, window_params = [{transform_indices = @transform_0, window_bounds = array<i64: 2, 1264, 128>}, {transform_indices = @transform_1, window_bounds = array<i64: 1264, 128>}, {transform_indices = @transform_2, window_bounds = array<i64: 1264, 1>}, {pipeline_mode = #tpu.pipeline_mode<synchronous>, transform_indices = @transform_3, window_bounds = array<i64: 1, 128>}, {pipeline_mode = #tpu.pipeline_mode<synchronous>, transform_indices = @transform_4, window_bounds = array<i64: 1, 128>}, {pipeline_mode = #tpu.pipeline_mode<synchronous>, transform_indices = @transform_5, window_bounds = array<i64: 1, 128>}, {pipeline_mode = #tpu.pipeline_mode<synchronous>, transform_indices = @transform_6, window_bounds = array<i64: 128, 40>}, {pipeline_mode = #tpu.pipeline_mode<synchronous>, transform_indices = @transform_7, window_bounds = array<i64: 1, 40>}, {transform_indices = @transform_8, window_bounds = array<i64: 1264, 40>}]} {
    %get3A = arith.constant 0 : index
    %get3A_0 = arith.constant 0 : index
    %get3A_1 = vector.load %arg3[%get3A, %get3A_0] : memref<1264x1xf32, #tpu.memory_space<vmem>>, vector<1264x1xf32>
    %get3A_2 = arith.constant 0 : index
    %get3A_3 = arith.constant 0 : index
    %get3A_4 = arith.constant 0 : index
    %get3A_5 = vector.load %arg1[%get3A_2, %get3A_3, %get3A_4] : memref<2x1264x128xf32, #tpu.memory_space<vmem>>, vector<1x1264x128xf32>
    %get3A_6 = vector.shape_cast %get3A_5 : vector<1x1264x128xf32> to vector<1264x128xf32>
    %get3A_7 = arith.constant 1 : index
    %get3A_8 = arith.constant 0 : index
    %get3A_9 = arith.constant 0 : index
    %get3A_10 = vector.load %arg1[%get3A_7, %get3A_8, %get3A_9] : memref<2x1264x128xf32, #tpu.memory_space<vmem>>, vector<1x1264x128xf32>
    %get3A_11 = vector.shape_cast %get3A_10 : vector<1x1264x128xf32> to vector<1264x128xf32>
    %add3A = arith.addf %get3A_6, %get3A_11 : vector<1264x128xf32>
    %mul3A = vector.broadcast %get3A_1 : vector<1264x1xf32> to vector<1264x128xf32>
    %mul3A_12 = arith.mulf %mul3A, %add3A : vector<1264x128xf32>
    %mul3A_13 = arith.mulf %get3A_1, %get3A_1 : vector<1264x1xf32>
    %get3A_14 = arith.constant 0 : index
    %get3A_15 = arith.constant 0 : index
    %get3A_16 = vector.load %arg2[%get3A_14, %get3A_15] : memref<1264x128xf32, #tpu.memory_space<vmem>>, vector<1264x128xf32>
    %mul3A_17 = vector.broadcast %mul3A_13 : vector<1264x1xf32> to vector<1264x128xf32>
    %mul3A_18 = arith.mulf %mul3A_17, %get3A_16 : vector<1264x128xf32>
    %add3A_19 = arith.addf %mul3A_12, %mul3A_18 : vector<1264x128xf32>
    %get3A_20 = arith.constant 0 : index
    %get3A_21 = arith.constant 0 : index
    %get3A_22 = vector.load %arg4[%get3A_20, %get3A_21] : memref<1x128xf32, #tpu.memory_space<vmem>>, vector<1x128xf32>
    %add3A_23 = vector.broadcast %get3A_22 : vector<1x128xf32> to vector<1264x128xf32>
    %add3A_24 = arith.addf %add3A_19, %add3A_23 : vector<1264x128xf32>
    %get3A_25 = arith.constant 0 : index
    %get3A_26 = arith.constant 0 : index
    %get3A_27 = vector.load %arg5[%get3A_25, %get3A_26] : memref<1x128xf32, #tpu.memory_space<vmem>>, vector<1x128xf32>
    %mul3A_28 = vector.broadcast %get3A_27 : vector<1x128xf32> to vector<1264x128xf32>
    %mul3A_29 = arith.mulf %add3A_24, %mul3A_28 : vector<1264x128xf32>
    %get3A_30 = arith.constant 0 : index
    %get3A_31 = arith.constant 0 : index
    %get3A_32 = vector.load %arg6[%get3A_30, %get3A_31] : memref<1x128xf32, #tpu.memory_space<vmem>>, vector<1x128xf32>
    %add3A_33 = vector.broadcast %get3A_32 : vector<1x128xf32> to vector<1264x128xf32>
    %add3A_34 = arith.addf %mul3A_29, %add3A_33 : vector<1264x128xf32>
    %max3A = arith.constant 0.000000e+00 : f32
    %max3A_35 = vector.broadcast %max3A : f32 to vector<1264x128xf32>
    %max3A_36 = arith.maximumf %add3A_34, %max3A_35 : vector<1264x128xf32>
    %get3A_37 = arith.constant 0 : index
    %get3A_38 = arith.constant 0 : index
    %get3A_39 = vector.load %arg7[%get3A_37, %get3A_38] : memref<128x40xf32, #tpu.memory_space<vmem>>, vector<128x40xf32>
    %dot_general3A = arith.constant dense<0.000000e+00> : vector<1264x40xf32>
    %dot_general3A_40 = tpu.matmul %max3A_36, %get3A_39, %dot_general3A {dimension_numbers = #tpu.dot_dimension_numbers<[1], [0], [0], [1], [0, 0, 1, 1], [], []>, precision = #tpu.contract_precision<fp32>, transpose_lhs_hint = false} : vector<1264x128xf32>, vector<128x40xf32>, vector<1264x40xf32> -> vector<1264x40xf32>
    %get3A_41 = arith.constant 0 : index
    %get3A_42 = arith.constant 0 : index
    %get3A_43 = vector.load %arg8[%get3A_41, %get3A_42] : memref<1x40xf32, #tpu.memory_space<vmem>>, vector<1x40xf32>
    %add3A_44 = vector.broadcast %get3A_43 : vector<1x40xf32> to vector<1264x40xf32>
    %add3A_45 = arith.addf %dot_general3A_40, %add3A_44 : vector<1264x40xf32>
    %swap3A = arith.constant 0 : index
    %swap3A_46 = arith.constant 0 : index
    %swap3A_47 = vector.load %arg9[%swap3A, %swap3A_46] : memref<1264x40xf32, #tpu.memory_space<vmem>>, vector<1264x40xf32>
    tpu.vector_store %arg9[%swap3A, %swap3A_46], %add3A_45 {strides = array<i32>} : memref<1264x40xf32, #tpu.memory_space<vmem>>, vector<1264x40xf32>,
    return
  }
  func.func @transform_0(%arg0: i32) -> (i32, i32, i32) {
    %c0_i32 = arith.constant 0 : i32
    %c0_i32_0 = arith.constant 0 : i32
    %c0_i32_1 = arith.constant 0 : i32
    return %c0_i32, %arg0, %c0_i32_0 : i32, i32, i32
  }
  func.func @transform_1(%arg0: i32) -> (i32, i32) {
    %c0_i32 = arith.constant 0 : i32
    %c0_i32_0 = arith.constant 0 : i32
    return %arg0, %c0_i32 : i32, i32
  }
  func.func @transform_2(%arg0: i32) -> (i32, i32) {
    %c0_i32 = arith.constant 0 : i32
    %c0_i32_0 = arith.constant 0 : i32
    return %arg0, %c0_i32 : i32, i32
  }
  func.func @transform_3(%arg0: i32) -> (i32, i32) {
    %c0_i32 = arith.constant 0 : i32
    %c0_i32_0 = arith.constant 0 : i32
    %c0_i32_1 = arith.constant 0 : i32
    return %c0_i32, %c0_i32_0 : i32, i32
  }
  func.func @transform_4(%arg0: i32) -> (i32, i32) {
    %c0_i32 = arith.constant 0 : i32
    %c0_i32_0 = arith.constant 0 : i32
    %c0_i32_1 = arith.constant 0 : i32
    return %c0_i32, %c0_i32_0 : i32, i32
  }
  func.func @transform_5(%arg0: i32) -> (i32, i32) {
    %c0_i32 = arith.constant 0 : i32
    %c0_i32_0 = arith.constant 0 : i32
    %c0_i32_1 = arith.constant 0 : i32
    return %c0_i32, %c0_i32_0 : i32, i32
  }
  func.func @transform_6(%arg0: i32) -> (i32, i32) {
    %c0_i32 = arith.constant 0 : i32
    %c0_i32_0 = arith.constant 0 : i32
    %c0_i32_1 = arith.constant 0 : i32
    return %c0_i32, %c0_i32_0 : i32, i32
  }
  func.func @transform_7(%arg0: i32) -> (i32, i32) {
    %c0_i32 = arith.constant 0 : i32
    %c0_i32_0 = arith.constant 0 : i32
    %c0_i32_1 = arith.constant 0 : i32
    return %c0_i32, %c0_i32_0 : i32, i32
  }
  func.func @transform_8(%arg0: i32) -> (i32, i32) {
    %c0_i32 = arith.constant 0 : i32
    %c0_i32_0 = arith.constant 0 : i32
    return %arg0, %c0_i32 : i32, i32
  }
}

</mosaic_0001>

<sc_bundles>
// kernel: kernel.12.cloned.1.call-start
scs
__scs_entry_jumppad:
0x0: {  	(pc) =	sbr.rel $0x88, $3  }
0x1: {  	(tag) =	ssettag $0x0;
	lr =	simm.s32 $0x1  }
0x2: {  	[smem:$0x3F8D] =	sst lr;
	_ =	strace $0xD0000000  }
0x3: {  	_ = 	snop  }
0x4: {  	_ = 	snop  }
0x5: {  	_ = 	snop  }
0x6: {  	_ = 	snop  }
0x7: {  	_ = 	snop  }
__scs_overlays_trampoline_lowered:
0x8: {  	[smem:$0x3F9C] =	sst s0  }
0x9: {  	[smem:$0x3F9D] =	sst s1  }
0xa: {  	[smem:$0x3F9E] =	sst s2  }
0xb: {  	[smem:$0x3F9F] =	sst s3  }
0xc: {  	[smem:$0x3FA0] =	sst s4  }
0xd: {  	[smem:$0x3FA1] =	sst s5  }
0xe: {  	[smem:$0x3FA2] =	sst s6  }
0xf: {  	[smem:$0x3FA3] =	sst s7  }
0x10: {  	[smem:$0x3FA4] =	sst s8  }
0x11: {  	[smem:$0x3FA5] =	sst s9;
	s0 =	simm.s32 @!p0 $0x0  }
0x12: {  	s1 =	sld [smem:$0x3F8B];
	s0 =	simm.s32 @p0 $0x1  }
0x13: {  	[smem:$0x3FA6] =	sst s0;
	s0 =	simm.s32 @!p1 $0x0  }
0x14: {  	s2 =	sld [smem:$0x3F8A];
	s0 =	simm.s32 @p1 $0x1  }
0x15: {  	[smem:$0x3FA7] =	sst s0;
	s0 =	simm.s32 @!p2 $0x0  }
0x16: {  	s3 =	sld [smem:$0x3FDB];
	s0 =	simm.s32 @p2 $0x1  }
0x17: {  	s4 =	simm.s32 $0x1BF5;
	[smem:$0x3FA9] =	sst s0  }
0x18: {  	s0 =	sld [smem:$0x3F8C];
	_ =	swait.ge [sflag:s4], $0x0  }
0x19: {  	s7 =	sld [smem:$0x3F8D]  }
0x1a: {  	s8 =	sadd.s32 $0xFFFFE003, lr  }
0x1b: {  	s9 =	sadd.s32 $0xFFFFFEF7, lr;
	s5 =	simm.s32 $0xFFFFFFFF;
	p2 =	slt.u32 s8, $0xFFFFF086  }
0x1c: {  	p1 =	slt.u32 s9, $0xF7A;
	s5 =	simm.s32 @!p2 $0x0  }
0x1d: {  	s5 =	simm.s32 @p1 $0x1;
	p0 =	seq.s32 s7, s2  }
0x1e: {  	s7 =	smul.u32 @!p0 $0xF7A, s2;
	p2 =	seq.s32 @!p0 s5, $0x0  }
0x1f: {  	s9 =	smul.u32 $0xF7A, s1;
	s8 =	simm.s32 @!p0 $0x1BF5;
	p2 =	por !p2, p0  }
0x20: {  	[sflag:s8] =	ssyncset.s32 @!p0 $0xFFFFF086;
	s6 =	sadd.s32 @!p0 s3, s7;
	s7 =	simm.s32 @!p0 $0x108  }
0x21: {  	s3 =	sadd.s32 s3, s9;
	s6 =	sadd.s32 @!p0 $0x88, s6;
	s7 =	simm.s32 @p2 $0x1082  }
0x22: {  	[simem:s7], [sflag:s8] =	dma.local @!p0 [hbm:s6], $0xF7A  }
0x23: {  	s9 =	sor.u32 $0xD0000000, s2;
	s6 =	simm.s32 $0x108;
	_ =	swait.ge @!p0 [sflag:s8], $0x0  }
0x24: {  	s3 =	sadd.s32 $0x88, s3;
	s6 =	simm.s32 @!p1 $0x1082;
	[sflag:s4] =	ssyncset.s32 $0xFFFFF086  }
0x25: {  	[simem:s6], [sflag:s4] =	dma.local [hbm:s3], $0xF7A  }
0x26: {  	[smem:$0x3F8D] =	sst s1;
	(tag) =	ssettag s2;
	_ =	strace s9  }
0x27: {  	s1 =	sld [smem:$0x3F9D]  }
0x28: {  	s2 =	sld [smem:$0x3F9E]  }
0x29: {  	s4 =	sld [smem:$0x3FA0]  }
0x2a: {  	p0 =	seq.s32 s5, $0x0;
	s5 =	sld [smem:$0x3FA1]  }
0x2b: {  	s6 =	sld [smem:$0x3FA2]  }
0x2c: {  	s7 =	sld [smem:$0x3FA3]  }
0x2d: {  	s3 =	simm.s32 $0x108;
	s8 =	sld [smem:$0x3FA4]  }
0x2e: {  	s3 =	simm.s32 @!p0 $0x1082;
	s9 =	sld [smem:$0x3FA5]  }
0x2f: {  	lr =	sadd.s32 s0, s3;
	s0 =	sld [smem:$0x3F9C]  }
0x30: {  	s3 =	sld [smem:$0x3F9F]  }
0x31: {  	[smem:$0x3FA8] =	sst s10  }
0x32: {  	s10 =	sld [smem:$0x3FA6];
	_ =	sdelay $0x3  }
0x33: {  	p0 =	seq.s32 s10, $0x1;
	s10 =	sld [smem:$0x3FA8];
	_ =	sdelay $0x3  }
0x34: {  	[smem:$0x3FA8] =	sst s10  }
0x35: {  	s10 =	sld [smem:$0x3FA7];
	_ =	sdelay $0x3  }
0x36: {  	p1 =	seq.s32 s10, $0x1;
	s10 =	sld [smem:$0x3FA8];
	_ =	sdelay $0x3  }
0x37: {  	[smem:$0x3FA8] =	sst s10  }
0x38: {  	s10 =	sld [smem:$0x3FA9]  }
0x39: {  	_ = 	snop;
	(pc) =	sbr.ind lr, $3  }
0x3a: {  	_ = 	snop  }
0x3b: {  	_ = 	snop  }
0x3c: {  	p2 =	seq.s32 s10, $0x1;
	s10 =	sld [smem:$0x3FA8]  }
0x3d: {  	_ =	shalt  }
0x3e: {  	_ =	shalt  }
0x3f: {  	_ =	shalt  }
0x40: {  	_ =	shalt  }
0x41: {  	_ =	shalt  }
0x42: {  	_ =	shalt  }
0x43: {  	_ =	shalt  }
0x44: {  	_ =	shalt  }
0x45: {  	_ =	shalt  }
0x46: {  	_ =	shalt  }
0x47: {  	_ =	shalt  }
0x48: {  	_ =	shalt  }
0x49: {  	_ =	shalt  }
0x4a: {  	_ =	shalt  }
0x4b: {  	_ =	shalt  }
0x4c: {  	_ =	shalt  }
0x4d: {  	_ =	shalt  }
0x4e: {  	_ =	shalt  }
0x4f: {  	_ =	shalt  }
0x50: {  	_ =	shalt  }
0x51: {  	_ =	shalt  }
0x52: {  	_ =	shalt  }
0x53: {  	_ =	shalt  }
0x54: {  	_ =	shalt  }
0x55: {  	_ =	shalt  }
0x56: {  	_ =	shalt  }
0x57: {  	_ =	shalt  }
0x58: {  	_ =	shalt  }
0x59: {  	_ =	shalt  }
0x5a: {  	_ =	shalt  }
0x5b: {  	_ =	shalt  }
0x5c: {  	_ =	shalt  }
0x5d: {  	_ =	shalt  }
0x5e: {  	_ =	shalt  }
0x5f: {  	_ =	shalt  }
0x60: {  	_ =	shalt  }
0x61: {  	_ =	shalt  }
0x62: {  	_ =	shalt  }
0x63: {  	_ =	shalt  }
0x64: {  	_ =	shalt  }
0x65: {  	_ =	shalt  }
0x66: {  	_ =	shalt  }
0x67: {  	_ =	shalt  }
0x68: {  	_ =	shalt  }
0x69: {  	_ =	shalt  }
0x6a: {  	_ =	shalt  }
0x6b: {  	_ =	shalt  }
0x6c: {  	_ =	shalt  }
0x6d: {  	_ =	shalt  }
0x6e: {  	_ =	shalt  }
0x6f: {  	_ =	shalt  }
0x70: {  	_ =	shalt  }
0x71: {  	_ =	shalt  }
0x72: {  	_ =	shalt  }
0x73: {  	_ =	shalt  }
0x74: {  	_ =	shalt  }
0x75: {  	_ =	shalt  }
0x76: {  	_ =	shalt  }
0x77: {  	_ =	shalt  }
0x78: {  	_ =	shalt  }
0x79: {  	_ =	shalt  }
0x7a: {  	_ =	shalt  }
0x7b: {  	_ =	shalt  }
0x7c: {  	_ =	shalt  }
0x7d: {  	_ =	shalt  }
0x7e: {  	_ =	shalt  }
0x7f: {  	_ =	shalt  }
0x80: {  	_ =	shalt  }
0x81: {  	_ =	shalt  }
0x82: {  	_ =	shalt  }
0x83: {  	_ =	shalt  }
0x84: {  	_ =	shalt  }
0x85: {  	_ =	shalt  }
0x86: {  	_ =	shalt  }
0x87: {  	_ =	shalt  }
.Lfunc_end0:
.L_simem_size_0:
called_computation_lowered:
.L_overlay_start_0:
0x88: {  	s2 =	sld [smem:$0x3FD9]  }
0x89: {  	s3 =	sld [smem:$0x3FFE];
	_ =	sdelay $0x1  }
0x8a: {  	s1 =	srdreg.scid  }
0x8b: {  	s0 =	sand.u32 $0x1, s1  }
0x8c: {  	s16 =	sshll.u32 s0, $0xA;
	s2 =	sadd.s32 s3, s2  }
0x8d: {  	s2 =	sadd.s32 s2, s16  }
0x8e: {  	[smem:$0x3FB4] =	sst s2  }
0x8f: {  	_ = 	snop  }
0x90: {  	(tm) =	ssettm $0x1  }
0x91: {  	s17 =	sld [smem:$0x3FFB];
	_ =	sdelay $0x3  }
0x92: {  	_ =	strace s17  }
0x93: {  	s2 =	sld [smem:$0x3FFC];
	_ =	sdelay $0x3  }
0x94: {  	_ =	strace s2  }
0x95: {  	s2 =	sld [smem:$0x3FFD];
	_ =	sdelay $0x3  }
0x96: {  	_ =	strace s2  }
0x97: {  	_ =	strace $0x8FFFFFFF  }
0x98: {  	s18 =	sld [smem:$0x3FDB];
	_ =	sdelay $0x1  }
0x99: {  	s19 =	simm.s32 $_scs_section_size  }
0x9a: {  	s4 =	simm.s32 $_size__tile_overlayer_lowered;
	s5 =	simm.s32 $_tile_overlayer_lowered  }
0x9b: {  	s22 =	simm.s32 $0x1BFF;
	s21 =	sshll.u32 s5, $0x1;
	s2 =	sadd.s32 s19, s18  }
0x9c: {  	s6 =	simm.s32 $0x0;
	s20 =	sshll.u32 s4, $0x1;
	s4 =	sadd.s32 s21, s2  }
0x9d: {  	[timem:s6], [sflag:s22] =	dma.local [hbm:s4], s20  }
0x9e: {  	_ =	swait.ge [sflag:s22], s20  }
0x9f: {  	s3 =	ssub.s32 $0x0, s20;
	[sflag:s22] =	ssyncset.done $0x0  }
0xa0: {  	[sflag:s22] =	ssyncadd.s32 s3;
	_ =	sdelay $0x1  }
0xa1: {  	s23 =	simm.s32 $0x1B8B  }
0xa2: {  	_ =	swait.ge [sflag:s23], $0x1  }
0xa3: {  	[sflag:s23] =	ssyncset.done $0x0  }
0xa4: {  	s25 =	simm.s32 $0x1B8E;
	s24 =	sld [smem:$0x3FFE];
	[sflag:s23] =	ssyncadd.s32 $0xFFFFFFFF  }
0xa5: {  	s26 =	simm.s32 $execute0_lowered;
	[smem:$0x3FD2] =	sst s25  }
0xa6: {  	s4 =	sshll.u32 s26, $0x1;
	_ =	strace $0x80000046;
	[dreg:$0x1] =	wrdreg $0xFFFFFFFF  }
0xa7: {  	s28 =	simm.s32 $_size_execute0_lowered;
	s2 =	sadd.s32 s2, s4;
	[dreg:$0x0] =	wrdreg $0x0  }
0xa8: {  	s4 =	sshll.u32 s28, $0x1;
	[dreg:$0x2] =	wrdreg s2  }
0xa9: {  	[dreg:$0x3] =	wrdreg s4  }
0xaa: {  	[dreg:$0x4] =	wrdreg $0xC0  }
0xab: {  	_ =	task [dreg:s6], $0x5FFFF  }
0xac: {  	[dreg:$0x1] =	wrdreg $0xFFFFFFFF  }
0xad: {  	[dreg:$0x0] =	wrdreg $0x60  }
0xae: {  	[dreg:$0x2] =	wrdreg s24  }
0xaf: {  	[dreg:$0x3] =	wrdreg $0x0  }
0xb0: {  	[dreg:$0x4] =	wrdreg $0x9  }
0xb1: {  	_ =	task.clear_ibuf [dreg:s6], $0x5FFFF;
	_ =	strace $0x90000046  }
0xb2: {  	s29 =	simm.s32 $0x9;
	_ =	strace $0x80000048  }
0xb3: {  	_ =	swait.ge [sflag:s29], $0x1  }
0xb4: {  	[sflag:s29] =	ssyncadd.s32 $0xFFFFFFFF  }
0xb5: {  	_ =	strace $0x90000048  }
0xb6: {  	_ =	sfence  }
0xb7: {  	s30 =	sld [smem:$0x0];
	_ =	sdelay $0x2  }
0xb8: {  	s31 =	sshll.u32 s1, $0xD;
	s1 =	sshrl.u32 s1, $0x2  }
0xb9: {  	s3 =	sand.u32 $0x4000, s31;
	s1 =	sadd.s32 s1, s30  }
0xba: {  	s0 =	sor.u32 s3, s0;
	s1 =	sshll.u32 s1, $0x11  }
0xbb: {  	s0 =	sor.u32 s1, s0  }
0xbc: {  	s0 =	sadd.s32 $0x8F2B, s0  }
0xbd: {  	[sflag:s0] =	ssyncadd.remote.s32 $0x1  }
0xbe: {  	_ =	sfence.sel $0xFFFF  }
0xbf: {  	[dreg:$0x0] =	wrdreg $0xFFFFFFFF;
	(pc) =	sbr.abs _section_cstart, $3  }
0xc0: {  	[dreg:$0x1] =	wrdreg $0xFFFFFFFF  }
0xc1: {  	_ =	task.clear_ibuf [dreg:s6], $0x2FFFF;
	_ =	strace $0x9FFFFFFF  }
0xc2: {  	(tm) =	ssettm $0x7FFFFFFF  }
0xc3: {  	_ =	shalt  }
tec
execute0_lowered:
.L_overlay_start_1:
0x0: {  	(tag) =	ssettag $0x1  }
0x1: {  	s5 =	rddreg [dreg:$0x0]  }
0x2: {  	s0 =	srdreg.scid;
	s2 =	rddreg [dreg:$0x1];
	s3 =	simm.s32 $0x0  }
0x3: {  	s12 =	simm.s32 $0x50;
	s13 =	simm.s32 $0x16380;
	s14 =	simm.s32 $0x16480  }
0x4: {  	s15 =	simm.s32 $0x16400;
	s16 =	simm.s32 $0x1;
	s4 =	sand.u32 $0x1, s0  }
0x5: {  	s17 =	simm.s32 $0x2;
	s0 =	stileid.u32;
	s7 =	smul.u32 $0x13C000, s4  }
0x6: {  	s18 =	simm.s32 $0x0;
	[smem:$0x7FF] =	sst s3;
	s8 =	smul.u32 $0x13C00, s0  }
0x7: {  	s1 =	sshll.u32 s4, $0x4;
	s29 =	ssub.s32 $0x2, s4;
	s9 =	smul.u32 $0x4F000, s0  }
0x8: {  	s4 =	sadd.s32 $0xE600, s5;
	s10 =	sshll.u32 s0, $0x6;
	s1 =	sor.u32 s0, s1  }
0x9: {  	s30 =	sshrl.u32 s29, $0x1;
	s10 =	sor.u32 $0x1C03, s10;
	s6 =	smul.u32 $0x4E2, s1  }
0xa: {  	s1 =	rddreg [dreg:$0x2];
	_ =	strace $0x80000047;
	s7 =	sadd.s32 s8, s7  }
0xb: {  	s8 =	ssub.s32 s29, s30;
	s31 =	sshrl.u32 s9, $0x2;
	s9 =	simm.s32 $0x3  }
0xc: {  	s7 =	sshrl.u32 s7, $0x3;
	s11 =	sadd.s32 s31, s2;
	s6 =	sadd.s32 s6, s5  }
0xd: {  	s7 =	sadd.s32 s7, s5;
	s11 =	sshrl.u32 s11, $0x3;
	s5 =	sadd.s32 $0x4800, s6  }
0xe: {  	v0 =	vimm.f32 $1.000000000e+00;
	s6 =	sadd.s32 $0x10E00, s7;
	s7 =	smax.u32 s8, $0x1;
	s8 =	simm.s32 $0x13C00  }
.LBB2_1:
0xf: {  	[tilespmem:s8], [sflag:$0x3] =	stream.linear.gather [hbm4b:s5+s3], $0x2710, $0x38;
	[tilespmem:$0x18C80] =	vst v63  }
0x10: {  	_ =	swait.ge [sflag:s9], $0x2710  }
0x11: {  	[sflag:s9] =	ssyncset.done $0x0  }
0x12: {  	[sflag:s9] =	ssyncadd.s32 $0xFFFFD8F0  }
0x13: {  	[spmem:s11], [sflag:s10] =	dma.local [hbm:s4], $0x2780  }
0x14: {  	_ =	swait.ge [sflag:s9], $0x2780  }
0x15: {  	[sflag:s9] =	ssyncset.done $0x0  }
0x16: {  	s19 =	simm.s32 $0x0;
	s20 =	simm.s32 $0x200;
	[sflag:s9] =	ssyncadd.s32 $0xFFFFD880  }
.LBB2_2:
0x17: {  	p0 =	sne.s32 s20, $0x9E00;
	[tilespmem:s19+$0x164F0] =	vst v0  }
0x18: {  	[tilespmem:s19+$0x16480] =	vst v0  }
0x19: {  	[tilespmem:s19+$0x16490] =	vst v0  }
.Ltmp0:
0x1a: {  	[tilespmem:s19+$0x164A0] =	vst v0;
	(pc) =	sbr.rel @p0 .LBB2_2-.Ltmp0, $4  }
0x1b: {  	[tilespmem:s19+$0x164B0] =	vst v0  }
0x1c: {  	[tilespmem:s19+$0x164C0] =	vst v0  }
0x1d: {  	[tilespmem:s19+$0x164D0] =	vst v0  }
0x1e: {  	[tilespmem:s19+$0x164E0] =	vst v0;
	s19 =	sshra.s32 s20, $0x2;
	s20 =	sadd.s32 $0x200, s20  }
0x1f: {  	[tilespmem:s19+$0x164F0] =	vst v0  }
0x20: {  	[tilespmem:s19+$0x16480] =	vst v0  }
0x21: {  	[tilespmem:s19+$0x16490] =	vst v0  }
0x22: {  	[tilespmem:s19+$0x164A0] =	vst v0  }
0x23: {  	[tilespmem:s19+$0x164B0] =	vst v0  }
0x24: {  	[tilespmem:s19+$0x164C0] =	vst v0  }
0x25: {  	[tilespmem:s19+$0x164D0] =	vst v0  }
0x26: {  	[tilespmem:s19+$0x164E0] =	vst v0  }
0x27: {  	[bflag:$0x0] =	sbarrier.arrive $0xFFFF  }
0x28: {  	v1 =	vld [tilespmem:$0x13C00]  }
0x29: {  	v2 =	vld [tilespmem:$0x13C10]  }
0x2a: {  	v3 =	vld [tilespmem:$0x13C20]  }
0x2b: {  	v4 =	vld [tilespmem:$0x13C30]  }
0x2c: {  	v5 =	vld [tilespmem:$0x13C40]  }
0x2d: {  	[tilespmem:$0x16380] =	vst v1  }
0x2e: {  	[tilespmem:$0x16390] =	vst v2  }
0x2f: {  	[tilespmem:$0x163A0] =	vst v3  }
0x30: {  	[tilespmem:$0x163B0] =	vst v4  }
0x31: {  	[tilespmem:$0x163C0] =	vst v5  }
0x32: {  	[spmem:s2] =	stream.indirect.scatter.add.f32 [tilespmem:s14], [sflag:$0x1], $0x80, s13, s12, $0xb8;
	[tilespmem:$0x18C80] =	vst v63  }
0x33: {  	v1 =	vld [tilespmem:$0x13C50]  }
0x34: {  	v2 =	vld [tilespmem:$0x13C60]  }
0x35: {  	v3 =	vld [tilespmem:$0x13C70]  }
0x36: {  	v62 =	vld [tilespmem:$0x13C80]  }
0x37: {  	v63 =	vld [tilespmem:$0x13C90]  }
0x38: {  	[tilespmem:$0x16400] =	vst v1  }
0x39: {  	[tilespmem:$0x16410] =	vst v2  }
0x3a: {  	[tilespmem:$0x16420] =	vst v3  }
0x3b: {  	[tilespmem:$0x16430] =	vst v62  }
0x3c: {  	[tilespmem:$0x16440] =	vst v63  }
0x3d: {  	[spmem:s2] =	stream.indirect.scatter.add.f32 [tilespmem:s14], [sflag:$0x2], $0x80, s15, s12, $0xb8;
	[tilespmem:$0x18C80] =	vst v63  }
0x3e: {  	_ =	swait.ge [sflag:s16], $0x2800  }
0x3f: {  	[sflag:s16] =	ssyncset.done $0x0  }
0x40: {  	s31 =	simm.s32 $0x0;
	[sflag:s16] =	ssyncadd.s32 $0xFFFFD800  }
0x41: {  	v1 =	vld [tilespmem:s31+$0x13CA0];
	_ =	sdelay $0x4  }
0x42: {  	[tilespmem:$0x16380] =	vst v1  }
0x43: {  	v1 =	vld [tilespmem:s31+$0x13CB0];
	_ =	sdelay $0x4  }
0x44: {  	[tilespmem:$0x16390] =	vst v1  }
0x45: {  	v1 =	vld [tilespmem:s31+$0x13CC0];
	_ =	sdelay $0x4  }
0x46: {  	[tilespmem:$0x163A0] =	vst v1  }
0x47: {  	v1 =	vld [tilespmem:s31+$0x13CD0];
	_ =	sdelay $0x4  }
0x48: {  	[tilespmem:$0x163B0] =	vst v1  }
0x49: {  	v1 =	vld [tilespmem:s31+$0x13CE0];
	_ =	sdelay $0x4  }
0x4a: {  	[tilespmem:$0x163C0] =	vst v1  }
0x4b: {  	[spmem:s2] =	stream.indirect.scatter.add.f32 [tilespmem:s14], [sflag:$0x1], $0x80, s13, s12, $0xb8;
	[tilespmem:$0x18C80] =	vst v63  }
0x4c: {  	_ =	swait.ge [sflag:s17], $0x2800  }
0x4d: {  	[sflag:s17] =	ssyncset.done $0x0  }
0x4e: {  	[sflag:s17] =	ssyncadd.s32 $0xFFFFD800  }
0x4f: {  	v1 =	vld [tilespmem:s31+$0x13CF0];
	_ =	sdelay $0x4  }
0x50: {  	[tilespmem:$0x16400] =	vst v1  }
0x51: {  	v1 =	vld [tilespmem:s31+$0x13D00];
	_ =	sdelay $0x4  }
0x52: {  	[tilespmem:$0x16410] =	vst v1  }
0x53: {  	v1 =	vld [tilespmem:s31+$0x13D10];
	_ =	sdelay $0x4  }
0x54: {  	[tilespmem:$0x16420] =	vst v1  }
0x55: {  	v1 =	vld [tilespmem:s31+$0x13D20];
	_ =	sdelay $0x4  }
0x56: {  	[tilespmem:$0x16430] =	vst v1  }
0x57: {  	v1 =	vld [tilespmem:s31+$0x13D30];
	_ =	sdelay $0x4  }
0x58: {  	s19 =	simm.s32 $0x280;
	[tilespmem:$0x16440] =	vst v1  }
.LBB2_4:
0x59: {  	[spmem:s2] =	stream.indirect.scatter.add.f32 [tilespmem:s14], [sflag:$0x2], $0x80, s15, s12, $0xb8;
	[tilespmem:$0x18C80] =	vst v63  }
0x5a: {  	s20 =	smov.u32 s19;
	s19 =	sadd.s32 $0x280, s19;
	_ =	swait.ge [sflag:s16], $0x2800  }
0x5b: {  	p0 =	sne.s32 s19, $0x9880;
	[sflag:s16] =	ssyncset.done $0x0  }
0x5c: {  	s20 =	sshra.s32 s20, $0x2;
	[sflag:s16] =	ssyncadd.s32 $0xFFFFD800  }
0x5d: {  	v1 =	vld [tilespmem:s20+$0x13CA0];
	_ =	sdelay $0x4  }
0x5e: {  	[tilespmem:$0x16380] =	vst v1  }
0x5f: {  	v1 =	vld [tilespmem:s20+$0x13CB0];
	_ =	sdelay $0x4  }
0x60: {  	[tilespmem:$0x16390] =	vst v1  }
0x61: {  	v1 =	vld [tilespmem:s20+$0x13CC0];
	_ =	sdelay $0x4  }
0x62: {  	[tilespmem:$0x163A0] =	vst v1  }
0x63: {  	v1 =	vld [tilespmem:s20+$0x13CD0];
	_ =	sdelay $0x4  }
0x64: {  	[tilespmem:$0x163B0] =	vst v1  }
0x65: {  	v1 =	vld [tilespmem:s20+$0x13CE0];
	_ =	sdelay $0x4  }
0x66: {  	[tilespmem:$0x163C0] =	vst v1  }
0x67: {  	[spmem:s2] =	stream.indirect.scatter.add.f32 [tilespmem:s14], [sflag:$0x1], $0x80, s13, s12, $0xb8;
	[tilespmem:$0x18C80] =	vst v63  }
0x68: {  	_ =	swait.ge [sflag:s17], $0x2800  }
0x69: {  	[sflag:s17] =	ssyncset.done $0x0  }
0x6a: {  	[sflag:s17] =	ssyncadd.s32 $0xFFFFD800  }
0x6b: {  	v1 =	vld [tilespmem:s20+$0x13CF0];
	_ =	sdelay $0x4  }
0x6c: {  	[tilespmem:$0x16400] =	vst v1  }
0x6d: {  	v1 =	vld [tilespmem:s20+$0x13D00];
	_ =	sdelay $0x4  }
0x6e: {  	[tilespmem:$0x16410] =	vst v1  }
0x6f: {  	v1 =	vld [tilespmem:s20+$0x13D10];
	_ =	sdelay $0x4  }
0x70: {  	[tilespmem:$0x16420] =	vst v1  }
0x71: {  	v1 =	vld [tilespmem:s20+$0x13D20];
	_ =	sdelay $0x4  }
0x72: {  	[tilespmem:$0x16430] =	vst v1  }
0x73: {  	v1 =	vld [tilespmem:s20+$0x13D30]  }
.Ltmp1:
0x74: {  	(pc) =	sbr.rel @p0 .LBB2_4-.Ltmp1, $2  }
0x75: {  	_ =	sdelay $0x2  }
0x76: {  	[tilespmem:$0x16440] =	vst v1  }
0x77: {  	[spmem:s2] =	stream.indirect.scatter.add.f32 [tilespmem:s14], [sflag:$0x2], $0x80, s15, s12, $0xb8;
	[tilespmem:$0x18C80] =	vst v63  }
0x78: {  	_ =	swait.ge [sflag:s16], $0x2800  }
0x79: {  	[sflag:s16] =	ssyncset.done $0x0  }
0x7a: {  	s19 =	sshra.s32 s19, $0x2;
	[sflag:s16] =	ssyncadd.s32 $0xFFFFD800  }
0x7b: {  	v1 =	vld [tilespmem:s19+$0x13CA0];
	_ =	sdelay $0x4  }
0x7c: {  	[tilespmem:$0x16380] =	vst v1  }
0x7d: {  	v1 =	vld [tilespmem:s19+$0x13CB0];
	_ =	sdelay $0x4  }
0x7e: {  	[tilespmem:$0x16390] =	vst v1  }
0x7f: {  	v1 =	vld [tilespmem:s19+$0x13CC0];
	_ =	sdelay $0x4  }
0x80: {  	[tilespmem:$0x163A0] =	vst v1  }
0x81: {  	v1 =	vld [tilespmem:s19+$0x13CD0];
	_ =	sdelay $0x4  }
0x82: {  	[tilespmem:$0x163B0] =	vst v1  }
0x83: {  	v1 =	vld [tilespmem:s19+$0x13CE0];
	_ =	sdelay $0x4  }
0x84: {  	[tilespmem:$0x163C0] =	vst v1  }
0x85: {  	[spmem:s2] =	stream.indirect.scatter.add.f32 [tilespmem:s14], [sflag:$0x1], $0x80, s13, s12, $0xb8;
	[tilespmem:$0x18C80] =	vst v63  }
0x86: {  	_ =	swait.ge [sflag:s16], $0x2800  }
0x87: {  	[sflag:s16] =	ssyncset.done $0x0  }
0x88: {  	[sflag:s16] =	ssyncadd.s32 $0xFFFFD800  }
0x89: {  	_ =	swait.ge [sflag:s17], $0x2800  }
0x8a: {  	s18 =	sadd.s32 $0x1, s18;
	[sflag:s17] =	ssyncset.done $0x0  }
0x8b: {  	p0 =	sne.s32 s18, s7;
	[sflag:s17] =	ssyncadd.s32 $0xFFFFD800  }
.Ltmp2:
0x8c: {  	[bflag:$0x0] =	sbarrier.arrive $0xFFFF;
	(pc) =	sbr.rel @p0 .LBB2_1-.Ltmp2, $4  }
0x8d: {  	[hbm:s6], [sflag:s10] =	dma.local [spmem:s11], $0x2780  }
0x8e: {  	_ =	swait.ge [sflag:s9], $0x2780  }
0x8f: {  	[sflag:s9] =	ssyncset.done $0x0  }
0x90: {  	[sflag:s9] =	ssyncadd.s32 $0xFFFFD880  }
0x91: {  	_ =	sfence.sel $0x180000  }
0x92: {  	[bflag:$0x0] =	sbarrier.arrive $0xFFFF  }
0x93: {  	p0 =	sne.s32 s0, $0x0;
	_ =	strace $0x90000047  }
0x94: {  	s0 =	sadd.s32 @!p0 $0x100000, s1;
	[bflag:$0x2] =	sbarrier.arrive $0xFFFF  }
0x95: {  	[sflag:s0] =	ssyncadd.tile.s32 @!p0 $0x1;
	_ =	shalt  }
.Lfunc_end2:
_tile_overlayer_lowered:
.L_overlay_start_2:
0x96: {  	(tag) =	ssettag $0x2  }
0x97: {  	s0 =	rddreg [dreg:$0x0];
	s2 =	stileid.u32  }
0x98: {  	s1 =	rddreg [dreg:$0x1];
	p0 =	sne.s32 s2, $0x0  }
0x99: {  	s3 =	rddreg [dreg:$0x2];
	[bflag:$0x3] =	sbarrier.arrive $0xFFFF;
	s2 =	simm.s32 @!p0 $0x1C03  }
0x9a: {  	[timem:s3], [sflag:s2] =	dma.local @!p0 [hbm:s0], s1  }
0x9b: {  	s0 =	simm.s32 @!p0 $0x3  }
0x9c: {  	_ =	swait.ge @!p0 [sflag:s0], s1  }
0x9d: {  	s1 =	ssub.s32 @!p0 $0x0, s1;
	[sflag:s0] =	ssyncset.done @!p0 $0x0  }
0x9e: {  	[sflag:s0] =	ssyncadd.s32 @!p0 s1  }
0x9f: {  	[bflag:$0x3] =	sbarrier.arrive $0xFFFF  }
0xa0: {  	_ =	shalt  }

// kernel: kernel.15.cloned.1.call-start
scs
__scs_entry_jumppad:
0x0: {  	(pc) =	sbr.rel $0x88, $3  }
0x1: {  	(tag) =	ssettag $0x0;
	lr =	simm.s32 $0x1  }
0x2: {  	[smem:$0x3F8D] =	sst lr;
	_ =	strace $0xD0000000  }
0x3: {  	_ = 	snop  }
0x4: {  	_ = 	snop  }
0x5: {  	_ = 	snop  }
0x6: {  	_ = 	snop  }
0x7: {  	_ = 	snop  }
__scs_overlays_trampoline_lowered:
0x8: {  	[smem:$0x3F9C] =	sst s0  }
0x9: {  	[smem:$0x3F9D] =	sst s1  }
0xa: {  	[smem:$0x3F9E] =	sst s2  }
0xb: {  	[smem:$0x3F9F] =	sst s3  }
0xc: {  	[smem:$0x3FA0] =	sst s4  }
0xd: {  	[smem:$0x3FA1] =	sst s5  }
0xe: {  	[smem:$0x3FA2] =	sst s6  }
0xf: {  	[smem:$0x3FA3] =	sst s7  }
0x10: {  	[smem:$0x3FA4] =	sst s8  }
0x11: {  	[smem:$0x3FA5] =	sst s9;
	s0 =	simm.s32 @!p0 $0x0  }
0x12: {  	s1 =	sld [smem:$0x3F8B];
	s0 =	simm.s32 @p0 $0x1  }
0x13: {  	[smem:$0x3FA6] =	sst s0;
	s0 =	simm.s32 @!p1 $0x0  }
0x14: {  	s2 =	sld [smem:$0x3F8A];
	s0 =	simm.s32 @p1 $0x1  }
0x15: {  	[smem:$0x3FA7] =	sst s0;
	s0 =	simm.s32 @!p2 $0x0  }
0x16: {  	s3 =	sld [smem:$0x3FDB];
	s0 =	simm.s32 @p2 $0x1  }
0x17: {  	s4 =	simm.s32 $0x1BF5;
	[smem:$0x3FA9] =	sst s0  }
0x18: {  	s0 =	sld [smem:$0x3F8C];
	_ =	swait.ge [sflag:s4], $0x0  }
0x19: {  	s7 =	sld [smem:$0x3F8D]  }
0x1a: {  	s8 =	sadd.s32 $0xFFFFE003, lr  }
0x1b: {  	s9 =	sadd.s32 $0xFFFFFEF7, lr;
	s5 =	simm.s32 $0xFFFFFFFF;
	p2 =	slt.u32 s8, $0xFFFFF086  }
0x1c: {  	p1 =	slt.u32 s9, $0xF7A;
	s5 =	simm.s32 @!p2 $0x0  }
0x1d: {  	s5 =	simm.s32 @p1 $0x1;
	p0 =	seq.s32 s7, s2  }
0x1e: {  	s7 =	smul.u32 @!p0 $0xF7A, s2;
	p2 =	seq.s32 @!p0 s5, $0x0  }
0x1f: {  	s9 =	smul.u32 $0xF7A, s1;
	s8 =	simm.s32 @!p0 $0x1BF5;
	p2 =	por !p2, p0  }
0x20: {  	[sflag:s8] =	ssyncset.s32 @!p0 $0xFFFFF086;
	s6 =	sadd.s32 @!p0 s3, s7;
	s7 =	simm.s32 @!p0 $0x108  }
0x21: {  	s3 =	sadd.s32 s3, s9;
	s6 =	sadd.s32 @!p0 $0x88, s6;
	s7 =	simm.s32 @p2 $0x1082  }
0x22: {  	[simem:s7], [sflag:s8] =	dma.local @!p0 [hbm:s6], $0xF7A  }
0x23: {  	s9 =	sor.u32 $0xD0000000, s2;
	s6 =	simm.s32 $0x108;
	_ =	swait.ge @!p0 [sflag:s8], $0x0  }
0x24: {  	s3 =	sadd.s32 $0x88, s3;
	s6 =	simm.s32 @!p1 $0x1082;
	[sflag:s4] =	ssyncset.s32 $0xFFFFF086  }
0x25: {  	[simem:s6], [sflag:s4] =	dma.local [hbm:s3], $0xF7A  }
0x26: {  	[smem:$0x3F8D] =	sst s1;
	(tag) =	ssettag s2;
	_ =	strace s9  }
0x27: {  	s1 =	sld [smem:$0x3F9D]  }
0x28: {  	s2 =	sld [smem:$0x3F9E]  }
0x29: {  	s4 =	sld [smem:$0x3FA0]  }
0x2a: {  	p0 =	seq.s32 s5, $0x0;
	s5 =	sld [smem:$0x3FA1]  }
0x2b: {  	s6 =	sld [smem:$0x3FA2]  }
0x2c: {  	s7 =	sld [smem:$0x3FA3]  }
0x2d: {  	s3 =	simm.s32 $0x108;
	s8 =	sld [smem:$0x3FA4]  }
0x2e: {  	s3 =	simm.s32 @!p0 $0x1082;
	s9 =	sld [smem:$0x3FA5]  }
0x2f: {  	lr =	sadd.s32 s0, s3;
	s0 =	sld [smem:$0x3F9C]  }
0x30: {  	s3 =	sld [smem:$0x3F9F]  }
0x31: {  	[smem:$0x3FA8] =	sst s10  }
0x32: {  	s10 =	sld [smem:$0x3FA6];
	_ =	sdelay $0x3  }
0x33: {  	p0 =	seq.s32 s10, $0x1;
	s10 =	sld [smem:$0x3FA8];
	_ =	sdelay $0x3  }
0x34: {  	[smem:$0x3FA8] =	sst s10  }
0x35: {  	s10 =	sld [smem:$0x3FA7];
	_ =	sdelay $0x3  }
0x36: {  	p1 =	seq.s32 s10, $0x1;
	s10 =	sld [smem:$0x3FA8];
	_ =	sdelay $0x3  }
0x37: {  	[smem:$0x3FA8] =	sst s10  }
0x38: {  	s10 =	sld [smem:$0x3FA9]  }
0x39: {  	_ = 	snop;
	(pc) =	sbr.ind lr, $3  }
0x3a: {  	_ = 	snop  }
0x3b: {  	_ = 	snop  }
0x3c: {  	p2 =	seq.s32 s10, $0x1;
	s10 =	sld [smem:$0x3FA8]  }
0x3d: {  	_ =	shalt  }
0x3e: {  	_ =	shalt  }
0x3f: {  	_ =	shalt  }
0x40: {  	_ =	shalt  }
0x41: {  	_ =	shalt  }
0x42: {  	_ =	shalt  }
0x43: {  	_ =	shalt  }
0x44: {  	_ =	shalt  }
0x45: {  	_ =	shalt  }
0x46: {  	_ =	shalt  }
0x47: {  	_ =	shalt  }
0x48: {  	_ =	shalt  }
0x49: {  	_ =	shalt  }
0x4a: {  	_ =	shalt  }
0x4b: {  	_ =	shalt  }
0x4c: {  	_ =	shalt  }
0x4d: {  	_ =	shalt  }
0x4e: {  	_ =	shalt  }
0x4f: {  	_ =	shalt  }
0x50: {  	_ =	shalt  }
0x51: {  	_ =	shalt  }
0x52: {  	_ =	shalt  }
0x53: {  	_ =	shalt  }
0x54: {  	_ =	shalt  }
0x55: {  	_ =	shalt  }
0x56: {  	_ =	shalt  }
0x57: {  	_ =	shalt  }
0x58: {  	_ =	shalt  }
0x59: {  	_ =	shalt  }
0x5a: {  	_ =	shalt  }
0x5b: {  	_ =	shalt  }
0x5c: {  	_ =	shalt  }
0x5d: {  	_ =	shalt  }
0x5e: {  	_ =	shalt  }
0x5f: {  	_ =	shalt  }
0x60: {  	_ =	shalt  }
0x61: {  	_ =	shalt  }
0x62: {  	_ =	shalt  }
0x63: {  	_ =	shalt  }
0x64: {  	_ =	shalt  }
0x65: {  	_ =	shalt  }
0x66: {  	_ =	shalt  }
0x67: {  	_ =	shalt  }
0x68: {  	_ =	shalt  }
0x69: {  	_ =	shalt  }
0x6a: {  	_ =	shalt  }
0x6b: {  	_ =	shalt  }
0x6c: {  	_ =	shalt  }
0x6d: {  	_ =	shalt  }
0x6e: {  	_ =	shalt  }
0x6f: {  	_ =	shalt  }
0x70: {  	_ =	shalt  }
0x71: {  	_ =	shalt  }
0x72: {  	_ =	shalt  }
0x73: {  	_ =	shalt  }
0x74: {  	_ =	shalt  }
0x75: {  	_ =	shalt  }
0x76: {  	_ =	shalt  }
0x77: {  	_ =	shalt  }
0x78: {  	_ =	shalt  }
0x79: {  	_ =	shalt  }
0x7a: {  	_ =	shalt  }
0x7b: {  	_ =	shalt  }
0x7c: {  	_ =	shalt  }
0x7d: {  	_ =	shalt  }
0x7e: {  	_ =	shalt  }
0x7f: {  	_ =	shalt  }
0x80: {  	_ =	shalt  }
0x81: {  	_ =	shalt  }
0x82: {  	_ =	shalt  }
0x83: {  	_ =	shalt  }
0x84: {  	_ =	shalt  }
0x85: {  	_ =	shalt  }
0x86: {  	_ =	shalt  }
0x87: {  	_ =	shalt  }
.Lfunc_end0:
.L_simem_size_0:
called_computation.1_lowered:
.L_overlay_start_0:
0x88: {  	s2 =	sld [smem:$0x3FD9]  }
0x89: {  	s3 =	sld [smem:$0x3FFE];
	_ =	sdelay $0x1  }
0x8a: {  	s1 =	srdreg.scid  }
0x8b: {  	s0 =	sand.u32 $0x1, s1  }
0x8c: {  	s17 =	sshll.u32 s0, $0xA;
	s2 =	sadd.s32 s3, s2  }
0x8d: {  	s2 =	sadd.s32 s2, s17  }
0x8e: {  	[smem:$0x3FB4] =	sst s2  }
0x8f: {  	_ = 	snop  }
0x90: {  	s2 =	sld [smem:$0x3FD0];
	(tm) =	ssettm $0x1  }
0x91: {  	s18 =	sld [smem:$0x3FFB];
	_ =	sdelay $0x3  }
0x92: {  	_ =	strace s18  }
0x93: {  	s3 =	sld [smem:$0x3FFC];
	_ =	sdelay $0x3  }
0x94: {  	_ =	strace s3  }
0x95: {  	s3 =	sld [smem:$0x3FFD];
	_ =	sdelay $0x3  }
0x96: {  	_ =	strace s3  }
0x97: {  	_ =	strace $0x8FFFFFFF  }
0x98: {  	s19 =	sld [smem:$0x3FDB];
	_ =	sdelay $0x1  }
0x99: {  	s4 =	simm.s32 $_scs_section_size  }
0x9a: {  	s5 =	simm.s32 $_size__tile_overlayer_lowered;
	s6 =	simm.s32 $_tile_overlayer_lowered  }
0x9b: {  	s22 =	simm.s32 $0x1BFF;
	s21 =	sshll.u32 s6, $0x1;
	s3 =	sadd.s32 s4, s19  }
0x9c: {  	s7 =	simm.s32 $0x0;
	s20 =	sshll.u32 s5, $0x1;
	s5 =	sadd.s32 s21, s3  }
0x9d: {  	[timem:s7], [sflag:s22] =	dma.local [hbm:s5], s20  }
0x9e: {  	_ =	swait.ge [sflag:s22], s20  }
0x9f: {  	s4 =	ssub.s32 $0x0, s20;
	[sflag:s22] =	ssyncset.done $0x0  }
0xa0: {  	[sflag:s22] =	ssyncadd.s32 s4;
	_ =	sdelay $0x1  }
0xa1: {  	s23 =	simm.s32 $0x1B8B  }
0xa2: {  	_ =	swait.ge [sflag:s23], $0x1  }
0xa3: {  	[sflag:s23] =	ssyncset.done $0x0  }
0xa4: {  	s25 =	simm.s32 $0x1B8E;
	s24 =	sld [smem:$0x3FFE];
	[sflag:s23] =	ssyncadd.s32 $0xFFFFFFFF  }
0xa5: {  	s26 =	simm.s32 $execute0_lowered;
	[smem:$0x3FD2] =	sst s25  }
0xa6: {  	s5 =	sshll.u32 s26, $0x1;
	_ =	strace $0x80000049;
	[dreg:$0x1] =	wrdreg $0xFFFFFFFF  }
0xa7: {  	s28 =	simm.s32 $_size_execute0_lowered;
	s3 =	sadd.s32 s3, s5;
	[dreg:$0x0] =	wrdreg $0x0  }
0xa8: {  	s5 =	sshll.u32 s28, $0x1;
	[dreg:$0x2] =	wrdreg s3  }
0xa9: {  	[dreg:$0x3] =	wrdreg s5  }
0xaa: {  	[dreg:$0x4] =	wrdreg $0xC0  }
0xab: {  	_ =	task [dreg:s7], $0x5FFFF  }
0xac: {  	[dreg:$0x1] =	wrdreg $0xFFFFFFFF  }
0xad: {  	[dreg:$0x0] =	wrdreg $0x60  }
0xae: {  	[dreg:$0x2] =	wrdreg s24  }
0xaf: {  	[dreg:$0x3] =	wrdreg s2  }
0xb0: {  	[dreg:$0x4] =	wrdreg $0x0  }
0xb1: {  	[dreg:$0x5] =	wrdreg $0x9  }
0xb2: {  	_ =	task.clear_ibuf [dreg:s7], $0x6FFFF;
	_ =	strace $0x90000049  }
0xb3: {  	s29 =	simm.s32 $0x9;
	_ =	strace $0x8000004B  }
0xb4: {  	_ =	swait.ge [sflag:s29], $0x1  }
0xb5: {  	[sflag:s29] =	ssyncadd.s32 $0xFFFFFFFF  }
0xb6: {  	_ =	strace $0x9000004B  }
0xb7: {  	_ =	sfence  }
0xb8: {  	s30 =	sld [smem:$0x0];
	_ =	sdelay $0x2  }
0xb9: {  	s31 =	sshll.u32 s1, $0xD;
	s1 =	sshrl.u32 s1, $0x2  }
0xba: {  	s3 =	sand.u32 $0x4000, s31;
	s1 =	sadd.s32 s1, s30  }
0xbb: {  	s0 =	sor.u32 s3, s0;
	s1 =	sshll.u32 s1, $0x11  }
0xbc: {  	s0 =	sor.u32 s1, s0  }
0xbd: {  	s0 =	sadd.s32 $0x8F2B, s0  }
0xbe: {  	[sflag:s0] =	ssyncadd.remote.s32 $0x1  }
0xbf: {  	_ =	sfence.sel $0xFFFF  }
0xc0: {  	[dreg:$0x0] =	wrdreg $0xFFFFFFFF;
	(pc) =	sbr.abs _section_cstart, $3  }
0xc1: {  	[dreg:$0x1] =	wrdreg $0xFFFFFFFF  }
0xc2: {  	_ =	task.clear_ibuf [dreg:s7], $0x2FFFF;
	_ =	strace $0x9FFFFFFF  }
0xc3: {  	(tm) =	ssettm $0x7FFFFFFF  }
tec
execute0_lowered:
.L_overlay_start_1:
0x0: {  	(tag) =	ssettag $0x1  }
0x1: {  	s6 =	rddreg [dreg:$0x0]  }
0x2: {  	s7 =	rddreg [dreg:$0x1]  }
0x3: {  	s0 =	srdreg.scid;
	s2 =	rddreg [dreg:$0x2]  }
0x4: {  	s3 =	simm.s32 $0x0;
	s15 =	simm.s32 $0x50;
	s16 =	simm.s32 $0x18C00  }
0x5: {  	s17 =	simm.s32 $0x1;
	s18 =	simm.s32 $0x18B00;
	s19 =	simm.s32 $0x13C50  }
0x6: {  	s20 =	simm.s32 $0x1B400;
	s21 =	simm.s32 $0x2;
	s22 =	simm.s32 $0x18B80  }
0x7: {  	s23 =	simm.s32 $0x3;
	s24 =	simm.s32 $0x13CA0;
	s25 =	simm.s32 $0x4  }
0x8: {  	s26 =	simm.s32 $0x0;
	s5 =	sand.u32 $0x1, s0;
	s0 =	stileid.u32  }
0x9: {  	[smem:$0x7FF] =	sst s3;
	s4 =	sadd.s32 $0x10E00, s6;
	s9 =	smul.u32 $0x13C000, s5  }
0xa: {  	s1 =	sshll.u32 s5, $0x4;
	s10 =	smul.u32 $0x13C00, s0;
	s29 =	ssub.s32 $0x2, s5  }
0xb: {  	s13 =	smul.u32 $0x4F000, s0;
	s5 =	sadd.s32 $0xE600, s6;
	s1 =	sor.u32 s0, s1  }
0xc: {  	s31 =	sshll.u32 s0, $0x6;
	s12 =	sshrl.u32 s29, $0x1;
	s8 =	smul.u32 $0x4E2, s1  }
0xd: {  	s1 =	rddreg [dreg:$0x3];
	_ =	strace $0x8000004A;
	s9 =	sadd.s32 s10, s9  }
0xe: {  	s10 =	ssub.s32 s29, s12;
	s30 =	sshrl.u32 s13, $0x2;
	s12 =	simm.s32 $0x16380  }
0xf: {  	s13 =	sor.u32 $0x1C05, s31;
	s9 =	sshrl.u32 s9, $0x3;
	s14 =	sadd.s32 s30, s2  }
0x10: {  	s11 =	sadd.s32 s8, s6;
	s9 =	sadd.s32 s9, s6;
	s6 =	sadd.s32 s7, s8  }
0x11: {  	s14 =	sshrl.u32 s14, $0x3;
	s7 =	sadd.s32 $0x4800, s11;
	s8 =	sadd.s32 $0x38600, s9  }
0x12: {  	s9 =	smax.u32 s10, $0x1;
	s10 =	simm.s32 $0x13C00;
	s11 =	simm.s32 $0x5  }
.LBB2_1:
0x13: {  	[tilespmem:s10], [sflag:$0x5] =	stream.linear.gather [hbm4b:s6+s3], $0x2710, $0x38;
	[tilespmem:$0x1DC00] =	vst v63  }
0x14: {  	_ =	swait.ge [sflag:s11], $0x2710  }
0x15: {  	[sflag:s11] =	ssyncset.done $0x0  }
0x16: {  	[sflag:s11] =	ssyncadd.s32 $0xFFFFD8F0  }
0x17: {  	[tilespmem:s12], [sflag:$0x5] =	stream.linear.gather [hbm4b:s7+s3], $0x2710, $0x38;
	[tilespmem:$0x1DC00] =	vst v63  }
0x18: {  	_ =	swait.ge [sflag:s11], $0x2710  }
0x19: {  	[sflag:s11] =	ssyncset.done $0x0  }
0x1a: {  	[sflag:s11] =	ssyncadd.s32 $0xFFFFD8F0  }
0x1b: {  	[spmem:s14], [sflag:s13] =	dma.local [hbm:s5], $0x2780  }
0x1c: {  	_ =	swait.ge [sflag:s11], $0x2780  }
0x1d: {  	[sflag:s11] =	ssyncset.done $0x0  }
0x1e: {  	[sflag:s11] =	ssyncadd.s32 $0xFFFFD880  }
0x1f: {  	[bflag:$0x0] =	sbarrier.arrive $0xFFFF  }
0x20: {  	v0 =	vld [tilespmem:$0x16380]  }
0x21: {  	v1 =	vld [tilespmem:$0x16390]  }
0x22: {  	v2 =	vld [tilespmem:$0x163A0]  }
0x23: {  	v3 =	vld [tilespmem:$0x163B0]  }
0x24: {  	v4 =	vld [tilespmem:$0x163C0]  }
0x25: {  	[tilespmem:$0x18B00] =	vst v0  }
0x26: {  	[tilespmem:$0x18B10] =	vst v1  }
0x27: {  	[tilespmem:$0x18B20] =	vst v2  }
0x28: {  	[tilespmem:$0x18B30] =	vst v3  }
0x29: {  	[tilespmem:$0x18B40] =	vst v4  }
0x2a: {  	[tilespmem:s16], [sflag:$0x1] =	stream.indirect.gather [hbm4b:s4+s15], $0x80, s10, s15, $0xb8;
	[tilespmem:$0x1DC00] =	vst v63  }
0x2b: {  	_ =	swait.ge [sflag:s17], $0x2800  }
0x2c: {  	[sflag:s17] =	ssyncset.done $0x0  }
0x2d: {  	[sflag:s17] =	ssyncadd.s32 $0xFFFFD800  }
0x2e: {  	[spmem:s2] =	stream.indirect.scatter.add.f32 [tilespmem:s16], [sflag:$0x3], $0x80, s18, s15, $0xb8;
	[tilespmem:$0x1DC00] =	vst v63  }
0x2f: {  	v52 =	vld [tilespmem:$0x163D0]  }
0x30: {  	v53 =	vld [tilespmem:$0x163E0]  }
0x31: {  	v54 =	vld [tilespmem:$0x163F0]  }
0x32: {  	v55 =	vld [tilespmem:$0x16400]  }
0x33: {  	v56 =	vld [tilespmem:$0x16410]  }
0x34: {  	[tilespmem:$0x18B80] =	vst v52  }
0x35: {  	[tilespmem:$0x18B90] =	vst v53  }
0x36: {  	[tilespmem:$0x18BA0] =	vst v54  }
0x37: {  	[tilespmem:$0x18BB0] =	vst v55  }
0x38: {  	[tilespmem:$0x18BC0] =	vst v56  }
0x39: {  	[tilespmem:s20], [sflag:$0x2] =	stream.indirect.gather [hbm4b:s4+s15], $0x80, s19, s15, $0xb8;
	[tilespmem:$0x1DC00] =	vst v63  }
0x3a: {  	_ =	swait.ge [sflag:s21], $0x2800  }
0x3b: {  	[sflag:s21] =	ssyncset.done $0x0  }
0x3c: {  	[sflag:s21] =	ssyncadd.s32 $0xFFFFD800  }
0x3d: {  	[spmem:s2] =	stream.indirect.scatter.add.f32 [tilespmem:s20], [sflag:$0x4], $0x80, s22, s15, $0xb8;
	[tilespmem:$0x1DC00] =	vst v63  }
0x3e: {  	_ =	swait.ge [sflag:s23], $0x2800  }
0x3f: {  	[sflag:s23] =	ssyncset.done $0x0  }
0x40: {  	[sflag:s23] =	ssyncadd.s32 $0xFFFFD800  }
0x41: {  	v57 =	vld [tilespmem:$0x16420]  }
0x42: {  	v58 =	vld [tilespmem:$0x16430]  }
0x43: {  	v59 =	vld [tilespmem:$0x16440]  }
0x44: {  	v60 =	vld [tilespmem:$0x16450]  }
0x45: {  	v61 =	vld [tilespmem:$0x16460]  }
0x46: {  	[tilespmem:$0x18B00] =	vst v57  }
0x47: {  	[tilespmem:$0x18B10] =	vst v58  }
0x48: {  	[tilespmem:$0x18B20] =	vst v59  }
0x49: {  	[tilespmem:$0x18B30] =	vst v60  }
0x4a: {  	[tilespmem:$0x18B40] =	vst v61  }
0x4b: {  	[tilespmem:s16], [sflag:$0x1] =	stream.indirect.gather [hbm4b:s4+s15], $0x80, s24, s15, $0xb8;
	[tilespmem:$0x1DC00] =	vst v63  }
0x4c: {  	_ =	swait.ge [sflag:s17], $0x2800  }
0x4d: {  	[sflag:s17] =	ssyncset.done $0x0  }
0x4e: {  	[sflag:s17] =	ssyncadd.s32 $0xFFFFD800  }
0x4f: {  	[spmem:s2] =	stream.indirect.scatter.add.f32 [tilespmem:s16], [sflag:$0x3], $0x80, s18, s15, $0xb8;
	[tilespmem:$0x1DC00] =	vst v63  }
0x50: {  	_ =	swait.ge [sflag:s25], $0x2800  }
0x51: {  	[sflag:s25] =	ssyncset.done $0x0  }
0x52: {  	s28 =	simm.s32 $0x0;
	[sflag:s25] =	ssyncadd.s32 $0xFFFFD800  }
0x53: {  	v62 =	vld [tilespmem:s28+$0x16470];
	_ =	sdelay $0x4  }
0x54: {  	[tilespmem:$0x18B80] =	vst v62  }
0x55: {  	v0 =	vld [tilespmem:s28+$0x16480];
	_ =	sdelay $0x4  }
0x56: {  	[tilespmem:$0x18B90] =	vst v0  }
0x57: {  	v0 =	vld [tilespmem:s28+$0x16490];
	_ =	sdelay $0x4  }
0x58: {  	[tilespmem:$0x18BA0] =	vst v0  }
0x59: {  	v0 =	vld [tilespmem:s28+$0x164A0];
	_ =	sdelay $0x4  }
0x5a: {  	[tilespmem:$0x18BB0] =	vst v0  }
0x5b: {  	v0 =	vld [tilespmem:s28+$0x164B0];
	_ =	sdelay $0x4  }
0x5c: {  	s29 =	simm.s32 $0x13CF0;
	[tilespmem:$0x18BC0] =	vst v0  }
0x5d: {  	[tilespmem:s20], [sflag:$0x2] =	stream.indirect.gather [hbm4b:s4+s15], $0x80, s29, s15, $0xb8;
	[tilespmem:$0x1DC00] =	vst v63  }
0x5e: {  	_ =	swait.ge [sflag:s21], $0x2800  }
0x5f: {  	[sflag:s21] =	ssyncset.done $0x0  }
0x60: {  	[sflag:s21] =	ssyncadd.s32 $0xFFFFD800  }
0x61: {  	[spmem:s2] =	stream.indirect.scatter.add.f32 [tilespmem:s20], [sflag:$0x4], $0x80, s22, s15, $0xb8;
	[tilespmem:$0x1DC00] =	vst v63  }
0x62: {  	_ =	swait.ge [sflag:s23], $0x2800  }
0x63: {  	[sflag:s23] =	ssyncset.done $0x0  }
0x64: {  	[sflag:s23] =	ssyncadd.s32 $0xFFFFD800  }
0x65: {  	v63 =	vld [tilespmem:s28+$0x164C0];
	_ =	sdelay $0x4  }
0x66: {  	[tilespmem:$0x18B00] =	vst v63  }
0x67: {  	v0 =	vld [tilespmem:s28+$0x164D0];
	_ =	sdelay $0x4  }
0x68: {  	[tilespmem:$0x18B10] =	vst v0  }
0x69: {  	v0 =	vld [tilespmem:s28+$0x164E0];
	_ =	sdelay $0x4  }
0x6a: {  	[tilespmem:$0x18B20] =	vst v0  }
0x6b: {  	v0 =	vld [tilespmem:s28+$0x164F0];
	_ =	sdelay $0x4  }
0x6c: {  	[tilespmem:$0x18B30] =	vst v0  }
0x6d: {  	v0 =	vld [tilespmem:s28+$0x16500];
	_ =	sdelay $0x4  }
0x6e: {  	s29 =	simm.s32 $0x13D40;
	s28 =	simm.s32 $0x280;
	[tilespmem:$0x18B40] =	vst v0  }
.LBB2_2:
0x6f: {  	[tilespmem:s16], [sflag:$0x1] =	stream.indirect.gather [hbm4b:s4+s15], $0x80, s29, s15, $0xb8;
	[tilespmem:$0x1DC00] =	vst v63  }
0x70: {  	s29 =	smov.u32 s28  }
0x71: {  	p0 =	sne.s32 s28, $0x9600;
	s28 =	sadd.s32 $0x280, s28;
	_ =	swait.ge [sflag:s17], $0x2800  }
0x72: {  	[sflag:s17] =	ssyncset.done $0x0  }
0x73: {  	[sflag:s17] =	ssyncadd.s32 $0xFFFFD800  }
0x74: {  	[spmem:s2] =	stream.indirect.scatter.add.f32 [tilespmem:s16], [sflag:$0x3], $0x80, s18, s15, $0xb8;
	[tilespmem:$0x1DC00] =	vst v63  }
0x75: {  	_ =	swait.ge [sflag:s25], $0x2800  }
0x76: {  	[sflag:s25] =	ssyncset.done $0x0  }
0x77: {  	s29 =	sshra.s32 s29, $0x2;
	[sflag:s25] =	ssyncadd.s32 $0xFFFFD800  }
0x78: {  	v0 =	vld [tilespmem:s29+$0x16470];
	_ =	sdelay $0x4  }
0x79: {  	[tilespmem:$0x18B80] =	vst v0  }
0x7a: {  	v0 =	vld [tilespmem:s29+$0x16480];
	_ =	sdelay $0x4  }
0x7b: {  	[tilespmem:$0x18B90] =	vst v0  }
0x7c: {  	v0 =	vld [tilespmem:s29+$0x16490];
	_ =	sdelay $0x4  }
0x7d: {  	[tilespmem:$0x18BA0] =	vst v0  }
0x7e: {  	v0 =	vld [tilespmem:s29+$0x164A0];
	_ =	sdelay $0x4  }
0x7f: {  	[tilespmem:$0x18BB0] =	vst v0  }
0x80: {  	v0 =	vld [tilespmem:s29+$0x164B0];
	_ =	sdelay $0x4  }
0x81: {  	s30 =	sadd.s32 $0x13CF0, s29;
	[tilespmem:$0x18BC0] =	vst v0  }
0x82: {  	[tilespmem:s20], [sflag:$0x2] =	stream.indirect.gather [hbm4b:s4+s15], $0x80, s30, s15, $0xb8;
	[tilespmem:$0x1DC00] =	vst v63  }
0x83: {  	_ =	swait.ge [sflag:s21], $0x2800  }
0x84: {  	[sflag:s21] =	ssyncset.done $0x0  }
0x85: {  	[sflag:s21] =	ssyncadd.s32 $0xFFFFD800  }
0x86: {  	[spmem:s2] =	stream.indirect.scatter.add.f32 [tilespmem:s20], [sflag:$0x4], $0x80, s22, s15, $0xb8;
	[tilespmem:$0x1DC00] =	vst v63  }
0x87: {  	_ =	swait.ge [sflag:s23], $0x2800  }
0x88: {  	[sflag:s23] =	ssyncset.done $0x0  }
0x89: {  	[sflag:s23] =	ssyncadd.s32 $0xFFFFD800  }
0x8a: {  	v0 =	vld [tilespmem:s29+$0x164C0];
	_ =	sdelay $0x4  }
0x8b: {  	[tilespmem:$0x18B00] =	vst v0  }
0x8c: {  	v0 =	vld [tilespmem:s29+$0x164D0];
	_ =	sdelay $0x4  }
0x8d: {  	[tilespmem:$0x18B10] =	vst v0  }
0x8e: {  	v0 =	vld [tilespmem:s29+$0x164E0];
	_ =	sdelay $0x4  }
0x8f: {  	[tilespmem:$0x18B20] =	vst v0  }
0x90: {  	v0 =	vld [tilespmem:s29+$0x164F0];
	_ =	sdelay $0x4  }
0x91: {  	[tilespmem:$0x18B30] =	vst v0  }
0x92: {  	v0 =	vld [tilespmem:s29+$0x16500]  }
.Ltmp0:
0x93: {  	(pc) =	sbr.rel @p0 .LBB2_2-.Ltmp0, $2  }
0x94: {  	_ =	sdelay $0x2  }
0x95: {  	s29 =	sadd.s32 $0x13D40, s29;
	[tilespmem:$0x18B40] =	vst v0  }
0x96: {  	[tilespmem:s16], [sflag:$0x1] =	stream.indirect.gather [hbm4b:s4+s15], $0x80, s29, s15, $0xb8;
	[tilespmem:$0x1DC00] =	vst v63  }
0x97: {  	_ =	swait.ge [sflag:s17], $0x2800  }
0x98: {  	[sflag:s17] =	ssyncset.done $0x0  }
0x99: {  	[sflag:s17] =	ssyncadd.s32 $0xFFFFD800  }
0x9a: {  	[spmem:s2] =	stream.indirect.scatter.add.f32 [tilespmem:s16], [sflag:$0x3], $0x80, s18, s15, $0xb8;
	[tilespmem:$0x1DC00] =	vst v63  }
0x9b: {  	_ =	swait.ge [sflag:s23], $0x2800  }
0x9c: {  	[sflag:s23] =	ssyncset.done $0x0  }
0x9d: {  	[sflag:s23] =	ssyncadd.s32 $0xFFFFD800  }
0x9e: {  	_ =	swait.ge [sflag:s25], $0x2800  }
0x9f: {  	s26 =	sadd.s32 $0x1, s26;
	[sflag:s25] =	ssyncset.done $0x0  }
0xa0: {  	p0 =	sne.s32 s26, s9;
	[sflag:s25] =	ssyncadd.s32 $0xFFFFD800  }
.Ltmp1:
0xa1: {  	[bflag:$0x0] =	sbarrier.arrive $0xFFFF;
	(pc) =	sbr.rel @p0 .LBB2_1-.Ltmp1, $4  }
0xa2: {  	[hbm:s8], [sflag:s13] =	dma.local [spmem:s14], $0x2780  }
0xa3: {  	_ =	swait.ge [sflag:s11], $0x2780  }
0xa4: {  	[sflag:s11] =	ssyncset.done $0x0  }
0xa5: {  	[sflag:s11] =	ssyncadd.s32 $0xFFFFD880  }
0xa6: {  	_ =	sfence.sel $0x180000  }
0xa7: {  	[bflag:$0x0] =	sbarrier.arrive $0xFFFF  }
0xa8: {  	p0 =	sne.s32 s0, $0x0;
	_ =	strace $0x9000004A  }
0xa9: {  	s0 =	sadd.s32 @!p0 $0x100000, s1;
	[bflag:$0x2] =	sbarrier.arrive $0xFFFF  }
0xaa: {  	[sflag:s0] =	ssyncadd.tile.s32 @!p0 $0x1;
	_ =	shalt  }
.Lfunc_end2:
_tile_overlayer_lowered:
.L_overlay_start_2:
0xab: {  	(tag) =	ssettag $0x2  }
0xac: {  	s0 =	rddreg [dreg:$0x0];
	s2 =	stileid.u32  }
0xad: {  	s1 =	rddreg [dreg:$0x1];
	p0 =	sne.s32 s2, $0x0  }
0xae: {  	s3 =	rddreg [dreg:$0x2];
	[bflag:$0x3] =	sbarrier.arrive $0xFFFF;
	s2 =	simm.s32 @!p0 $0x1C05  }
0xaf: {  	[timem:s3], [sflag:s2] =	dma.local @!p0 [hbm:s0], s1  }
0xb0: {  	s0 =	simm.s32 @!p0 $0x5  }
0xb1: {  	_ =	swait.ge @!p0 [sflag:s0], s1  }
0xb2: {  	s1 =	ssub.s32 @!p0 $0x0, s1;
	[sflag:s0] =	ssyncset.done @!p0 $0x0  }
0xb3: {  	[sflag:s0] =	ssyncadd.s32 @!p0 s1  }
0xb4: {  	[bflag:$0x3] =	sbarrier.arrive $0xFFFF  }
0xb5: {  	_ =	shalt  }

// kernel: kernel.18.cloned.1.call-start
scs
__scs_entry_jumppad:
0x0: {  	(pc) =	sbr.rel $0x88, $3  }
0x1: {  	(tag) =	ssettag $0x0;
	lr =	simm.s32 $0x1  }
0x2: {  	[smem:$0x3F8D] =	sst lr;
	_ =	strace $0xD0000000  }
0x3: {  	_ = 	snop  }
0x4: {  	_ = 	snop  }
0x5: {  	_ = 	snop  }
0x6: {  	_ = 	snop  }
0x7: {  	_ = 	snop  }
__scs_overlays_trampoline_lowered:
0x8: {  	[smem:$0x3F9C] =	sst s0  }
0x9: {  	[smem:$0x3F9D] =	sst s1  }
0xa: {  	[smem:$0x3F9E] =	sst s2  }
0xb: {  	[smem:$0x3F9F] =	sst s3  }
0xc: {  	[smem:$0x3FA0] =	sst s4  }
0xd: {  	[smem:$0x3FA1] =	sst s5  }
0xe: {  	[smem:$0x3FA2] =	sst s6  }
0xf: {  	[smem:$0x3FA3] =	sst s7  }
0x10: {  	[smem:$0x3FA4] =	sst s8  }
0x11: {  	[smem:$0x3FA5] =	sst s9;
	s0 =	simm.s32 @!p0 $0x0  }
0x12: {  	s1 =	sld [smem:$0x3F8B];
	s0 =	simm.s32 @p0 $0x1  }
0x13: {  	[smem:$0x3FA6] =	sst s0;
	s0 =	simm.s32 @!p1 $0x0  }
0x14: {  	s2 =	sld [smem:$0x3F8A];
	s0 =	simm.s32 @p1 $0x1  }
0x15: {  	[smem:$0x3FA7] =	sst s0;
	s0 =	simm.s32 @!p2 $0x0  }
0x16: {  	s3 =	sld [smem:$0x3FDB];
	s0 =	simm.s32 @p2 $0x1  }
0x17: {  	s4 =	simm.s32 $0x1BF5;
	[smem:$0x3FA9] =	sst s0  }
0x18: {  	s0 =	sld [smem:$0x3F8C];
	_ =	swait.ge [sflag:s4], $0x0  }
0x19: {  	s7 =	sld [smem:$0x3F8D]  }
0x1a: {  	s8 =	sadd.s32 $0xFFFFE003, lr  }
0x1b: {  	s9 =	sadd.s32 $0xFFFFFEF7, lr;
	s5 =	simm.s32 $0xFFFFFFFF;
	p2 =	slt.u32 s8, $0xFFFFF086  }
0x1c: {  	p1 =	slt.u32 s9, $0xF7A;
	s5 =	simm.s32 @!p2 $0x0  }
0x1d: {  	s5 =	simm.s32 @p1 $0x1;
	p0 =	seq.s32 s7, s2  }
0x1e: {  	s7 =	smul.u32 @!p0 $0xF7A, s2;
	p2 =	seq.s32 @!p0 s5, $0x0  }
0x1f: {  	s9 =	smul.u32 $0xF7A, s1;
	s8 =	simm.s32 @!p0 $0x1BF5;
	p2 =	por !p2, p0  }
0x20: {  	[sflag:s8] =	ssyncset.s32 @!p0 $0xFFFFF086;
	s6 =	sadd.s32 @!p0 s3, s7;
	s7 =	simm.s32 @!p0 $0x108  }
0x21: {  	s3 =	sadd.s32 s3, s9;
	s6 =	sadd.s32 @!p0 $0x88, s6;
	s7 =	simm.s32 @p2 $0x1082  }
0x22: {  	[simem:s7], [sflag:s8] =	dma.local @!p0 [hbm:s6], $0xF7A  }
0x23: {  	s9 =	sor.u32 $0xD0000000, s2;
	s6 =	simm.s32 $0x108;
	_ =	swait.ge @!p0 [sflag:s8], $0x0  }
0x24: {  	s3 =	sadd.s32 $0x88, s3;
	s6 =	simm.s32 @!p1 $0x1082;
	[sflag:s4] =	ssyncset.s32 $0xFFFFF086  }
0x25: {  	[simem:s6], [sflag:s4] =	dma.local [hbm:s3], $0xF7A  }
0x26: {  	[smem:$0x3F8D] =	sst s1;
	(tag) =	ssettag s2;
	_ =	strace s9  }
0x27: {  	s1 =	sld [smem:$0x3F9D]  }
0x28: {  	s2 =	sld [smem:$0x3F9E]  }
0x29: {  	s4 =	sld [smem:$0x3FA0]  }
0x2a: {  	p0 =	seq.s32 s5, $0x0;
	s5 =	sld [smem:$0x3FA1]  }
0x2b: {  	s6 =	sld [smem:$0x3FA2]  }
0x2c: {  	s7 =	sld [smem:$0x3FA3]  }
0x2d: {  	s3 =	simm.s32 $0x108;
	s8 =	sld [smem:$0x3FA4]  }
0x2e: {  	s3 =	simm.s32 @!p0 $0x1082;
	s9 =	sld [smem:$0x3FA5]  }
0x2f: {  	lr =	sadd.s32 s0, s3;
	s0 =	sld [smem:$0x3F9C]  }
0x30: {  	s3 =	sld [smem:$0x3F9F]  }
0x31: {  	[smem:$0x3FA8] =	sst s10  }
0x32: {  	s10 =	sld [smem:$0x3FA6];
	_ =	sdelay $0x3  }
0x33: {  	p0 =	seq.s32 s10, $0x1;
	s10 =	sld [smem:$0x3FA8];
	_ =	sdelay $0x3  }
0x34: {  	[smem:$0x3FA8] =	sst s10  }
0x35: {  	s10 =	sld [smem:$0x3FA7];
	_ =	sdelay $0x3  }
0x36: {  	p1 =	seq.s32 s10, $0x1;
	s10 =	sld [smem:$0x3FA8];
	_ =	sdelay $0x3  }
0x37: {  	[smem:$0x3FA8] =	sst s10  }
0x38: {  	s10 =	sld [smem:$0x3FA9]  }
0x39: {  	_ = 	snop;
	(pc) =	sbr.ind lr, $3  }
0x3a: {  	_ = 	snop  }
0x3b: {  	_ = 	snop  }
0x3c: {  	p2 =	seq.s32 s10, $0x1;
	s10 =	sld [smem:$0x3FA8]  }
0x3d: {  	_ =	shalt  }
0x3e: {  	_ =	shalt  }
0x3f: {  	_ =	shalt  }
0x40: {  	_ =	shalt  }
0x41: {  	_ =	shalt  }
0x42: {  	_ =	shalt  }
0x43: {  	_ =	shalt  }
0x44: {  	_ =	shalt  }
0x45: {  	_ =	shalt  }
0x46: {  	_ =	shalt  }
0x47: {  	_ =	shalt  }
0x48: {  	_ =	shalt  }
0x49: {  	_ =	shalt  }
0x4a: {  	_ =	shalt  }
0x4b: {  	_ =	shalt  }
0x4c: {  	_ =	shalt  }
0x4d: {  	_ =	shalt  }
0x4e: {  	_ =	shalt  }
0x4f: {  	_ =	shalt  }
0x50: {  	_ =	shalt  }
0x51: {  	_ =	shalt  }
0x52: {  	_ =	shalt  }
0x53: {  	_ =	shalt  }
0x54: {  	_ =	shalt  }
0x55: {  	_ =	shalt  }
0x56: {  	_ =	shalt  }
0x57: {  	_ =	shalt  }
0x58: {  	_ =	shalt  }
0x59: {  	_ =	shalt  }
0x5a: {  	_ =	shalt  }
0x5b: {  	_ =	shalt  }
0x5c: {  	_ =	shalt  }
0x5d: {  	_ =	shalt  }
0x5e: {  	_ =	shalt  }
0x5f: {  	_ =	shalt  }
0x60: {  	_ =	shalt  }
0x61: {  	_ =	shalt  }
0x62: {  	_ =	shalt  }
0x63: {  	_ =	shalt  }
0x64: {  	_ =	shalt  }
0x65: {  	_ =	shalt  }
0x66: {  	_ =	shalt  }
0x67: {  	_ =	shalt  }
0x68: {  	_ =	shalt  }
0x69: {  	_ =	shalt  }
0x6a: {  	_ =	shalt  }
0x6b: {  	_ =	shalt  }
0x6c: {  	_ =	shalt  }
0x6d: {  	_ =	shalt  }
0x6e: {  	_ =	shalt  }
0x6f: {  	_ =	shalt  }
0x70: {  	_ =	shalt  }
0x71: {  	_ =	shalt  }
0x72: {  	_ =	shalt  }
0x73: {  	_ =	shalt  }
0x74: {  	_ =	shalt  }
0x75: {  	_ =	shalt  }
0x76: {  	_ =	shalt  }
0x77: {  	_ =	shalt  }
0x78: {  	_ =	shalt  }
0x79: {  	_ =	shalt  }
0x7a: {  	_ =	shalt  }
0x7b: {  	_ =	shalt  }
0x7c: {  	_ =	shalt  }
0x7d: {  	_ =	shalt  }
0x7e: {  	_ =	shalt  }
0x7f: {  	_ =	shalt  }
0x80: {  	_ =	shalt  }
0x81: {  	_ =	shalt  }
0x82: {  	_ =	shalt  }
0x83: {  	_ =	shalt  }
0x84: {  	_ =	shalt  }
0x85: {  	_ =	shalt  }
0x86: {  	_ =	shalt  }
0x87: {  	_ =	shalt  }
.Lfunc_end0:
.L_simem_size_0:
called_computation.2_lowered:
.L_overlay_start_0:
0x88: {  	s2 =	sld [smem:$0x3FD9]  }
0x89: {  	s3 =	sld [smem:$0x3FFE];
	_ =	sdelay $0x1  }
0x8a: {  	s1 =	srdreg.scid  }
0x8b: {  	s0 =	sand.u32 $0x1, s1  }
0x8c: {  	s17 =	sshll.u32 s0, $0xA;
	s2 =	sadd.s32 s3, s2  }
0x8d: {  	s2 =	sadd.s32 s2, s17  }
0x8e: {  	[smem:$0x3FB4] =	sst s2  }
0x8f: {  	_ = 	snop  }
0x90: {  	s2 =	sld [smem:$0x3FD0];
	(tm) =	ssettm $0x1  }
0x91: {  	s18 =	sld [smem:$0x3FFB];
	_ =	sdelay $0x3  }
0x92: {  	_ =	strace s18  }
0x93: {  	s3 =	sld [smem:$0x3FFC];
	_ =	sdelay $0x3  }
0x94: {  	_ =	strace s3  }
0x95: {  	s3 =	sld [smem:$0x3FFD];
	_ =	sdelay $0x3  }
0x96: {  	_ =	strace s3  }
0x97: {  	_ =	strace $0x8FFFFFFF  }
0x98: {  	s19 =	sld [smem:$0x3FDB];
	_ =	sdelay $0x1  }
0x99: {  	s4 =	simm.s32 $_scs_section_size  }
0x9a: {  	s5 =	simm.s32 $_size__tile_overlayer_lowered;
	s6 =	simm.s32 $_tile_overlayer_lowered  }
0x9b: {  	s22 =	simm.s32 $0x1BFF;
	s21 =	sshll.u32 s6, $0x1;
	s3 =	sadd.s32 s4, s19  }
0x9c: {  	s7 =	simm.s32 $0x0;
	s20 =	sshll.u32 s5, $0x1;
	s5 =	sadd.s32 s21, s3  }
0x9d: {  	[timem:s7], [sflag:s22] =	dma.local [hbm:s5], s20  }
0x9e: {  	_ =	swait.ge [sflag:s22], s20  }
0x9f: {  	s4 =	ssub.s32 $0x0, s20;
	[sflag:s22] =	ssyncset.done $0x0  }
0xa0: {  	[sflag:s22] =	ssyncadd.s32 s4;
	_ =	sdelay $0x1  }
0xa1: {  	s23 =	simm.s32 $0x1B8B  }
0xa2: {  	_ =	swait.ge [sflag:s23], $0x1  }
0xa3: {  	[sflag:s23] =	ssyncset.done $0x0  }
0xa4: {  	s25 =	simm.s32 $0x1B8E;
	s24 =	sld [smem:$0x3FFE];
	[sflag:s23] =	ssyncadd.s32 $0xFFFFFFFF  }
0xa5: {  	s26 =	simm.s32 $execute0_lowered;
	[smem:$0x3FD2] =	sst s25  }
0xa6: {  	s5 =	sshll.u32 s26, $0x1;
	_ =	strace $0x8000004C;
	[dreg:$0x1] =	wrdreg $0xFFFFFFFF  }
0xa7: {  	s28 =	simm.s32 $_size_execute0_lowered;
	s3 =	sadd.s32 s3, s5;
	[dreg:$0x0] =	wrdreg $0x0  }
0xa8: {  	s5 =	sshll.u32 s28, $0x1;
	[dreg:$0x2] =	wrdreg s3  }
0xa9: {  	[dreg:$0x3] =	wrdreg s5  }
0xaa: {  	[dreg:$0x4] =	wrdreg $0xC0  }
0xab: {  	_ =	task [dreg:s7], $0x5FFFF  }
0xac: {  	[dreg:$0x1] =	wrdreg $0xFFFFFFFF  }
0xad: {  	[dreg:$0x0] =	wrdreg $0x60  }
0xae: {  	[dreg:$0x2] =	wrdreg s24  }
0xaf: {  	[dreg:$0x3] =	wrdreg s2  }
0xb0: {  	[dreg:$0x4] =	wrdreg $0x0  }
0xb1: {  	[dreg:$0x5] =	wrdreg $0x9  }
0xb2: {  	_ =	task.clear_ibuf [dreg:s7], $0x6FFFF;
	_ =	strace $0x9000004C  }
0xb3: {  	s29 =	simm.s32 $0x9;
	_ =	strace $0x8000004E  }
0xb4: {  	_ =	swait.ge [sflag:s29], $0x1  }
0xb5: {  	[sflag:s29] =	ssyncadd.s32 $0xFFFFFFFF  }
0xb6: {  	_ =	strace $0x9000004E  }
0xb7: {  	_ =	sfence  }
0xb8: {  	s30 =	sld [smem:$0x0];
	_ =	sdelay $0x2  }
0xb9: {  	s31 =	sshll.u32 s1, $0xD;
	s1 =	sshrl.u32 s1, $0x2  }
0xba: {  	s3 =	sand.u32 $0x4000, s31;
	s1 =	sadd.s32 s1, s30  }
0xbb: {  	s0 =	sor.u32 s3, s0;
	s1 =	sshll.u32 s1, $0x11  }
0xbc: {  	s0 =	sor.u32 s1, s0  }
0xbd: {  	s0 =	sadd.s32 $0x8F2B, s0  }
0xbe: {  	[sflag:s0] =	ssyncadd.remote.s32 $0x1  }
0xbf: {  	_ =	sfence.sel $0xFFFF  }
0xc0: {  	[dreg:$0x0] =	wrdreg $0xFFFFFFFF;
	(pc) =	sbr.abs _section_cstart, $3  }
0xc1: {  	[dreg:$0x1] =	wrdreg $0xFFFFFFFF  }
0xc2: {  	_ =	task.clear_ibuf [dreg:s7], $0x2FFFF;
	_ =	strace $0x9FFFFFFF  }
0xc3: {  	(tm) =	ssettm $0x7FFFFFFF  }
tec
execute0_lowered:
.L_overlay_start_1:
0x0: {  	(tag) =	ssettag $0x1  }
0x1: {  	s6 =	rddreg [dreg:$0x0]  }
0x2: {  	s7 =	rddreg [dreg:$0x1]  }
0x3: {  	s0 =	srdreg.scid;
	s2 =	rddreg [dreg:$0x2]  }
0x4: {  	s3 =	simm.s32 $0x0;
	s15 =	simm.s32 $0x50;
	s16 =	simm.s32 $0x18C00  }
0x5: {  	s17 =	simm.s32 $0x1;
	s18 =	simm.s32 $0x18B00;
	s19 =	simm.s32 $0x13C50  }
0x6: {  	s20 =	simm.s32 $0x1B400;
	s21 =	simm.s32 $0x2;
	s22 =	simm.s32 $0x18B80  }
0x7: {  	s23 =	simm.s32 $0x3;
	s24 =	simm.s32 $0x13CA0;
	s25 =	simm.s32 $0x4  }
0x8: {  	s26 =	simm.s32 $0x0;
	s5 =	sand.u32 $0x1, s0;
	s0 =	stileid.u32  }
0x9: {  	[smem:$0x7FF] =	sst s3;
	s4 =	sadd.s32 $0x10E00, s6;
	s9 =	smul.u32 $0x13C000, s5  }
0xa: {  	s1 =	sshll.u32 s5, $0x4;
	s10 =	smul.u32 $0x13C00, s0;
	s29 =	ssub.s32 $0x2, s5  }
0xb: {  	s13 =	smul.u32 $0x4F000, s0;
	s5 =	sadd.s32 $0xE600, s6;
	s1 =	sor.u32 s0, s1  }
0xc: {  	s31 =	sshll.u32 s0, $0x6;
	s12 =	sshrl.u32 s29, $0x1;
	s8 =	smul.u32 $0x4E2, s1  }
0xd: {  	s1 =	rddreg [dreg:$0x3];
	_ =	strace $0x8000004D;
	s9 =	sadd.s32 s10, s9  }
0xe: {  	s10 =	ssub.s32 s29, s12;
	s30 =	sshrl.u32 s13, $0x2;
	s12 =	simm.s32 $0x16380  }
0xf: {  	s13 =	sor.u32 $0x1C05, s31;
	s9 =	sshrl.u32 s9, $0x3;
	s14 =	sadd.s32 s30, s2  }
0x10: {  	s11 =	sadd.s32 s8, s6;
	s9 =	sadd.s32 s9, s6;
	s6 =	sadd.s32 s7, s8  }
0x11: {  	s14 =	sshrl.u32 s14, $0x3;
	s7 =	sadd.s32 $0x4800, s11;
	s8 =	sadd.s32 $0x38600, s9  }
0x12: {  	s9 =	smax.u32 s10, $0x1;
	s10 =	simm.s32 $0x13C00;
	s11 =	simm.s32 $0x5  }
.LBB2_1:
0x13: {  	[tilespmem:s10], [sflag:$0x5] =	stream.linear.gather [hbm4b:s6+s3], $0x2710, $0x38;
	[tilespmem:$0x1DC00] =	vst v63  }
0x14: {  	_ =	swait.ge [sflag:s11], $0x2710  }
0x15: {  	[sflag:s11] =	ssyncset.done $0x0  }
0x16: {  	[sflag:s11] =	ssyncadd.s32 $0xFFFFD8F0  }
0x17: {  	[tilespmem:s12], [sflag:$0x5] =	stream.linear.gather [hbm4b:s7+s3], $0x2710, $0x38;
	[tilespmem:$0x1DC00] =	vst v63  }
0x18: {  	_ =	swait.ge [sflag:s11], $0x2710  }
0x19: {  	[sflag:s11] =	ssyncset.done $0x0  }
0x1a: {  	[sflag:s11] =	ssyncadd.s32 $0xFFFFD8F0  }
0x1b: {  	[spmem:s14], [sflag:s13] =	dma.local [hbm:s5], $0x2780  }
0x1c: {  	_ =	swait.ge [sflag:s11], $0x2780  }
0x1d: {  	[sflag:s11] =	ssyncset.done $0x0  }
0x1e: {  	[sflag:s11] =	ssyncadd.s32 $0xFFFFD880  }
0x1f: {  	[bflag:$0x0] =	sbarrier.arrive $0xFFFF  }
0x20: {  	v0 =	vld [tilespmem:$0x16380]  }
0x21: {  	v1 =	vld [tilespmem:$0x16390]  }
0x22: {  	v2 =	vld [tilespmem:$0x163A0]  }
0x23: {  	v3 =	vld [tilespmem:$0x163B0]  }
0x24: {  	v4 =	vld [tilespmem:$0x163C0]  }
0x25: {  	[tilespmem:$0x18B00] =	vst v0  }
0x26: {  	[tilespmem:$0x18B10] =	vst v1  }
0x27: {  	[tilespmem:$0x18B20] =	vst v2  }
0x28: {  	[tilespmem:$0x18B30] =	vst v3  }
0x29: {  	[tilespmem:$0x18B40] =	vst v4  }
0x2a: {  	[tilespmem:s16], [sflag:$0x1] =	stream.indirect.gather [hbm4b:s4+s15], $0x80, s10, s15, $0xb8;
	[tilespmem:$0x1DC00] =	vst v63  }
0x2b: {  	_ =	swait.ge [sflag:s17], $0x2800  }
0x2c: {  	[sflag:s17] =	ssyncset.done $0x0  }
0x2d: {  	[sflag:s17] =	ssyncadd.s32 $0xFFFFD800  }
0x2e: {  	[spmem:s2] =	stream.indirect.scatter.add.f32 [tilespmem:s16], [sflag:$0x3], $0x80, s18, s15, $0xb8;
	[tilespmem:$0x1DC00] =	vst v63  }
0x2f: {  	v52 =	vld [tilespmem:$0x163D0]  }
0x30: {  	v53 =	vld [tilespmem:$0x163E0]  }
0x31: {  	v54 =	vld [tilespmem:$0x163F0]  }
0x32: {  	v55 =	vld [tilespmem:$0x16400]  }
0x33: {  	v56 =	vld [tilespmem:$0x16410]  }
0x34: {  	[tilespmem:$0x18B80] =	vst v52  }
0x35: {  	[tilespmem:$0x18B90] =	vst v53  }
0x36: {  	[tilespmem:$0x18BA0] =	vst v54  }
0x37: {  	[tilespmem:$0x18BB0] =	vst v55  }
0x38: {  	[tilespmem:$0x18BC0] =	vst v56  }
0x39: {  	[tilespmem:s20], [sflag:$0x2] =	stream.indirect.gather [hbm4b:s4+s15], $0x80, s19, s15, $0xb8;
	[tilespmem:$0x1DC00] =	vst v63  }
0x3a: {  	_ =	swait.ge [sflag:s21], $0x2800  }
0x3b: {  	[sflag:s21] =	ssyncset.done $0x0  }
0x3c: {  	[sflag:s21] =	ssyncadd.s32 $0xFFFFD800  }
0x3d: {  	[spmem:s2] =	stream.indirect.scatter.add.f32 [tilespmem:s20], [sflag:$0x4], $0x80, s22, s15, $0xb8;
	[tilespmem:$0x1DC00] =	vst v63  }
0x3e: {  	_ =	swait.ge [sflag:s23], $0x2800  }
0x3f: {  	[sflag:s23] =	ssyncset.done $0x0  }
0x40: {  	[sflag:s23] =	ssyncadd.s32 $0xFFFFD800  }
0x41: {  	v57 =	vld [tilespmem:$0x16420]  }
0x42: {  	v58 =	vld [tilespmem:$0x16430]  }
0x43: {  	v59 =	vld [tilespmem:$0x16440]  }
0x44: {  	v60 =	vld [tilespmem:$0x16450]  }
0x45: {  	v61 =	vld [tilespmem:$0x16460]  }
0x46: {  	[tilespmem:$0x18B00] =	vst v57  }
0x47: {  	[tilespmem:$0x18B10] =	vst v58  }
0x48: {  	[tilespmem:$0x18B20] =	vst v59  }
0x49: {  	[tilespmem:$0x18B30] =	vst v60  }
0x4a: {  	[tilespmem:$0x18B40] =	vst v61  }
0x4b: {  	[tilespmem:s16], [sflag:$0x1] =	stream.indirect.gather [hbm4b:s4+s15], $0x80, s24, s15, $0xb8;
	[tilespmem:$0x1DC00] =	vst v63  }
0x4c: {  	_ =	swait.ge [sflag:s17], $0x2800  }
0x4d: {  	[sflag:s17] =	ssyncset.done $0x0  }
0x4e: {  	[sflag:s17] =	ssyncadd.s32 $0xFFFFD800  }
0x4f: {  	[spmem:s2] =	stream.indirect.scatter.add.f32 [tilespmem:s16], [sflag:$0x3], $0x80, s18, s15, $0xb8;
	[tilespmem:$0x1DC00] =	vst v63  }
0x50: {  	_ =	swait.ge [sflag:s25], $0x2800  }
0x51: {  	[sflag:s25] =	ssyncset.done $0x0  }
0x52: {  	s28 =	simm.s32 $0x0;
	[sflag:s25] =	ssyncadd.s32 $0xFFFFD800  }
0x53: {  	v62 =	vld [tilespmem:s28+$0x16470];
	_ =	sdelay $0x4  }
0x54: {  	[tilespmem:$0x18B80] =	vst v62  }
0x55: {  	v0 =	vld [tilespmem:s28+$0x16480];
	_ =	sdelay $0x4  }
0x56: {  	[tilespmem:$0x18B90] =	vst v0  }
0x57: {  	v0 =	vld [tilespmem:s28+$0x16490];
	_ =	sdelay $0x4  }
0x58: {  	[tilespmem:$0x18BA0] =	vst v0  }
0x59: {  	v0 =	vld [tilespmem:s28+$0x164A0];
	_ =	sdelay $0x4  }
0x5a: {  	[tilespmem:$0x18BB0] =	vst v0  }
0x5b: {  	v0 =	vld [tilespmem:s28+$0x164B0];
	_ =	sdelay $0x4  }
0x5c: {  	s29 =	simm.s32 $0x13CF0;
	[tilespmem:$0x18BC0] =	vst v0  }
0x5d: {  	[tilespmem:s20], [sflag:$0x2] =	stream.indirect.gather [hbm4b:s4+s15], $0x80, s29, s15, $0xb8;
	[tilespmem:$0x1DC00] =	vst v63  }
0x5e: {  	_ =	swait.ge [sflag:s21], $0x2800  }
0x5f: {  	[sflag:s21] =	ssyncset.done $0x0  }
0x60: {  	[sflag:s21] =	ssyncadd.s32 $0xFFFFD800  }
0x61: {  	[spmem:s2] =	stream.indirect.scatter.add.f32 [tilespmem:s20], [sflag:$0x4], $0x80, s22, s15, $0xb8;
	[tilespmem:$0x1DC00] =	vst v63  }
0x62: {  	_ =	swait.ge [sflag:s23], $0x2800  }
0x63: {  	[sflag:s23] =	ssyncset.done $0x0  }
0x64: {  	[sflag:s23] =	ssyncadd.s32 $0xFFFFD800  }
0x65: {  	v63 =	vld [tilespmem:s28+$0x164C0];
	_ =	sdelay $0x4  }
0x66: {  	[tilespmem:$0x18B00] =	vst v63  }
0x67: {  	v0 =	vld [tilespmem:s28+$0x164D0];
	_ =	sdelay $0x4  }
0x68: {  	[tilespmem:$0x18B10] =	vst v0  }
0x69: {  	v0 =	vld [tilespmem:s28+$0x164E0];
	_ =	sdelay $0x4  }
0x6a: {  	[tilespmem:$0x18B20] =	vst v0  }
0x6b: {  	v0 =	vld [tilespmem:s28+$0x164F0];
	_ =	sdelay $0x4  }
0x6c: {  	[tilespmem:$0x18B30] =	vst v0  }
0x6d: {  	v0 =	vld [tilespmem:s28+$0x16500];
	_ =	sdelay $0x4  }
0x6e: {  	s29 =	simm.s32 $0x13D40;
	s28 =	simm.s32 $0x280;
	[tilespmem:$0x18B40] =	vst v0  }
.LBB2_2:
0x6f: {  	[tilespmem:s16], [sflag:$0x1] =	stream.indirect.gather [hbm4b:s4+s15], $0x80, s29, s15, $0xb8;
	[tilespmem:$0x1DC00] =	vst v63  }
0x70: {  	s29 =	smov.u32 s28  }
0x71: {  	p0 =	sne.s32 s28, $0x9600;
	s28 =	sadd.s32 $0x280, s28;
	_ =	swait.ge [sflag:s17], $0x2800  }
0x72: {  	[sflag:s17] =	ssyncset.done $0x0  }
0x73: {  	[sflag:s17] =	ssyncadd.s32 $0xFFFFD800  }
0x74: {  	[spmem:s2] =	stream.indirect.scatter.add.f32 [tilespmem:s16], [sflag:$0x3], $0x80, s18, s15, $0xb8;
	[tilespmem:$0x1DC00] =	vst v63  }
0x75: {  	_ =	swait.ge [sflag:s25], $0x2800  }
0x76: {  	[sflag:s25] =	ssyncset.done $0x0  }
0x77: {  	s29 =	sshra.s32 s29, $0x2;
	[sflag:s25] =	ssyncadd.s32 $0xFFFFD800  }
0x78: {  	v0 =	vld [tilespmem:s29+$0x16470];
	_ =	sdelay $0x4  }
0x79: {  	[tilespmem:$0x18B80] =	vst v0  }
0x7a: {  	v0 =	vld [tilespmem:s29+$0x16480];
	_ =	sdelay $0x4  }
0x7b: {  	[tilespmem:$0x18B90] =	vst v0  }
0x7c: {  	v0 =	vld [tilespmem:s29+$0x16490];
	_ =	sdelay $0x4  }
0x7d: {  	[tilespmem:$0x18BA0] =	vst v0  }
0x7e: {  	v0 =	vld [tilespmem:s29+$0x164A0];
	_ =	sdelay $0x4  }
0x7f: {  	[tilespmem:$0x18BB0] =	vst v0  }
0x80: {  	v0 =	vld [tilespmem:s29+$0x164B0];
	_ =	sdelay $0x4  }
0x81: {  	s30 =	sadd.s32 $0x13CF0, s29;
	[tilespmem:$0x18BC0] =	vst v0  }
0x82: {  	[tilespmem:s20], [sflag:$0x2] =	stream.indirect.gather [hbm4b:s4+s15], $0x80, s30, s15, $0xb8;
	[tilespmem:$0x1DC00] =	vst v63  }
0x83: {  	_ =	swait.ge [sflag:s21], $0x2800  }
0x84: {  	[sflag:s21] =	ssyncset.done $0x0  }
0x85: {  	[sflag:s21] =	ssyncadd.s32 $0xFFFFD800  }
0x86: {  	[spmem:s2] =	stream.indirect.scatter.add.f32 [tilespmem:s20], [sflag:$0x4], $0x80, s22, s15, $0xb8;
	[tilespmem:$0x1DC00] =	vst v63  }
0x87: {  	_ =	swait.ge [sflag:s23], $0x2800  }
0x88: {  	[sflag:s23] =	ssyncset.done $0x0  }
0x89: {  	[sflag:s23] =	ssyncadd.s32 $0xFFFFD800  }
0x8a: {  	v0 =	vld [tilespmem:s29+$0x164C0];
	_ =	sdelay $0x4  }
0x8b: {  	[tilespmem:$0x18B00] =	vst v0  }
0x8c: {  	v0 =	vld [tilespmem:s29+$0x164D0];
	_ =	sdelay $0x4  }
0x8d: {  	[tilespmem:$0x18B10] =	vst v0  }
0x8e: {  	v0 =	vld [tilespmem:s29+$0x164E0];
	_ =	sdelay $0x4  }
0x8f: {  	[tilespmem:$0x18B20] =	vst v0  }
0x90: {  	v0 =	vld [tilespmem:s29+$0x164F0];
	_ =	sdelay $0x4  }
0x91: {  	[tilespmem:$0x18B30] =	vst v0  }
0x92: {  	v0 =	vld [tilespmem:s29+$0x16500]  }
.Ltmp0:
0x93: {  	(pc) =	sbr.rel @p0 .LBB2_2-.Ltmp0, $2  }
0x94: {  	_ =	sdelay $0x2  }
0x95: {  	s29 =	sadd.s32 $0x13D40, s29;
	[tilespmem:$0x18B40] =	vst v0  }
0x96: {  	[tilespmem:s16], [sflag:$0x1] =	stream.indirect.gather [hbm4b:s4+s15], $0x80, s29, s15, $0xb8;
	[tilespmem:$0x1DC00] =	vst v63  }
0x97: {  	_ =	swait.ge [sflag:s17], $0x2800  }
0x98: {  	[sflag:s17] =	ssyncset.done $0x0  }
0x99: {  	[sflag:s17] =	ssyncadd.s32 $0xFFFFD800  }
0x9a: {  	[spmem:s2] =	stream.indirect.scatter.add.f32 [tilespmem:s16], [sflag:$0x3], $0x80, s18, s15, $0xb8;
	[tilespmem:$0x1DC00] =	vst v63  }
0x9b: {  	_ =	swait.ge [sflag:s23], $0x2800  }
0x9c: {  	[sflag:s23] =	ssyncset.done $0x0  }
0x9d: {  	[sflag:s23] =	ssyncadd.s32 $0xFFFFD800  }
0x9e: {  	_ =	swait.ge [sflag:s25], $0x2800  }
0x9f: {  	s26 =	sadd.s32 $0x1, s26;
	[sflag:s25] =	ssyncset.done $0x0  }
0xa0: {  	p0 =	sne.s32 s26, s9;
	[sflag:s25] =	ssyncadd.s32 $0xFFFFD800  }
.Ltmp1:
0xa1: {  	[bflag:$0x0] =	sbarrier.arrive $0xFFFF;
	(pc) =	sbr.rel @p0 .LBB2_1-.Ltmp1, $4  }
0xa2: {  	[hbm:s8], [sflag:s13] =	dma.local [spmem:s14], $0x2780  }
0xa3: {  	_ =	swait.ge [sflag:s11], $0x2780  }
0xa4: {  	[sflag:s11] =	ssyncset.done $0x0  }
0xa5: {  	[sflag:s11] =	ssyncadd.s32 $0xFFFFD880  }
0xa6: {  	_ =	sfence.sel $0x180000  }
0xa7: {  	[bflag:$0x0] =	sbarrier.arrive $0xFFFF  }
0xa8: {  	p0 =	sne.s32 s0, $0x0;
	_ =	strace $0x9000004D  }
0xa9: {  	s0 =	sadd.s32 @!p0 $0x100000, s1;
	[bflag:$0x2] =	sbarrier.arrive $0xFFFF  }
0xaa: {  	[sflag:s0] =	ssyncadd.tile.s32 @!p0 $0x1;
	_ =	shalt  }
.Lfunc_end2:
_tile_overlayer_lowered:
.L_overlay_start_2:
0xab: {  	(tag) =	ssettag $0x2  }
0xac: {  	s0 =	rddreg [dreg:$0x0];
	s2 =	stileid.u32  }
0xad: {  	s1 =	rddreg [dreg:$0x1];
	p0 =	sne.s32 s2, $0x0  }
0xae: {  	s3 =	rddreg [dreg:$0x2];
	[bflag:$0x3] =	sbarrier.arrive $0xFFFF;
	s2 =	simm.s32 @!p0 $0x1C05  }
0xaf: {  	[timem:s3], [sflag:s2] =	dma.local @!p0 [hbm:s0], s1  }
0xb0: {  	s0 =	simm.s32 @!p0 $0x5  }
0xb1: {  	_ =	swait.ge @!p0 [sflag:s0], s1  }
0xb2: {  	s1 =	ssub.s32 @!p0 $0x0, s1;
	[sflag:s0] =	ssyncset.done @!p0 $0x0  }
0xb3: {  	[sflag:s0] =	ssyncadd.s32 @!p0 s1  }
0xb4: {  	[bflag:$0x3] =	sbarrier.arrive $0xFFFF  }
0xb5: {  	_ =	shalt  }

// kernel: kernel.21.cloned.1.call-start
scs
__scs_entry_jumppad:
0x0: {  	(pc) =	sbr.rel $0x88, $3  }
0x1: {  	(tag) =	ssettag $0x0;
	lr =	simm.s32 $0x1  }
0x2: {  	[smem:$0x3F8D] =	sst lr;
	_ =	strace $0xD0000000  }
0x3: {  	_ = 	snop  }
0x4: {  	_ = 	snop  }
0x5: {  	_ = 	snop  }
0x6: {  	_ = 	snop  }
0x7: {  	_ = 	snop  }
__scs_overlays_trampoline_lowered:
0x8: {  	[smem:$0x3F9C] =	sst s0  }
0x9: {  	[smem:$0x3F9D] =	sst s1  }
0xa: {  	[smem:$0x3F9E] =	sst s2  }
0xb: {  	[smem:$0x3F9F] =	sst s3  }
0xc: {  	[smem:$0x3FA0] =	sst s4  }
0xd: {  	[smem:$0x3FA1] =	sst s5  }
0xe: {  	[smem:$0x3FA2] =	sst s6  }
0xf: {  	[smem:$0x3FA3] =	sst s7  }
0x10: {  	[smem:$0x3FA4] =	sst s8  }
0x11: {  	[smem:$0x3FA5] =	sst s9;
	s0 =	simm.s32 @!p0 $0x0  }
0x12: {  	s1 =	sld [smem:$0x3F8B];
	s0 =	simm.s32 @p0 $0x1  }
0x13: {  	[smem:$0x3FA6] =	sst s0;
	s0 =	simm.s32 @!p1 $0x0  }
0x14: {  	s2 =	sld [smem:$0x3F8A];
	s0 =	simm.s32 @p1 $0x1  }
0x15: {  	[smem:$0x3FA7] =	sst s0;
	s0 =	simm.s32 @!p2 $0x0  }
0x16: {  	s3 =	sld [smem:$0x3FDB];
	s0 =	simm.s32 @p2 $0x1  }
0x17: {  	s4 =	simm.s32 $0x1BF5;
	[smem:$0x3FA9] =	sst s0  }
0x18: {  	s0 =	sld [smem:$0x3F8C];
	_ =	swait.ge [sflag:s4], $0x0  }
0x19: {  	s7 =	sld [smem:$0x3F8D]  }
0x1a: {  	s8 =	sadd.s32 $0xFFFFE003, lr  }
0x1b: {  	s9 =	sadd.s32 $0xFFFFFEF7, lr;
	s5 =	simm.s32 $0xFFFFFFFF;
	p2 =	slt.u32 s8, $0xFFFFF086  }
0x1c: {  	p1 =	slt.u32 s9, $0xF7A;
	s5 =	simm.s32 @!p2 $0x0  }
0x1d: {  	s5 =	simm.s32 @p1 $0x1;
	p0 =	seq.s32 s7, s2  }
0x1e: {  	s7 =	smul.u32 @!p0 $0xF7A, s2;
	p2 =	seq.s32 @!p0 s5, $0x0  }
0x1f: {  	s9 =	smul.u32 $0xF7A, s1;
	s8 =	simm.s32 @!p0 $0x1BF5;
	p2 =	por !p2, p0  }
0x20: {  	[sflag:s8] =	ssyncset.s32 @!p0 $0xFFFFF086;
	s6 =	sadd.s32 @!p0 s3, s7;
	s7 =	simm.s32 @!p0 $0x108  }
0x21: {  	s3 =	sadd.s32 s3, s9;
	s6 =	sadd.s32 @!p0 $0x88, s6;
	s7 =	simm.s32 @p2 $0x1082  }
0x22: {  	[simem:s7], [sflag:s8] =	dma.local @!p0 [hbm:s6], $0xF7A  }
0x23: {  	s9 =	sor.u32 $0xD0000000, s2;
	s6 =	simm.s32 $0x108;
	_ =	swait.ge @!p0 [sflag:s8], $0x0  }
0x24: {  	s3 =	sadd.s32 $0x88, s3;
	s6 =	simm.s32 @!p1 $0x1082;
	[sflag:s4] =	ssyncset.s32 $0xFFFFF086  }
0x25: {  	[simem:s6], [sflag:s4] =	dma.local [hbm:s3], $0xF7A  }
0x26: {  	[smem:$0x3F8D] =	sst s1;
	(tag) =	ssettag s2;
	_ =	strace s9  }
0x27: {  	s1 =	sld [smem:$0x3F9D]  }
0x28: {  	s2 =	sld [smem:$0x3F9E]  }
0x29: {  	s4 =	sld [smem:$0x3FA0]  }
0x2a: {  	p0 =	seq.s32 s5, $0x0;
	s5 =	sld [smem:$0x3FA1]  }
0x2b: {  	s6 =	sld [smem:$0x3FA2]  }
0x2c: {  	s7 =	sld [smem:$0x3FA3]  }
0x2d: {  	s3 =	simm.s32 $0x108;
	s8 =	sld [smem:$0x3FA4]  }
0x2e: {  	s3 =	simm.s32 @!p0 $0x1082;
	s9 =	sld [smem:$0x3FA5]  }
0x2f: {  	lr =	sadd.s32 s0, s3;
	s0 =	sld [smem:$0x3F9C]  }
0x30: {  	s3 =	sld [smem:$0x3F9F]  }
0x31: {  	[smem:$0x3FA8] =	sst s10  }
0x32: {  	s10 =	sld [smem:$0x3FA6];
	_ =	sdelay $0x3  }
0x33: {  	p0 =	seq.s32 s10, $0x1;
	s10 =	sld [smem:$0x3FA8];
	_ =	sdelay $0x3  }
0x34: {  	[smem:$0x3FA8] =	sst s10  }
0x35: {  	s10 =	sld [smem:$0x3FA7];
	_ =	sdelay $0x3  }
0x36: {  	p1 =	seq.s32 s10, $0x1;
	s10 =	sld [smem:$0x3FA8];
	_ =	sdelay $0x3  }
0x37: {  	[smem:$0x3FA8] =	sst s10  }
0x38: {  	s10 =	sld [smem:$0x3FA9]  }
0x39: {  	_ = 	snop;
	(pc) =	sbr.ind lr, $3  }
0x3a: {  	_ = 	snop  }
0x3b: {  	_ = 	snop  }
0x3c: {  	p2 =	seq.s32 s10, $0x1;
	s10 =	sld [smem:$0x3FA8]  }
0x3d: {  	_ =	shalt  }
0x3e: {  	_ =	shalt  }
0x3f: {  	_ =	shalt  }
0x40: {  	_ =	shalt  }
0x41: {  	_ =	shalt  }
0x42: {  	_ =	shalt  }
0x43: {  	_ =	shalt  }
0x44: {  	_ =	shalt  }
0x45: {  	_ =	shalt  }
0x46: {  	_ =	shalt  }
0x47: {  	_ =	shalt  }
0x48: {  	_ =	shalt  }
0x49: {  	_ =	shalt  }
0x4a: {  	_ =	shalt  }
0x4b: {  	_ =	shalt  }
0x4c: {  	_ =	shalt  }
0x4d: {  	_ =	shalt  }
0x4e: {  	_ =	shalt  }
0x4f: {  	_ =	shalt  }
0x50: {  	_ =	shalt  }
0x51: {  	_ =	shalt  }
0x52: {  	_ =	shalt  }
0x53: {  	_ =	shalt  }
0x54: {  	_ =	shalt  }
0x55: {  	_ =	shalt  }
0x56: {  	_ =	shalt  }
0x57: {  	_ =	shalt  }
0x58: {  	_ =	shalt  }
0x59: {  	_ =	shalt  }
0x5a: {  	_ =	shalt  }
0x5b: {  	_ =	shalt  }
0x5c: {  	_ =	shalt  }
0x5d: {  	_ =	shalt  }
0x5e: {  	_ =	shalt  }
0x5f: {  	_ =	shalt  }
0x60: {  	_ =	shalt  }
0x61: {  	_ =	shalt  }
0x62: {  	_ =	shalt  }
0x63: {  	_ =	shalt  }
0x64: {  	_ =	shalt  }
0x65: {  	_ =	shalt  }
0x66: {  	_ =	shalt  }
0x67: {  	_ =	shalt  }
0x68: {  	_ =	shalt  }
0x69: {  	_ =	shalt  }
0x6a: {  	_ =	shalt  }
0x6b: {  	_ =	shalt  }
0x6c: {  	_ =	shalt  }
0x6d: {  	_ =	shalt  }
0x6e: {  	_ =	shalt  }
0x6f: {  	_ =	shalt  }
0x70: {  	_ =	shalt  }
0x71: {  	_ =	shalt  }
0x72: {  	_ =	shalt  }
0x73: {  	_ =	shalt  }
0x74: {  	_ =	shalt  }
0x75: {  	_ =	shalt  }
0x76: {  	_ =	shalt  }
0x77: {  	_ =	shalt  }
0x78: {  	_ =	shalt  }
0x79: {  	_ =	shalt  }
0x7a: {  	_ =	shalt  }
0x7b: {  	_ =	shalt  }
0x7c: {  	_ =	shalt  }
0x7d: {  	_ =	shalt  }
0x7e: {  	_ =	shalt  }
0x7f: {  	_ =	shalt  }
0x80: {  	_ =	shalt  }
0x81: {  	_ =	shalt  }
0x82: {  	_ =	shalt  }
0x83: {  	_ =	shalt  }
0x84: {  	_ =	shalt  }
0x85: {  	_ =	shalt  }
0x86: {  	_ =	shalt  }
0x87: {  	_ =	shalt  }
.Lfunc_end0:
.L_simem_size_0:
called_computation.3_lowered:
.L_overlay_start_0:
0x88: {  	s2 =	sld [smem:$0x3FD9]  }
0x89: {  	s3 =	sld [smem:$0x3FFE];
	_ =	sdelay $0x1  }
0x8a: {  	s1 =	srdreg.scid  }
0x8b: {  	s0 =	sand.u32 $0x1, s1  }
0x8c: {  	s17 =	sshll.u32 s0, $0xA;
	s2 =	sadd.s32 s3, s2  }
0x8d: {  	s2 =	sadd.s32 s2, s17  }
0x8e: {  	[smem:$0x3FB4] =	sst s2  }
0x8f: {  	_ = 	snop  }
0x90: {  	s2 =	sld [smem:$0x3FD0];
	(tm) =	ssettm $0x1  }
0x91: {  	s18 =	sld [smem:$0x3FFB];
	_ =	sdelay $0x3  }
0x92: {  	_ =	strace s18  }
0x93: {  	s3 =	sld [smem:$0x3FFC];
	_ =	sdelay $0x3  }
0x94: {  	_ =	strace s3  }
0x95: {  	s3 =	sld [smem:$0x3FFD];
	_ =	sdelay $0x3  }
0x96: {  	_ =	strace s3  }
0x97: {  	_ =	strace $0x8FFFFFFF  }
0x98: {  	s19 =	sld [smem:$0x3FDB];
	_ =	sdelay $0x1  }
0x99: {  	s4 =	simm.s32 $_scs_section_size  }
0x9a: {  	s5 =	simm.s32 $_size__tile_overlayer_lowered;
	s6 =	simm.s32 $_tile_overlayer_lowered  }
0x9b: {  	s22 =	simm.s32 $0x1BFF;
	s21 =	sshll.u32 s6, $0x1;
	s3 =	sadd.s32 s4, s19  }
0x9c: {  	s7 =	simm.s32 $0x0;
	s20 =	sshll.u32 s5, $0x1;
	s5 =	sadd.s32 s21, s3  }
0x9d: {  	[timem:s7], [sflag:s22] =	dma.local [hbm:s5], s20  }
0x9e: {  	_ =	swait.ge [sflag:s22], s20  }
0x9f: {  	s4 =	ssub.s32 $0x0, s20;
	[sflag:s22] =	ssyncset.done $0x0  }
0xa0: {  	[sflag:s22] =	ssyncadd.s32 s4;
	_ =	sdelay $0x1  }
0xa1: {  	s23 =	simm.s32 $0x1B8B  }
0xa2: {  	_ =	swait.ge [sflag:s23], $0x1  }
0xa3: {  	[sflag:s23] =	ssyncset.done $0x0  }
0xa4: {  	s25 =	simm.s32 $0x1B8E;
	s24 =	sld [smem:$0x3FFE];
	[sflag:s23] =	ssyncadd.s32 $0xFFFFFFFF  }
0xa5: {  	s26 =	simm.s32 $execute0_lowered;
	[smem:$0x3FD2] =	sst s25  }
0xa6: {  	s5 =	sshll.u32 s26, $0x1;
	_ =	strace $0x8000004F;
	[dreg:$0x1] =	wrdreg $0xFFFFFFFF  }
0xa7: {  	s28 =	simm.s32 $_size_execute0_lowered;
	s3 =	sadd.s32 s3, s5;
	[dreg:$0x0] =	wrdreg $0x0  }
0xa8: {  	s5 =	sshll.u32 s28, $0x1;
	[dreg:$0x2] =	wrdreg s3  }
0xa9: {  	[dreg:$0x3] =	wrdreg s5  }
0xaa: {  	[dreg:$0x4] =	wrdreg $0xC0  }
0xab: {  	_ =	task [dreg:s7], $0x5FFFF  }
0xac: {  	[dreg:$0x1] =	wrdreg $0xFFFFFFFF  }
0xad: {  	[dreg:$0x0] =	wrdreg $0x60  }
0xae: {  	[dreg:$0x2] =	wrdreg s24  }
0xaf: {  	[dreg:$0x3] =	wrdreg s2  }
0xb0: {  	[dreg:$0x4] =	wrdreg $0x0  }
0xb1: {  	[dreg:$0x5] =	wrdreg $0x9  }
0xb2: {  	_ =	task.clear_ibuf [dreg:s7], $0x6FFFF;
	_ =	strace $0x9000004F  }
0xb3: {  	s29 =	simm.s32 $0x9;
	_ =	strace $0x80000051  }
0xb4: {  	_ =	swait.ge [sflag:s29], $0x1  }
0xb5: {  	[sflag:s29] =	ssyncadd.s32 $0xFFFFFFFF  }
0xb6: {  	_ =	strace $0x90000051  }
0xb7: {  	_ =	sfence  }
0xb8: {  	s30 =	sld [smem:$0x0];
	_ =	sdelay $0x2  }
0xb9: {  	s31 =	sshll.u32 s1, $0xD;
	s1 =	sshrl.u32 s1, $0x2  }
0xba: {  	s3 =	sand.u32 $0x4000, s31;
	s1 =	sadd.s32 s1, s30  }
0xbb: {  	s0 =	sor.u32 s3, s0;
	s1 =	sshll.u32 s1, $0x11  }
0xbc: {  	s0 =	sor.u32 s1, s0  }
0xbd: {  	s0 =	sadd.s32 $0x8F2B, s0  }
0xbe: {  	[sflag:s0] =	ssyncadd.remote.s32 $0x1  }
0xbf: {  	_ =	sfence.sel $0xFFFF  }
0xc0: {  	[dreg:$0x0] =	wrdreg $0xFFFFFFFF;
	(pc) =	sbr.abs _section_cstart, $3  }
0xc1: {  	[dreg:$0x1] =	wrdreg $0xFFFFFFFF  }
0xc2: {  	_ =	task.clear_ibuf [dreg:s7], $0x2FFFF;
	_ =	strace $0x9FFFFFFF  }
0xc3: {  	(tm) =	ssettm $0x7FFFFFFF  }
tec
execute0_lowered:
.L_overlay_start_1:
0x0: {  	(tag) =	ssettag $0x1  }
0x1: {  	s6 =	rddreg [dreg:$0x0]  }
0x2: {  	s7 =	rddreg [dreg:$0x1]  }
0x3: {  	s0 =	srdreg.scid;
	s2 =	rddreg [dreg:$0x2]  }
0x4: {  	s3 =	simm.s32 $0x0;
	s15 =	simm.s32 $0x50;
	s16 =	simm.s32 $0x18C00  }
0x5: {  	s17 =	simm.s32 $0x1;
	s18 =	simm.s32 $0x18B00;
	s19 =	simm.s32 $0x13C50  }
0x6: {  	s20 =	simm.s32 $0x1B400;
	s21 =	simm.s32 $0x2;
	s22 =	simm.s32 $0x18B80  }
0x7: {  	s23 =	simm.s32 $0x3;
	s24 =	simm.s32 $0x13CA0;
	s25 =	simm.s32 $0x4  }
0x8: {  	s26 =	simm.s32 $0x0;
	s5 =	sand.u32 $0x1, s0;
	s0 =	stileid.u32  }
0x9: {  	[smem:$0x7FF] =	sst s3;
	s4 =	sadd.s32 $0x10E00, s6;
	s9 =	smul.u32 $0x13C000, s5  }
0xa: {  	s1 =	sshll.u32 s5, $0x4;
	s10 =	smul.u32 $0x13C00, s0;
	s29 =	ssub.s32 $0x2, s5  }
0xb: {  	s13 =	smul.u32 $0x4F000, s0;
	s5 =	sadd.s32 $0xE600, s6;
	s1 =	sor.u32 s0, s1  }
0xc: {  	s31 =	sshll.u32 s0, $0x6;
	s12 =	sshrl.u32 s29, $0x1;
	s8 =	smul.u32 $0x4E2, s1  }
0xd: {  	s1 =	rddreg [dreg:$0x3];
	_ =	strace $0x80000050;
	s9 =	sadd.s32 s10, s9  }
0xe: {  	s10 =	ssub.s32 s29, s12;
	s30 =	sshrl.u32 s13, $0x2;
	s12 =	simm.s32 $0x16380  }
0xf: {  	s13 =	sor.u32 $0x1C05, s31;
	s9 =	sshrl.u32 s9, $0x3;
	s14 =	sadd.s32 s30, s2  }
0x10: {  	s11 =	sadd.s32 s8, s6;
	s9 =	sadd.s32 s9, s6;
	s6 =	sadd.s32 s7, s8  }
0x11: {  	s14 =	sshrl.u32 s14, $0x3;
	s7 =	sadd.s32 $0x4800, s11;
	s8 =	sadd.s32 $0x38600, s9  }
0x12: {  	s9 =	smax.u32 s10, $0x1;
	s10 =	simm.s32 $0x13C00;
	s11 =	simm.s32 $0x5  }
.LBB2_1:
0x13: {  	[tilespmem:s10], [sflag:$0x5] =	stream.linear.gather [hbm4b:s6+s3], $0x2710, $0x38;
	[tilespmem:$0x1DC00] =	vst v63  }
0x14: {  	_ =	swait.ge [sflag:s11], $0x2710  }
0x15: {  	[sflag:s11] =	ssyncset.done $0x0  }
0x16: {  	[sflag:s11] =	ssyncadd.s32 $0xFFFFD8F0  }
0x17: {  	[tilespmem:s12], [sflag:$0x5] =	stream.linear.gather [hbm4b:s7+s3], $0x2710, $0x38;
	[tilespmem:$0x1DC00] =	vst v63  }
0x18: {  	_ =	swait.ge [sflag:s11], $0x2710  }
0x19: {  	[sflag:s11] =	ssyncset.done $0x0  }
0x1a: {  	[sflag:s11] =	ssyncadd.s32 $0xFFFFD8F0  }
0x1b: {  	[spmem:s14], [sflag:s13] =	dma.local [hbm:s5], $0x2780  }
0x1c: {  	_ =	swait.ge [sflag:s11], $0x2780  }
0x1d: {  	[sflag:s11] =	ssyncset.done $0x0  }
0x1e: {  	[sflag:s11] =	ssyncadd.s32 $0xFFFFD880  }
0x1f: {  	[bflag:$0x0] =	sbarrier.arrive $0xFFFF  }
0x20: {  	v0 =	vld [tilespmem:$0x16380]  }
0x21: {  	v1 =	vld [tilespmem:$0x16390]  }
0x22: {  	v2 =	vld [tilespmem:$0x163A0]  }
0x23: {  	v3 =	vld [tilespmem:$0x163B0]  }
0x24: {  	v4 =	vld [tilespmem:$0x163C0]  }
0x25: {  	[tilespmem:$0x18B00] =	vst v0  }
0x26: {  	[tilespmem:$0x18B10] =	vst v1  }
0x27: {  	[tilespmem:$0x18B20] =	vst v2  }
0x28: {  	[tilespmem:$0x18B30] =	vst v3  }
0x29: {  	[tilespmem:$0x18B40] =	vst v4  }
0x2a: {  	[tilespmem:s16], [sflag:$0x1] =	stream.indirect.gather [hbm4b:s4+s15], $0x80, s10, s15, $0xb8;
	[tilespmem:$0x1DC00] =	vst v63  }
0x2b: {  	_ =	swait.ge [sflag:s17], $0x2800  }
0x2c: {  	[sflag:s17] =	ssyncset.done $0x0  }
0x2d: {  	[sflag:s17] =	ssyncadd.s32 $0xFFFFD800  }
0x2e: {  	[spmem:s2] =	stream.indirect.scatter.add.f32 [tilespmem:s16], [sflag:$0x3], $0x80, s18, s15, $0xb8;
	[tilespmem:$0x1DC00] =	vst v63  }
0x2f: {  	v52 =	vld [tilespmem:$0x163D0]  }
0x30: {  	v53 =	vld [tilespmem:$0x163E0]  }
0x31: {  	v54 =	vld [tilespmem:$0x163F0]  }
0x32: {  	v55 =	vld [tilespmem:$0x16400]  }
0x33: {  	v56 =	vld [tilespmem:$0x16410]  }
0x34: {  	[tilespmem:$0x18B80] =	vst v52  }
0x35: {  	[tilespmem:$0x18B90] =	vst v53  }
0x36: {  	[tilespmem:$0x18BA0] =	vst v54  }
0x37: {  	[tilespmem:$0x18BB0] =	vst v55  }
0x38: {  	[tilespmem:$0x18BC0] =	vst v56  }
0x39: {  	[tilespmem:s20], [sflag:$0x2] =	stream.indirect.gather [hbm4b:s4+s15], $0x80, s19, s15, $0xb8;
	[tilespmem:$0x1DC00] =	vst v63  }
0x3a: {  	_ =	swait.ge [sflag:s21], $0x2800  }
0x3b: {  	[sflag:s21] =	ssyncset.done $0x0  }
0x3c: {  	[sflag:s21] =	ssyncadd.s32 $0xFFFFD800  }
0x3d: {  	[spmem:s2] =	stream.indirect.scatter.add.f32 [tilespmem:s20], [sflag:$0x4], $0x80, s22, s15, $0xb8;
	[tilespmem:$0x1DC00] =	vst v63  }
0x3e: {  	_ =	swait.ge [sflag:s23], $0x2800  }
0x3f: {  	[sflag:s23] =	ssyncset.done $0x0  }
0x40: {  	[sflag:s23] =	ssyncadd.s32 $0xFFFFD800  }
0x41: {  	v57 =	vld [tilespmem:$0x16420]  }
0x42: {  	v58 =	vld [tilespmem:$0x16430]  }
0x43: {  	v59 =	vld [tilespmem:$0x16440]  }
0x44: {  	v60 =	vld [tilespmem:$0x16450]  }
0x45: {  	v61 =	vld [tilespmem:$0x16460]  }
0x46: {  	[tilespmem:$0x18B00] =	vst v57  }
0x47: {  	[tilespmem:$0x18B10] =	vst v58  }
0x48: {  	[tilespmem:$0x18B20] =	vst v59  }
0x49: {  	[tilespmem:$0x18B30] =	vst v60  }
0x4a: {  	[tilespmem:$0x18B40] =	vst v61  }
0x4b: {  	[tilespmem:s16], [sflag:$0x1] =	stream.indirect.gather [hbm4b:s4+s15], $0x80, s24, s15, $0xb8;
	[tilespmem:$0x1DC00] =	vst v63  }
0x4c: {  	_ =	swait.ge [sflag:s17], $0x2800  }
0x4d: {  	[sflag:s17] =	ssyncset.done $0x0  }
0x4e: {  	[sflag:s17] =	ssyncadd.s32 $0xFFFFD800  }
0x4f: {  	[spmem:s2] =	stream.indirect.scatter.add.f32 [tilespmem:s16], [sflag:$0x3], $0x80, s18, s15, $0xb8;
	[tilespmem:$0x1DC00] =	vst v63  }
0x50: {  	_ =	swait.ge [sflag:s25], $0x2800  }
0x51: {  	[sflag:s25] =	ssyncset.done $0x0  }
0x52: {  	s28 =	simm.s32 $0x0;
	[sflag:s25] =	ssyncadd.s32 $0xFFFFD800  }
0x53: {  	v62 =	vld [tilespmem:s28+$0x16470];
	_ =	sdelay $0x4  }
0x54: {  	[tilespmem:$0x18B80] =	vst v62  }
0x55: {  	v0 =	vld [tilespmem:s28+$0x16480];
	_ =	sdelay $0x4  }
0x56: {  	[tilespmem:$0x18B90] =	vst v0  }
0x57: {  	v0 =	vld [tilespmem:s28+$0x16490];
	_ =	sdelay $0x4  }
0x58: {  	[tilespmem:$0x18BA0] =	vst v0  }
0x59: {  	v0 =	vld [tilespmem:s28+$0x164A0];
	_ =	sdelay $0x4  }
0x5a: {  	[tilespmem:$0x18BB0] =	vst v0  }
0x5b: {  	v0 =	vld [tilespmem:s28+$0x164B0];
	_ =	sdelay $0x4  }
0x5c: {  	s29 =	simm.s32 $0x13CF0;
	[tilespmem:$0x18BC0] =	vst v0  }
0x5d: {  	[tilespmem:s20], [sflag:$0x2] =	stream.indirect.gather [hbm4b:s4+s15], $0x80, s29, s15, $0xb8;
	[tilespmem:$0x1DC00] =	vst v63  }
0x5e: {  	_ =	swait.ge [sflag:s21], $0x2800  }
0x5f: {  	[sflag:s21] =	ssyncset.done $0x0  }
0x60: {  	[sflag:s21] =	ssyncadd.s32 $0xFFFFD800  }
0x61: {  	[spmem:s2] =	stream.indirect.scatter.add.f32 [tilespmem:s20], [sflag:$0x4], $0x80, s22, s15, $0xb8;
	[tilespmem:$0x1DC00] =	vst v63  }
0x62: {  	_ =	swait.ge [sflag:s23], $0x2800  }
0x63: {  	[sflag:s23] =	ssyncset.done $0x0  }
0x64: {  	[sflag:s23] =	ssyncadd.s32 $0xFFFFD800  }
0x65: {  	v63 =	vld [tilespmem:s28+$0x164C0];
	_ =	sdelay $0x4  }
0x66: {  	[tilespmem:$0x18B00] =	vst v63  }
0x67: {  	v0 =	vld [tilespmem:s28+$0x164D0];
	_ =	sdelay $0x4  }
0x68: {  	[tilespmem:$0x18B10] =	vst v0  }
0x69: {  	v0 =	vld [tilespmem:s28+$0x164E0];
	_ =	sdelay $0x4  }
0x6a: {  	[tilespmem:$0x18B20] =	vst v0  }
0x6b: {  	v0 =	vld [tilespmem:s28+$0x164F0];
	_ =	sdelay $0x4  }
0x6c: {  	[tilespmem:$0x18B30] =	vst v0  }
0x6d: {  	v0 =	vld [tilespmem:s28+$0x16500];
	_ =	sdelay $0x4  }
0x6e: {  	s29 =	simm.s32 $0x13D40;
	s28 =	simm.s32 $0x280;
	[tilespmem:$0x18B40] =	vst v0  }
.LBB2_2:
0x6f: {  	[tilespmem:s16], [sflag:$0x1] =	stream.indirect.gather [hbm4b:s4+s15], $0x80, s29, s15, $0xb8;
	[tilespmem:$0x1DC00] =	vst v63  }
0x70: {  	s29 =	smov.u32 s28  }
0x71: {  	p0 =	sne.s32 s28, $0x9600;
	s28 =	sadd.s32 $0x280, s28;
	_ =	swait.ge [sflag:s17], $0x2800  }
0x72: {  	[sflag:s17] =	ssyncset.done $0x0  }
0x73: {  	[sflag:s17] =	ssyncadd.s32 $0xFFFFD800  }
0x74: {  	[spmem:s2] =	stream.indirect.scatter.add.f32 [tilespmem:s16], [sflag:$0x3], $0x80, s18, s15, $0xb8;
	[tilespmem:$0x1DC00] =	vst v63  }
0x75: {  	_ =	swait.ge [sflag:s25], $0x2800  }
0x76: {  	[sflag:s25] =	ssyncset.done $0x0  }
0x77: {  	s29 =	sshra.s32 s29, $0x2;
	[sflag:s25] =	ssyncadd.s32 $0xFFFFD800  }
0x78: {  	v0 =	vld [tilespmem:s29+$0x16470];
	_ =	sdelay $0x4  }
0x79: {  	[tilespmem:$0x18B80] =	vst v0  }
0x7a: {  	v0 =	vld [tilespmem:s29+$0x16480];
	_ =	sdelay $0x4  }
0x7b: {  	[tilespmem:$0x18B90] =	vst v0  }
0x7c: {  	v0 =	vld [tilespmem:s29+$0x16490];
	_ =	sdelay $0x4  }
0x7d: {  	[tilespmem:$0x18BA0] =	vst v0  }
0x7e: {  	v0 =	vld [tilespmem:s29+$0x164A0];
	_ =	sdelay $0x4  }
0x7f: {  	[tilespmem:$0x18BB0] =	vst v0  }
0x80: {  	v0 =	vld [tilespmem:s29+$0x164B0];
	_ =	sdelay $0x4  }
0x81: {  	s30 =	sadd.s32 $0x13CF0, s29;
	[tilespmem:$0x18BC0] =	vst v0  }
0x82: {  	[tilespmem:s20], [sflag:$0x2] =	stream.indirect.gather [hbm4b:s4+s15], $0x80, s30, s15, $0xb8;
	[tilespmem:$0x1DC00] =	vst v63  }
0x83: {  	_ =	swait.ge [sflag:s21], $0x2800  }
0x84: {  	[sflag:s21] =	ssyncset.done $0x0  }
0x85: {  	[sflag:s21] =	ssyncadd.s32 $0xFFFFD800  }
0x86: {  	[spmem:s2] =	stream.indirect.scatter.add.f32 [tilespmem:s20], [sflag:$0x4], $0x80, s22, s15, $0xb8;
	[tilespmem:$0x1DC00] =	vst v63  }
0x87: {  	_ =	swait.ge [sflag:s23], $0x2800  }
0x88: {  	[sflag:s23] =	ssyncset.done $0x0  }
0x89: {  	[sflag:s23] =	ssyncadd.s32 $0xFFFFD800  }
0x8a: {  	v0 =	vld [tilespmem:s29+$0x164C0];
	_ =	sdelay $0x4  }
0x8b: {  	[tilespmem:$0x18B00] =	vst v0  }
0x8c: {  	v0 =	vld [tilespmem:s29+$0x164D0];
	_ =	sdelay $0x4  }
0x8d: {  	[tilespmem:$0x18B10] =	vst v0  }
0x8e: {  	v0 =	vld [tilespmem:s29+$0x164E0];
	_ =	sdelay $0x4  }
0x8f: {  	[tilespmem:$0x18B20] =	vst v0  }
0x90: {  	v0 =	vld [tilespmem:s29+$0x164F0];
	_ =	sdelay $0x4  }
0x91: {  	[tilespmem:$0x18B30] =	vst v0  }
0x92: {  	v0 =	vld [tilespmem:s29+$0x16500]  }
.Ltmp0:
0x93: {  	(pc) =	sbr.rel @p0 .LBB2_2-.Ltmp0, $2  }
0x94: {  	_ =	sdelay $0x2  }
0x95: {  	s29 =	sadd.s32 $0x13D40, s29;
	[tilespmem:$0x18B40] =	vst v0  }
0x96: {  	[tilespmem:s16], [sflag:$0x1] =	stream.indirect.gather [hbm4b:s4+s15], $0x80, s29, s15, $0xb8;
	[tilespmem:$0x1DC00] =	vst v63  }
0x97: {  	_ =	swait.ge [sflag:s17], $0x2800  }
0x98: {  	[sflag:s17] =	ssyncset.done $0x0  }
0x99: {  	[sflag:s17] =	ssyncadd.s32 $0xFFFFD800  }
0x9a: {  	[spmem:s2] =	stream.indirect.scatter.add.f32 [tilespmem:s16], [sflag:$0x3], $0x80, s18, s15, $0xb8;
	[tilespmem:$0x1DC00] =	vst v63  }
0x9b: {  	_ =	swait.ge [sflag:s23], $0x2800  }
0x9c: {  	[sflag:s23] =	ssyncset.done $0x0  }
0x9d: {  	[sflag:s23] =	ssyncadd.s32 $0xFFFFD800  }
0x9e: {  	_ =	swait.ge [sflag:s25], $0x2800  }
0x9f: {  	s26 =	sadd.s32 $0x1, s26;
	[sflag:s25] =	ssyncset.done $0x0  }
0xa0: {  	p0 =	sne.s32 s26, s9;
	[sflag:s25] =	ssyncadd.s32 $0xFFFFD800  }
.Ltmp1:
0xa1: {  	[bflag:$0x0] =	sbarrier.arrive $0xFFFF;
	(pc) =	sbr.rel @p0 .LBB2_1-.Ltmp1, $4  }
0xa2: {  	[hbm:s8], [sflag:s13] =	dma.local [spmem:s14], $0x2780  }
0xa3: {  	_ =	swait.ge [sflag:s11], $0x2780  }
0xa4: {  	[sflag:s11] =	ssyncset.done $0x0  }
0xa5: {  	[sflag:s11] =	ssyncadd.s32 $0xFFFFD880  }
0xa6: {  	_ =	sfence.sel $0x180000  }
0xa7: {  	[bflag:$0x0] =	sbarrier.arrive $0xFFFF  }
0xa8: {  	p0 =	sne.s32 s0, $0x0;
	_ =	strace $0x90000050  }
0xa9: {  	s0 =	sadd.s32 @!p0 $0x100000, s1;
	[bflag:$0x2] =	sbarrier.arrive $0xFFFF  }
0xaa: {  	[sflag:s0] =	ssyncadd.tile.s32 @!p0 $0x1;
	_ =	shalt  }
.Lfunc_end2:
_tile_overlayer_lowered:
.L_overlay_start_2:
0xab: {  	(tag) =	ssettag $0x2  }
0xac: {  	s0 =	rddreg [dreg:$0x0];
	s2 =	stileid.u32  }
0xad: {  	s1 =	rddreg [dreg:$0x1];
	p0 =	sne.s32 s2, $0x0  }
0xae: {  	s3 =	rddreg [dreg:$0x2];
	[bflag:$0x3] =	sbarrier.arrive $0xFFFF;
	s2 =	simm.s32 @!p0 $0x1C05  }
0xaf: {  	[timem:s3], [sflag:s2] =	dma.local @!p0 [hbm:s0], s1  }
0xb0: {  	s0 =	simm.s32 @!p0 $0x5  }
0xb1: {  	_ =	swait.ge @!p0 [sflag:s0], s1  }
0xb2: {  	s1 =	ssub.s32 @!p0 $0x0, s1;
	[sflag:s0] =	ssyncset.done @!p0 $0x0  }
0xb3: {  	[sflag:s0] =	ssyncadd.s32 @!p0 s1  }
0xb4: {  	[bflag:$0x3] =	sbarrier.arrive $0xFFFF  }
0xb5: {  	_ =	shalt  }

// kernel: kernel.24.cloned.1.call-start
scs
__scs_entry_jumppad:
0x0: {  	(pc) =	sbr.rel $0x88, $3  }
0x1: {  	(tag) =	ssettag $0x0;
	lr =	simm.s32 $0x1  }
0x2: {  	[smem:$0x3F8D] =	sst lr;
	_ =	strace $0xD0000000  }
0x3: {  	_ = 	snop  }
0x4: {  	_ = 	snop  }
0x5: {  	_ = 	snop  }
0x6: {  	_ = 	snop  }
0x7: {  	_ = 	snop  }
__scs_overlays_trampoline_lowered:
0x8: {  	[smem:$0x3F9C] =	sst s0  }
0x9: {  	[smem:$0x3F9D] =	sst s1  }
0xa: {  	[smem:$0x3F9E] =	sst s2  }
0xb: {  	[smem:$0x3F9F] =	sst s3  }
0xc: {  	[smem:$0x3FA0] =	sst s4  }
0xd: {  	[smem:$0x3FA1] =	sst s5  }
0xe: {  	[smem:$0x3FA2] =	sst s6  }
0xf: {  	[smem:$0x3FA3] =	sst s7  }
0x10: {  	[smem:$0x3FA4] =	sst s8  }
0x11: {  	[smem:$0x3FA5] =	sst s9;
	s0 =	simm.s32 @!p0 $0x0  }
0x12: {  	s1 =	sld [smem:$0x3F8B];
	s0 =	simm.s32 @p0 $0x1  }
0x13: {  	[smem:$0x3FA6] =	sst s0;
	s0 =	simm.s32 @!p1 $0x0  }
0x14: {  	s2 =	sld [smem:$0x3F8A];
	s0 =	simm.s32 @p1 $0x1  }
0x15: {  	[smem:$0x3FA7] =	sst s0;
	s0 =	simm.s32 @!p2 $0x0  }
0x16: {  	s3 =	sld [smem:$0x3FDB];
	s0 =	simm.s32 @p2 $0x1  }
0x17: {  	s4 =	simm.s32 $0x1BF5;
	[smem:$0x3FA9] =	sst s0  }
0x18: {  	s0 =	sld [smem:$0x3F8C];
	_ =	swait.ge [sflag:s4], $0x0  }
0x19: {  	s7 =	sld [smem:$0x3F8D]  }
0x1a: {  	s8 =	sadd.s32 $0xFFFFE003, lr  }
0x1b: {  	s9 =	sadd.s32 $0xFFFFFEF7, lr;
	s5 =	simm.s32 $0xFFFFFFFF;
	p2 =	slt.u32 s8, $0xFFFFF086  }
0x1c: {  	p1 =	slt.u32 s9, $0xF7A;
	s5 =	simm.s32 @!p2 $0x0  }
0x1d: {  	s5 =	simm.s32 @p1 $0x1;
	p0 =	seq.s32 s7, s2  }
0x1e: {  	s7 =	smul.u32 @!p0 $0xF7A, s2;
	p2 =	seq.s32 @!p0 s5, $0x0  }
0x1f: {  	s9 =	smul.u32 $0xF7A, s1;
	s8 =	simm.s32 @!p0 $0x1BF5;
	p2 =	por !p2, p0  }
0x20: {  	[sflag:s8] =	ssyncset.s32 @!p0 $0xFFFFF086;
	s6 =	sadd.s32 @!p0 s3, s7;
	s7 =	simm.s32 @!p0 $0x108  }
0x21: {  	s3 =	sadd.s32 s3, s9;
	s6 =	sadd.s32 @!p0 $0x88, s6;
	s7 =	simm.s32 @p2 $0x1082  }
0x22: {  	[simem:s7], [sflag:s8] =	dma.local @!p0 [hbm:s6], $0xF7A  }
0x23: {  	s9 =	sor.u32 $0xD0000000, s2;
	s6 =	simm.s32 $0x108;
	_ =	swait.ge @!p0 [sflag:s8], $0x0  }
0x24: {  	s3 =	sadd.s32 $0x88, s3;
	s6 =	simm.s32 @!p1 $0x1082;
	[sflag:s4] =	ssyncset.s32 $0xFFFFF086  }
0x25: {  	[simem:s6], [sflag:s4] =	dma.local [hbm:s3], $0xF7A  }
0x26: {  	[smem:$0x3F8D] =	sst s1;
	(tag) =	ssettag s2;
	_ =	strace s9  }
0x27: {  	s1 =	sld [smem:$0x3F9D]  }
0x28: {  	s2 =	sld [smem:$0x3F9E]  }
0x29: {  	s4 =	sld [smem:$0x3FA0]  }
0x2a: {  	p0 =	seq.s32 s5, $0x0;
	s5 =	sld [smem:$0x3FA1]  }
0x2b: {  	s6 =	sld [smem:$0x3FA2]  }
0x2c: {  	s7 =	sld [smem:$0x3FA3]  }
0x2d: {  	s3 =	simm.s32 $0x108;
	s8 =	sld [smem:$0x3FA4]  }
0x2e: {  	s3 =	simm.s32 @!p0 $0x1082;
	s9 =	sld [smem:$0x3FA5]  }
0x2f: {  	lr =	sadd.s32 s0, s3;
	s0 =	sld [smem:$0x3F9C]  }
0x30: {  	s3 =	sld [smem:$0x3F9F]  }
0x31: {  	[smem:$0x3FA8] =	sst s10  }
0x32: {  	s10 =	sld [smem:$0x3FA6];
	_ =	sdelay $0x3  }
0x33: {  	p0 =	seq.s32 s10, $0x1;
	s10 =	sld [smem:$0x3FA8];
	_ =	sdelay $0x3  }
0x34: {  	[smem:$0x3FA8] =	sst s10  }
0x35: {  	s10 =	sld [smem:$0x3FA7];
	_ =	sdelay $0x3  }
0x36: {  	p1 =	seq.s32 s10, $0x1;
	s10 =	sld [smem:$0x3FA8];
	_ =	sdelay $0x3  }
0x37: {  	[smem:$0x3FA8] =	sst s10  }
0x38: {  	s10 =	sld [smem:$0x3FA9]  }
0x39: {  	_ = 	snop;
	(pc) =	sbr.ind lr, $3  }
0x3a: {  	_ = 	snop  }
0x3b: {  	_ = 	snop  }
0x3c: {  	p2 =	seq.s32 s10, $0x1;
	s10 =	sld [smem:$0x3FA8]  }
0x3d: {  	_ =	shalt  }
0x3e: {  	_ =	shalt  }
0x3f: {  	_ =	shalt  }
0x40: {  	_ =	shalt  }
0x41: {  	_ =	shalt  }
0x42: {  	_ =	shalt  }
0x43: {  	_ =	shalt  }
0x44: {  	_ =	shalt  }
0x45: {  	_ =	shalt  }
0x46: {  	_ =	shalt  }
0x47: {  	_ =	shalt  }
0x48: {  	_ =	shalt  }
0x49: {  	_ =	shalt  }
0x4a: {  	_ =	shalt  }
0x4b: {  	_ =	shalt  }
0x4c: {  	_ =	shalt  }
0x4d: {  	_ =	shalt  }
0x4e: {  	_ =	shalt  }
0x4f: {  	_ =	shalt  }
0x50: {  	_ =	shalt  }
0x51: {  	_ =	shalt  }
0x52: {  	_ =	shalt  }
0x53: {  	_ =	shalt  }
0x54: {  	_ =	shalt  }
0x55: {  	_ =	shalt  }
0x56: {  	_ =	shalt  }
0x57: {  	_ =	shalt  }
0x58: {  	_ =	shalt  }
0x59: {  	_ =	shalt  }
0x5a: {  	_ =	shalt  }
0x5b: {  	_ =	shalt  }
0x5c: {  	_ =	shalt  }
0x5d: {  	_ =	shalt  }
0x5e: {  	_ =	shalt  }
0x5f: {  	_ =	shalt  }
0x60: {  	_ =	shalt  }
0x61: {  	_ =	shalt  }
0x62: {  	_ =	shalt  }
0x63: {  	_ =	shalt  }
0x64: {  	_ =	shalt  }
0x65: {  	_ =	shalt  }
0x66: {  	_ =	shalt  }
0x67: {  	_ =	shalt  }
0x68: {  	_ =	shalt  }
0x69: {  	_ =	shalt  }
0x6a: {  	_ =	shalt  }
0x6b: {  	_ =	shalt  }
0x6c: {  	_ =	shalt  }
0x6d: {  	_ =	shalt  }
0x6e: {  	_ =	shalt  }
0x6f: {  	_ =	shalt  }
0x70: {  	_ =	shalt  }
0x71: {  	_ =	shalt  }
0x72: {  	_ =	shalt  }
0x73: {  	_ =	shalt  }
0x74: {  	_ =	shalt  }
0x75: {  	_ =	shalt  }
0x76: {  	_ =	shalt  }
0x77: {  	_ =	shalt  }
0x78: {  	_ =	shalt  }
0x79: {  	_ =	shalt  }
0x7a: {  	_ =	shalt  }
0x7b: {  	_ =	shalt  }
0x7c: {  	_ =	shalt  }
0x7d: {  	_ =	shalt  }
0x7e: {  	_ =	shalt  }
0x7f: {  	_ =	shalt  }
0x80: {  	_ =	shalt  }
0x81: {  	_ =	shalt  }
0x82: {  	_ =	shalt  }
0x83: {  	_ =	shalt  }
0x84: {  	_ =	shalt  }
0x85: {  	_ =	shalt  }
0x86: {  	_ =	shalt  }
0x87: {  	_ =	shalt  }
.Lfunc_end0:
.L_simem_size_0:
called_computation.4_lowered:
.L_overlay_start_0:
0x88: {  	s2 =	sld [smem:$0x3FD9]  }
0x89: {  	s3 =	sld [smem:$0x3FFE];
	_ =	sdelay $0x1  }
0x8a: {  	s1 =	srdreg.scid  }
0x8b: {  	s0 =	sand.u32 $0x1, s1  }
0x8c: {  	s17 =	sshll.u32 s0, $0xA;
	s2 =	sadd.s32 s3, s2  }
0x8d: {  	s2 =	sadd.s32 s2, s17  }
0x8e: {  	[smem:$0x3FB4] =	sst s2  }
0x8f: {  	_ = 	snop  }
0x90: {  	s2 =	sld [smem:$0x3FD0];
	(tm) =	ssettm $0x1  }
0x91: {  	s18 =	sld [smem:$0x3FFB];
	_ =	sdelay $0x3  }
0x92: {  	_ =	strace s18  }
0x93: {  	s3 =	sld [smem:$0x3FFC];
	_ =	sdelay $0x3  }
0x94: {  	_ =	strace s3  }
0x95: {  	s3 =	sld [smem:$0x3FFD];
	_ =	sdelay $0x3  }
0x96: {  	_ =	strace s3  }
0x97: {  	_ =	strace $0x8FFFFFFF  }
0x98: {  	s19 =	sld [smem:$0x3FDB];
	_ =	sdelay $0x1  }
0x99: {  	s4 =	simm.s32 $_scs_section_size  }
0x9a: {  	s5 =	simm.s32 $_size__tile_overlayer_lowered;
	s6 =	simm.s32 $_tile_overlayer_lowered  }
0x9b: {  	s22 =	simm.s32 $0x1BFF;
	s21 =	sshll.u32 s6, $0x1;
	s3 =	sadd.s32 s4, s19  }
0x9c: {  	s7 =	simm.s32 $0x0;
	s20 =	sshll.u32 s5, $0x1;
	s5 =	sadd.s32 s21, s3  }
0x9d: {  	[timem:s7], [sflag:s22] =	dma.local [hbm:s5], s20  }
0x9e: {  	_ =	swait.ge [sflag:s22], s20  }
0x9f: {  	s4 =	ssub.s32 $0x0, s20;
	[sflag:s22] =	ssyncset.done $0x0  }
0xa0: {  	[sflag:s22] =	ssyncadd.s32 s4;
	_ =	sdelay $0x1  }
0xa1: {  	s23 =	simm.s32 $0x1B8B  }
0xa2: {  	_ =	swait.ge [sflag:s23], $0x1  }
0xa3: {  	[sflag:s23] =	ssyncset.done $0x0  }
0xa4: {  	s25 =	simm.s32 $0x1B8E;
	s24 =	sld [smem:$0x3FFE];
	[sflag:s23] =	ssyncadd.s32 $0xFFFFFFFF  }
0xa5: {  	s26 =	simm.s32 $execute0_lowered;
	[smem:$0x3FD2] =	sst s25  }
0xa6: {  	s5 =	sshll.u32 s26, $0x1;
	_ =	strace $0x80000052;
	[dreg:$0x1] =	wrdreg $0xFFFFFFFF  }
0xa7: {  	s28 =	simm.s32 $_size_execute0_lowered;
	s3 =	sadd.s32 s3, s5;
	[dreg:$0x0] =	wrdreg $0x0  }
0xa8: {  	s5 =	sshll.u32 s28, $0x1;
	[dreg:$0x2] =	wrdreg s3  }
0xa9: {  	[dreg:$0x3] =	wrdreg s5  }
0xaa: {  	[dreg:$0x4] =	wrdreg $0xC0  }
0xab: {  	_ =	task [dreg:s7], $0x5FFFF  }
0xac: {  	[dreg:$0x1] =	wrdreg $0xFFFFFFFF  }
0xad: {  	[dreg:$0x0] =	wrdreg $0x60  }
0xae: {  	[dreg:$0x2] =	wrdreg s24  }
0xaf: {  	[dreg:$0x3] =	wrdreg s2  }
0xb0: {  	[dreg:$0x4] =	wrdreg $0x0  }
0xb1: {  	[dreg:$0x5] =	wrdreg $0x9  }
0xb2: {  	_ =	task.clear_ibuf [dreg:s7], $0x6FFFF;
	_ =	strace $0x90000052  }
0xb3: {  	s29 =	simm.s32 $0x9;
	_ =	strace $0x80000054  }
0xb4: {  	_ =	swait.ge [sflag:s29], $0x1  }
0xb5: {  	[sflag:s29] =	ssyncadd.s32 $0xFFFFFFFF  }
0xb6: {  	_ =	strace $0x90000054  }
0xb7: {  	_ =	sfence  }
0xb8: {  	s30 =	sld [smem:$0x0];
	_ =	sdelay $0x2  }
0xb9: {  	s31 =	sshll.u32 s1, $0xD;
	s1 =	sshrl.u32 s1, $0x2  }
0xba: {  	s3 =	sand.u32 $0x4000, s31;
	s1 =	sadd.s32 s1, s30  }
0xbb: {  	s0 =	sor.u32 s3, s0;
	s1 =	sshll.u32 s1, $0x11  }
0xbc: {  	s0 =	sor.u32 s1, s0  }
0xbd: {  	s0 =	sadd.s32 $0x8F2B, s0  }
0xbe: {  	[sflag:s0] =	ssyncadd.remote.s32 $0x1  }
0xbf: {  	_ =	sfence.sel $0xFFFF  }
0xc0: {  	[dreg:$0x0] =	wrdreg $0xFFFFFFFF;
	(pc) =	sbr.abs _section_cstart, $3  }
0xc1: {  	[dreg:$0x1] =	wrdreg $0xFFFFFFFF  }
0xc2: {  	_ =	task.clear_ibuf [dreg:s7], $0x2FFFF;
	_ =	strace $0x9FFFFFFF  }
0xc3: {  	(tm) =	ssettm $0x7FFFFFFF  }
tec
execute0_lowered:
.L_overlay_start_1:
0x0: {  	(tag) =	ssettag $0x1  }
0x1: {  	s6 =	rddreg [dreg:$0x0]  }
0x2: {  	s7 =	rddreg [dreg:$0x1]  }
0x3: {  	s0 =	srdreg.scid;
	s2 =	rddreg [dreg:$0x2]  }
0x4: {  	s3 =	simm.s32 $0x0;
	s15 =	simm.s32 $0x50;
	s16 =	simm.s32 $0x18C00  }
0x5: {  	s17 =	simm.s32 $0x1;
	s18 =	simm.s32 $0x18B00;
	s19 =	simm.s32 $0x13C50  }
0x6: {  	s20 =	simm.s32 $0x1B400;
	s21 =	simm.s32 $0x2;
	s22 =	simm.s32 $0x18B80  }
0x7: {  	s23 =	simm.s32 $0x3;
	s24 =	simm.s32 $0x13CA0;
	s25 =	simm.s32 $0x4  }
0x8: {  	s26 =	simm.s32 $0x0;
	s5 =	sand.u32 $0x1, s0;
	s0 =	stileid.u32  }
0x9: {  	[smem:$0x7FF] =	sst s3;
	s4 =	sadd.s32 $0x10E00, s6;
	s9 =	smul.u32 $0x13C000, s5  }
0xa: {  	s1 =	sshll.u32 s5, $0x4;
	s10 =	smul.u32 $0x13C00, s0;
	s29 =	ssub.s32 $0x2, s5  }
0xb: {  	s13 =	smul.u32 $0x4F000, s0;
	s5 =	sadd.s32 $0xE600, s6;
	s1 =	sor.u32 s0, s1  }
0xc: {  	s31 =	sshll.u32 s0, $0x6;
	s12 =	sshrl.u32 s29, $0x1;
	s8 =	smul.u32 $0x4E2, s1  }
0xd: {  	s1 =	rddreg [dreg:$0x3];
	_ =	strace $0x80000053;
	s9 =	sadd.s32 s10, s9  }
0xe: {  	s10 =	ssub.s32 s29, s12;
	s30 =	sshrl.u32 s13, $0x2;
	s12 =	simm.s32 $0x16380  }
0xf: {  	s13 =	sor.u32 $0x1C05, s31;
	s9 =	sshrl.u32 s9, $0x3;
	s14 =	sadd.s32 s30, s2  }
0x10: {  	s11 =	sadd.s32 s8, s6;
	s9 =	sadd.s32 s9, s6;
	s6 =	sadd.s32 s7, s8  }
0x11: {  	s14 =	sshrl.u32 s14, $0x3;
	s7 =	sadd.s32 $0x4800, s11;
	s8 =	sadd.s32 $0x38600, s9  }
0x12: {  	s9 =	smax.u32 s10, $0x1;
	s10 =	simm.s32 $0x13C00;
	s11 =	simm.s32 $0x5  }
.LBB2_1:
0x13: {  	[tilespmem:s10], [sflag:$0x5] =	stream.linear.gather [hbm4b:s6+s3], $0x2710, $0x38;
	[tilespmem:$0x1DC00] =	vst v63  }
0x14: {  	_ =	swait.ge [sflag:s11], $0x2710  }
0x15: {  	[sflag:s11] =	ssyncset.done $0x0  }
0x16: {  	[sflag:s11] =	ssyncadd.s32 $0xFFFFD8F0  }
0x17: {  	[tilespmem:s12], [sflag:$0x5] =	stream.linear.gather [hbm4b:s7+s3], $0x2710, $0x38;
	[tilespmem:$0x1DC00] =	vst v63  }
0x18: {  	_ =	swait.ge [sflag:s11], $0x2710  }
0x19: {  	[sflag:s11] =	ssyncset.done $0x0  }
0x1a: {  	[sflag:s11] =	ssyncadd.s32 $0xFFFFD8F0  }
0x1b: {  	[spmem:s14], [sflag:s13] =	dma.local [hbm:s5], $0x2780  }
0x1c: {  	_ =	swait.ge [sflag:s11], $0x2780  }
0x1d: {  	[sflag:s11] =	ssyncset.done $0x0  }
0x1e: {  	[sflag:s11] =	ssyncadd.s32 $0xFFFFD880  }
0x1f: {  	[bflag:$0x0] =	sbarrier.arrive $0xFFFF  }
0x20: {  	v0 =	vld [tilespmem:$0x16380]  }
0x21: {  	v1 =	vld [tilespmem:$0x16390]  }
0x22: {  	v2 =	vld [tilespmem:$0x163A0]  }
0x23: {  	v3 =	vld [tilespmem:$0x163B0]  }
0x24: {  	v4 =	vld [tilespmem:$0x163C0]  }
0x25: {  	[tilespmem:$0x18B00] =	vst v0  }
0x26: {  	[tilespmem:$0x18B10] =	vst v1  }
0x27: {  	[tilespmem:$0x18B20] =	vst v2  }
0x28: {  	[tilespmem:$0x18B30] =	vst v3  }
0x29: {  	[tilespmem:$0x18B40] =	vst v4  }
0x2a: {  	[tilespmem:s16], [sflag:$0x1] =	stream.indirect.gather [hbm4b:s4+s15], $0x80, s10, s15, $0xb8;
	[tilespmem:$0x1DC00] =	vst v63  }
0x2b: {  	_ =	swait.ge [sflag:s17], $0x2800  }
0x2c: {  	[sflag:s17] =	ssyncset.done $0x0  }
0x2d: {  	[sflag:s17] =	ssyncadd.s32 $0xFFFFD800  }
0x2e: {  	[spmem:s2] =	stream.indirect.scatter.add.f32 [tilespmem:s16], [sflag:$0x3], $0x80, s18, s15, $0xb8;
	[tilespmem:$0x1DC00] =	vst v63  }
0x2f: {  	v52 =	vld [tilespmem:$0x163D0]  }
0x30: {  	v53 =	vld [tilespmem:$0x163E0]  }
0x31: {  	v54 =	vld [tilespmem:$0x163F0]  }
0x32: {  	v55 =	vld [tilespmem:$0x16400]  }
0x33: {  	v56 =	vld [tilespmem:$0x16410]  }
0x34: {  	[tilespmem:$0x18B80] =	vst v52  }
0x35: {  	[tilespmem:$0x18B90] =	vst v53  }
0x36: {  	[tilespmem:$0x18BA0] =	vst v54  }
0x37: {  	[tilespmem:$0x18BB0] =	vst v55  }
0x38: {  	[tilespmem:$0x18BC0] =	vst v56  }
0x39: {  	[tilespmem:s20], [sflag:$0x2] =	stream.indirect.gather [hbm4b:s4+s15], $0x80, s19, s15, $0xb8;
	[tilespmem:$0x1DC00] =	vst v63  }
0x3a: {  	_ =	swait.ge [sflag:s21], $0x2800  }
0x3b: {  	[sflag:s21] =	ssyncset.done $0x0  }
0x3c: {  	[sflag:s21] =	ssyncadd.s32 $0xFFFFD800  }
0x3d: {  	[spmem:s2] =	stream.indirect.scatter.add.f32 [tilespmem:s20], [sflag:$0x4], $0x80, s22, s15, $0xb8;
	[tilespmem:$0x1DC00] =	vst v63  }
0x3e: {  	_ =	swait.ge [sflag:s23], $0x2800  }
0x3f: {  	[sflag:s23] =	ssyncset.done $0x0  }
0x40: {  	[sflag:s23] =	ssyncadd.s32 $0xFFFFD800  }
0x41: {  	v57 =	vld [tilespmem:$0x16420]  }
0x42: {  	v58 =	vld [tilespmem:$0x16430]  }
0x43: {  	v59 =	vld [tilespmem:$0x16440]  }
0x44: {  	v60 =	vld [tilespmem:$0x16450]  }
0x45: {  	v61 =	vld [tilespmem:$0x16460]  }
0x46: {  	[tilespmem:$0x18B00] =	vst v57  }
0x47: {  	[tilespmem:$0x18B10] =	vst v58  }
0x48: {  	[tilespmem:$0x18B20] =	vst v59  }
0x49: {  	[tilespmem:$0x18B30] =	vst v60  }
0x4a: {  	[tilespmem:$0x18B40] =	vst v61  }
0x4b: {  	[tilespmem:s16], [sflag:$0x1] =	stream.indirect.gather [hbm4b:s4+s15], $0x80, s24, s15, $0xb8;
	[tilespmem:$0x1DC00] =	vst v63  }
0x4c: {  	_ =	swait.ge [sflag:s17], $0x2800  }
0x4d: {  	[sflag:s17] =	ssyncset.done $0x0  }
0x4e: {  	[sflag:s17] =	ssyncadd.s32 $0xFFFFD800  }
0x4f: {  	[spmem:s2] =	stream.indirect.scatter.add.f32 [tilespmem:s16], [sflag:$0x3], $0x80, s18, s15, $0xb8;
	[tilespmem:$0x1DC00] =	vst v63  }
0x50: {  	_ =	swait.ge [sflag:s25], $0x2800  }
0x51: {  	[sflag:s25] =	ssyncset.done $0x0  }
0x52: {  	s28 =	simm.s32 $0x0;
	[sflag:s25] =	ssyncadd.s32 $0xFFFFD800  }
0x53: {  	v62 =	vld [tilespmem:s28+$0x16470];
	_ =	sdelay $0x4  }
0x54: {  	[tilespmem:$0x18B80] =	vst v62  }
0x55: {  	v0 =	vld [tilespmem:s28+$0x16480];
	_ =	sdelay $0x4  }
0x56: {  	[tilespmem:$0x18B90] =	vst v0  }
0x57: {  	v0 =	vld [tilespmem:s28+$0x16490];
	_ =	sdelay $0x4  }
0x58: {  	[tilespmem:$0x18BA0] =	vst v0  }
0x59: {  	v0 =	vld [tilespmem:s28+$0x164A0];
	_ =	sdelay $0x4  }
0x5a: {  	[tilespmem:$0x18BB0] =	vst v0  }
0x5b: {  	v0 =	vld [tilespmem:s28+$0x164B0];
	_ =	sdelay $0x4  }
0x5c: {  	s29 =	simm.s32 $0x13CF0;
	[tilespmem:$0x18BC0] =	vst v0  }
0x5d: {  	[tilespmem:s20], [sflag:$0x2] =	stream.indirect.gather [hbm4b:s4+s15], $0x80, s29, s15, $0xb8;
	[tilespmem:$0x1DC00] =	vst v63  }
0x5e: {  	_ =	swait.ge [sflag:s21], $0x2800  }
0x5f: {  	[sflag:s21] =	ssyncset.done $0x0  }
0x60: {  	[sflag:s21] =	ssyncadd.s32 $0xFFFFD800  }
0x61: {  	[spmem:s2] =	stream.indirect.scatter.add.f32 [tilespmem:s20], [sflag:$0x4], $0x80, s22, s15, $0xb8;
	[tilespmem:$0x1DC00] =	vst v63  }
0x62: {  	_ =	swait.ge [sflag:s23], $0x2800  }
0x63: {  	[sflag:s23] =	ssyncset.done $0x0  }
0x64: {  	[sflag:s23] =	ssyncadd.s32 $0xFFFFD800  }
0x65: {  	v63 =	vld [tilespmem:s28+$0x164C0];
	_ =	sdelay $0x4  }
0x66: {  	[tilespmem:$0x18B00] =	vst v63  }
0x67: {  	v0 =	vld [tilespmem:s28+$0x164D0];
	_ =	sdelay $0x4  }
0x68: {  	[tilespmem:$0x18B10] =	vst v0  }
0x69: {  	v0 =	vld [tilespmem:s28+$0x164E0];
	_ =	sdelay $0x4  }
0x6a: {  	[tilespmem:$0x18B20] =	vst v0  }
0x6b: {  	v0 =	vld [tilespmem:s28+$0x164F0];
	_ =	sdelay $0x4  }
0x6c: {  	[tilespmem:$0x18B30] =	vst v0  }
0x6d: {  	v0 =	vld [tilespmem:s28+$0x16500];
	_ =	sdelay $0x4  }
0x6e: {  	s29 =	simm.s32 $0x13D40;
	s28 =	simm.s32 $0x280;
	[tilespmem:$0x18B40] =	vst v0  }
.LBB2_2:
0x6f: {  	[tilespmem:s16], [sflag:$0x1] =	stream.indirect.gather [hbm4b:s4+s15], $0x80, s29, s15, $0xb8;
	[tilespmem:$0x1DC00] =	vst v63  }
0x70: {  	s29 =	smov.u32 s28  }
0x71: {  	p0 =	sne.s32 s28, $0x9600;
	s28 =	sadd.s32 $0x280, s28;
	_ =	swait.ge [sflag:s17], $0x2800  }
0x72: {  	[sflag:s17] =	ssyncset.done $0x0  }
0x73: {  	[sflag:s17] =	ssyncadd.s32 $0xFFFFD800  }
0x74: {  	[spmem:s2] =	stream.indirect.scatter.add.f32 [tilespmem:s16], [sflag:$0x3], $0x80, s18, s15, $0xb8;
	[tilespmem:$0x1DC00] =	vst v63  }
0x75: {  	_ =	swait.ge [sflag:s25], $0x2800  }
0x76: {  	[sflag:s25] =	ssyncset.done $0x0  }
0x77: {  	s29 =	sshra.s32 s29, $0x2;
	[sflag:s25] =	ssyncadd.s32 $0xFFFFD800  }
0x78: {  	v0 =	vld [tilespmem:s29+$0x16470];
	_ =	sdelay $0x4  }
0x79: {  	[tilespmem:$0x18B80] =	vst v0  }
0x7a: {  	v0 =	vld [tilespmem:s29+$0x16480];
	_ =	sdelay $0x4  }
0x7b: {  	[tilespmem:$0x18B90] =	vst v0  }
0x7c: {  	v0 =	vld [tilespmem:s29+$0x16490];
	_ =	sdelay $0x4  }
0x7d: {  	[tilespmem:$0x18BA0] =	vst v0  }
0x7e: {  	v0 =	vld [tilespmem:s29+$0x164A0];
	_ =	sdelay $0x4  }
0x7f: {  	[tilespmem:$0x18BB0] =	vst v0  }
0x80: {  	v0 =	vld [tilespmem:s29+$0x164B0];
	_ =	sdelay $0x4  }
0x81: {  	s30 =	sadd.s32 $0x13CF0, s29;
	[tilespmem:$0x18BC0] =	vst v0  }
0x82: {  	[tilespmem:s20], [sflag:$0x2] =	stream.indirect.gather [hbm4b:s4+s15], $0x80, s30, s15, $0xb8;
	[tilespmem:$0x1DC00] =	vst v63  }
0x83: {  	_ =	swait.ge [sflag:s21], $0x2800  }
0x84: {  	[sflag:s21] =	ssyncset.done $0x0  }
0x85: {  	[sflag:s21] =	ssyncadd.s32 $0xFFFFD800  }
0x86: {  	[spmem:s2] =	stream.indirect.scatter.add.f32 [tilespmem:s20], [sflag:$0x4], $0x80, s22, s15, $0xb8;
	[tilespmem:$0x1DC00] =	vst v63  }
0x87: {  	_ =	swait.ge [sflag:s23], $0x2800  }
0x88: {  	[sflag:s23] =	ssyncset.done $0x0  }
0x89: {  	[sflag:s23] =	ssyncadd.s32 $0xFFFFD800  }
0x8a: {  	v0 =	vld [tilespmem:s29+$0x164C0];
	_ =	sdelay $0x4  }
0x8b: {  	[tilespmem:$0x18B00] =	vst v0  }
0x8c: {  	v0 =	vld [tilespmem:s29+$0x164D0];
	_ =	sdelay $0x4  }
0x8d: {  	[tilespmem:$0x18B10] =	vst v0  }
0x8e: {  	v0 =	vld [tilespmem:s29+$0x164E0];
	_ =	sdelay $0x4  }
0x8f: {  	[tilespmem:$0x18B20] =	vst v0  }
0x90: {  	v0 =	vld [tilespmem:s29+$0x164F0];
	_ =	sdelay $0x4  }
0x91: {  	[tilespmem:$0x18B30] =	vst v0  }
0x92: {  	v0 =	vld [tilespmem:s29+$0x16500]  }
.Ltmp0:
0x93: {  	(pc) =	sbr.rel @p0 .LBB2_2-.Ltmp0, $2  }
0x94: {  	_ =	sdelay $0x2  }
0x95: {  	s29 =	sadd.s32 $0x13D40, s29;
	[tilespmem:$0x18B40] =	vst v0  }
0x96: {  	[tilespmem:s16], [sflag:$0x1] =	stream.indirect.gather [hbm4b:s4+s15], $0x80, s29, s15, $0xb8;
	[tilespmem:$0x1DC00] =	vst v63  }
0x97: {  	_ =	swait.ge [sflag:s17], $0x2800  }
0x98: {  	[sflag:s17] =	ssyncset.done $0x0  }
0x99: {  	[sflag:s17] =	ssyncadd.s32 $0xFFFFD800  }
0x9a: {  	[spmem:s2] =	stream.indirect.scatter.add.f32 [tilespmem:s16], [sflag:$0x3], $0x80, s18, s15, $0xb8;
	[tilespmem:$0x1DC00] =	vst v63  }
0x9b: {  	_ =	swait.ge [sflag:s23], $0x2800  }
0x9c: {  	[sflag:s23] =	ssyncset.done $0x0  }
0x9d: {  	[sflag:s23] =	ssyncadd.s32 $0xFFFFD800  }
0x9e: {  	_ =	swait.ge [sflag:s25], $0x2800  }
0x9f: {  	s26 =	sadd.s32 $0x1, s26;
	[sflag:s25] =	ssyncset.done $0x0  }
0xa0: {  	p0 =	sne.s32 s26, s9;
	[sflag:s25] =	ssyncadd.s32 $0xFFFFD800  }
.Ltmp1:
0xa1: {  	[bflag:$0x0] =	sbarrier.arrive $0xFFFF;
	(pc) =	sbr.rel @p0 .LBB2_1-.Ltmp1, $4  }
0xa2: {  	[hbm:s8], [sflag:s13] =	dma.local [spmem:s14], $0x2780  }
0xa3: {  	_ =	swait.ge [sflag:s11], $0x2780  }
0xa4: {  	[sflag:s11] =	ssyncset.done $0x0  }
0xa5: {  	[sflag:s11] =	ssyncadd.s32 $0xFFFFD880  }
0xa6: {  	_ =	sfence.sel $0x180000  }
0xa7: {  	[bflag:$0x0] =	sbarrier.arrive $0xFFFF  }
0xa8: {  	p0 =	sne.s32 s0, $0x0;
	_ =	strace $0x90000053  }
0xa9: {  	s0 =	sadd.s32 @!p0 $0x100000, s1;
	[bflag:$0x2] =	sbarrier.arrive $0xFFFF  }
0xaa: {  	[sflag:s0] =	ssyncadd.tile.s32 @!p0 $0x1;
	_ =	shalt  }
.Lfunc_end2:
_tile_overlayer_lowered:
.L_overlay_start_2:
0xab: {  	(tag) =	ssettag $0x2  }
0xac: {  	s0 =	rddreg [dreg:$0x0];
	s2 =	stileid.u32  }
0xad: {  	s1 =	rddreg [dreg:$0x1];
	p0 =	sne.s32 s2, $0x0  }
0xae: {  	s3 =	rddreg [dreg:$0x2];
	[bflag:$0x3] =	sbarrier.arrive $0xFFFF;
	s2 =	simm.s32 @!p0 $0x1C05  }
0xaf: {  	[timem:s3], [sflag:s2] =	dma.local @!p0 [hbm:s0], s1  }
0xb0: {  	s0 =	simm.s32 @!p0 $0x5  }
0xb1: {  	_ =	swait.ge @!p0 [sflag:s0], s1  }
0xb2: {  	s1 =	ssub.s32 @!p0 $0x0, s1;
	[sflag:s0] =	ssyncset.done @!p0 $0x0  }
0xb3: {  	[sflag:s0] =	ssyncadd.s32 @!p0 s1  }
0xb4: {  	[bflag:$0x3] =	sbarrier.arrive $0xFFFF  }
0xb5: {  	_ =	shalt  }

</sc_bundles>
